<compile_context>
chip_gen: v7x
topology: tpu7x:2x2x1
jax: 0.10.2.dev20260603
libtpu: 0.0.44.dev20260713+nightly
codegen_flags: <defaults>
</compile_context>

<pallas_src>
import functools

import jax
import jax.numpy as jnp
from jax import lax
from jax.experimental import pallas as pl
from jax.experimental.pallas import tpu as pltpu
from jax.experimental.pallas import tpu_sc as plsc

B = 4096
L = 200
E = 32
N = B * L

NC = 2
NS = 16
NW = NC * NS
PER_W = N // NW
G = 128
S = 512
GPS = S // G
NSTAGES = PER_W // S
NPAIRS = NSTAGES // 2

C0, C1, C2, C3, C4 = (0.9999590188675769, -4.932735512906164, 4.041964638154526,
                      -1.2873554659573256, 0.1782067264910494)
S0, S1, S2, S3 = (3.1392768843462933, -5.136388565767432, 2.434666512020243,
                  -0.43779898378705956)

_MESH = plsc.VectorSubcoreMesh(core_axis_name="c", subcore_axis_name="s")


@functools.partial(
    pl.kernel,
    out_type=jax.ShapeDtypeStruct((N, 2 * E), jnp.bfloat16),
    mesh=_MESH,
    compiler_params=pltpu.CompilerParams(needs_layout_passes=False,
                                         use_tc_tiling_on_sc=False),
    scratch_types=[
        pltpu.VMEM((PER_W // G, G), jnp.int32),
        pltpu.VMEM((PER_W + 16,), jnp.float32),
        pltpu.VMEM((S, E), jnp.float32),
        pltpu.VMEM((S, E), jnp.float32),
        pltpu.VMEM((S, 2 * E), jnp.bfloat16),
        pltpu.VMEM((S, 2 * E), jnp.bfloat16),
        pltpu.SemaphoreType.DMA,
        pltpu.SemaphoreType.DMA,
        pltpu.SemaphoreType.DMA,
        pltpu.SemaphoreType.DMA,
    ],
)
def _sc_encode(ids_hbm, maskf_hbm, table_hbm, out_hbm,
               idx_v, msk_v, rows0, rows1, out0, out1,
               gsem0, gsem1, osem0, osem1):
    wid = lax.axis_index("s") * NC + lax.axis_index("c")
    rows = (rows0, rows1)
    outs = (out0, out1)
    gsems = (gsem0, gsem1)
    osems = (osem0, osem1)

    pltpu.sync_copy(ids_hbm.at[pl.ds(wid * (PER_W // G), PER_W // G)], idx_v)
    pltpu.sync_copy(maskf_hbm.at[pl.ds(wid * PER_W, PER_W)],
                    msk_v.at[pl.ds(0, PER_W)])

    def fire_gather(s, buf, sem):
        for g in range(GPS):
            pltpu.async_copy(table_hbm.at[idx_v.at[s * GPS + g]],
                             buf.at[pl.ds(g * G, G)], sem)

    def drain_gather(buf, sem):
        pltpu.make_async_copy(table_hbm.at[pl.ds(0, S)], buf, sem).wait()

    def fire_out(s, buf, sem):
        dst = out_hbm.at[pl.ds(wid * PER_W + s * S, S)]
        pltpu.async_copy(buf, dst, sem)

    def drain_out(buf, sem):
        pltpu.make_async_copy(buf, out_hbm.at[pl.ds(0, S)], sem).wait()

    def compute_stage(s, buf, obuf):
        def row_body(r, carry):
            m = msk_v[pl.ds(s * S + r, 16)][0]
            amp = jnp.full((16,), 1.0 - m, dtype=jnp.float32)
            for half in (0, 1):
                x = buf[r, pl.ds(16 * half, 16)]
                e = jnp.exp(x + x)
                t = 1.0 - 2.0 / (e + 1.0)
                z = t * t
                cv = C0 + z * (C1 + z * (C2 + z * (C3 + z * C4)))
                sv = t * (S0 + z * (S1 + z * (S2 + z * S3)))
                obuf[r, pl.ds(32 * half, 32)] = plsc.pack(
                    cv * amp, sv * amp, format=plsc.PackFormat.INTERLEAVED)
            return carry
        lax.fori_loop(0, S, row_body, 0)

    fire_gather(0, rows[0], gsems[0])
    fire_gather(1, rows[1], gsems[1])

    for b in (0, 1):
        drain_gather(rows[b], gsems[b])
        compute_stage(b, rows[b], outs[b])
        fire_out(b, outs[b], osems[b])
        fire_gather(b + 2, rows[b], gsems[b])

    def pair_body(p, carry):
        for b in (0, 1):
            s = 2 * p + b
            drain_gather(rows[b], gsems[b])
            drain_out(outs[b], osems[b])
            compute_stage(s, rows[b], outs[b])
            fire_out(s, outs[b], osems[b])
            fire_gather(s + 2, rows[b], gsems[b])
        return carry
    lax.fori_loop(1, NPAIRS - 1, pair_body, 0)

    for b in (0, 1):
        s = 2 * (NPAIRS - 1) + b
        drain_gather(rows[b], gsems[b])
        drain_out(outs[b], osems[b])
        compute_stage(s, rows[b], outs[b])
        fire_out(s, outs[b], osems[b])

    drain_out(outs[0], osems[0])
    drain_out(outs[1], osems[1])


def kernel(input_ids, mask, table):
    ids2d = input_ids.reshape(N // G, G).astype(jnp.int32)
    maskf = mask.reshape(N).astype(jnp.float32)
    packed = _sc_encode(ids2d, maskf, table)
    o = packed.reshape(B, L, E, 2)
    return lax.complex(o[..., 0].astype(jnp.float32),
                       o[..., 1].astype(jnp.float32))

# --- scband reference (transcript-rebuilt; emitter-appended) ---
"""Pipeline reference for scband-text-encoder-8169027797664 (READ-ONLY COPY).

The authoritative reference and input builder live on the scoring server;
editing this copy changes nothing except your own understanding.
"""

import jax, jax.numpy as jnp
import numpy as np

VOCAB = 1000000
EMBED = 32
B = 4096
L = 200

def setup_inputs(seed: int = 0) -> dict:
    key = jax.random.key(seed)
    k1, k2, k3 = jax.random.split(key, 3)
    input_ids = jax.random.randint(k1, (B, L), 0, VOCAB, dtype=jnp.int64) if jax.config.jax_enable_x64 else jax.random.randint(k1, (B, L), 0, VOCAB, dtype=jnp.int32)
    mask = jax.random.randint(k2, (B, L), 0, 2) > 0
    table = jax.random.normal(k3, (VOCAB, EMBED), dtype=jnp.float32) * 0.02
    return {"input_ids": input_ids, "mask": mask, "table": table}

def reference(input_ids, mask, table):
    # nn.Embed lookup
    phase_emb = jnp.take(table, input_ids, axis=0)  # [B, L, E]
    phase = jnp.tanh(phase_emb) * jnp.pi
    amp = jnp.ones_like(phase)
    # mask is not None branch
    amp = jnp.where(mask[..., None], 0.0, 1.0)
    return amp * jnp.exp(1j * phase)

if __name__ == "__main__":
    import jax
    _d = setup_inputs()
    print(jax.jit(kernel)(*tuple(_d.values())))

</pallas_src>

<mosaic_0001>
#map = affine_map<(d0, d1) -> (0, 0)>
#map1 = affine_map<(d0, d1) -> (0)>
module attributes {stable_mosaic.version = 14 : i64} {
  func.func @_sc_encode(%arg0: i32, %arg1: i32, %arg2: memref<6400x128xi32, #tpu.memory_space<hbm>>, %arg3: memref<819200xf32, #tpu.memory_space<hbm>>, %arg4: memref<1000000x32xf32, #tpu.memory_space<hbm>>, %arg5: memref<819200x64xbf16, #tpu.memory_space<hbm>>, %arg6: memref<200x128xi32, #tpu.memory_space<vmem>>, %arg7: memref<25616xf32, #tpu.memory_space<vmem>>, %arg8: memref<512x32xf32, #tpu.memory_space<vmem>>, %arg9: memref<512x32xf32, #tpu.memory_space<vmem>>, %arg10: memref<512x64xbf16, #tpu.memory_space<vmem>>, %arg11: memref<512x64xbf16, #tpu.memory_space<vmem>>, %arg12: memref<!tpu.dma_semaphore, #tpu.memory_space<semaphore_mem>>, %arg13: memref<!tpu.dma_semaphore, #tpu.memory_space<semaphore_mem>>, %arg14: memref<!tpu.dma_semaphore, #tpu.memory_space<semaphore_mem>>, %arg15: memref<!tpu.dma_semaphore, #tpu.memory_space<semaphore_mem>>) attributes {dimension_semantics = [#tpu.dimension_semantics<core_parallel>, #tpu.dimension_semantics<subcore_parallel>], iteration_bounds = array<i64: 2, 16>, scalar_prefetch = 0 : i64, scratch_operands = 10 : i64, tpu.core_type = #tpu.core_type<sc_vector_subcore>, window_params = [{transform_indices = #map}, {transform_indices = #map1}, {transform_indices = #map}, {transform_indices = #map}]} {
    %mul3A = arith.constant 2 : i32
    %mul3A_0 = arith.muli %arg1, %mul3A : i32
    %add3A = arith.addi %mul3A_0, %arg0 : i32
    %mul3A_1 = arith.constant 200 : i32
    %mul3A_2 = arith.muli %add3A, %mul3A_1 : i32
    "tpu.region"() ({
      %run_scoped3A = tpu.sem_alloc : memref<!tpu.dma_semaphore, #tpu.memory_space<semaphore_mem>>
      %dma_start3A_272 = arith.constant 0 : i32
      %dma_start3A_273 = tpu.memref_slice %arg2[%mul3A_2, %dma_start3A_272] : memref<6400x128xi32, #tpu.memory_space<hbm>> -> memref<200x128xi32, #tpu.memory_space<hbm>>
      %dma_start3A_274 = arith.constant 0 : i32
      %dma_start3A_275 = tpu.memref_slice %arg2[%mul3A_2, %dma_start3A_274] : memref<6400x128xi32, #tpu.memory_space<hbm>> -> memref<200x128xi32, #tpu.memory_space<hbm>>
      tpu.enqueue_dma source(%dma_start3A_275 : memref<200x128xi32, #tpu.memory_space<hbm>>) target(%arg6 : memref<200x128xi32, #tpu.memory_space<vmem>>) target_semaphore(%run_scoped3A : memref<!tpu.dma_semaphore, #tpu.memory_space<semaphore_mem>>)
      %dma_wait3A_276 = arith.constant 0 : i32
      %dma_wait3A_277 = tpu.memref_slice %arg2[%mul3A_2, %dma_wait3A_276] : memref<6400x128xi32, #tpu.memory_space<hbm>> -> memref<200x128xi32, #tpu.memory_space<hbm>>
      %dma_wait3A_278 = arith.constant 0 : i32
      %dma_wait3A_279 = tpu.memref_slice %arg2[%mul3A_2, %dma_wait3A_278] : memref<6400x128xi32, #tpu.memory_space<hbm>> -> memref<200x128xi32, #tpu.memory_space<hbm>>
      tpu.wait_dma2 semaphore(%run_scoped3A : memref<!tpu.dma_semaphore, #tpu.memory_space<semaphore_mem>>) src(%dma_wait3A_279 : memref<200x128xi32, #tpu.memory_space<hbm>>) dst(%arg6 : memref<200x128xi32, #tpu.memory_space<vmem>>)
      tpu.yield
    }) : () -> ()
    %mul3A_3 = arith.constant 25600 : i32
    %mul3A_4 = arith.muli %add3A, %mul3A_3 : i32
    "tpu.region"() ({
      %run_scoped3A = tpu.sem_alloc : memref<!tpu.dma_semaphore, #tpu.memory_space<semaphore_mem>>
      %dma_start3A_272 = arith.constant 0 : i32
      %dma_start3A_273 = tpu.memref_slice %arg7[%dma_start3A_272] : memref<25616xf32, #tpu.memory_space<vmem>> -> memref<25600xf32, #tpu.memory_space<vmem>>
      %dma_start3A_274 = tpu.memref_slice %arg3[%mul3A_4] : memref<819200xf32, #tpu.memory_space<hbm>> -> memref<25600xf32, #tpu.memory_space<hbm>>
      %dma_start3A_275 = arith.constant 0 : i32
      %dma_start3A_276 = tpu.memref_slice %arg7[%dma_start3A_275] : memref<25616xf32, #tpu.memory_space<vmem>> -> memref<25600xf32, #tpu.memory_space<vmem>>
      %dma_start3A_277 = tpu.memref_slice %arg3[%mul3A_4] : memref<819200xf32, #tpu.memory_space<hbm>> -> memref<25600xf32, #tpu.memory_space<hbm>>
      tpu.enqueue_dma source(%dma_start3A_277 : memref<25600xf32, #tpu.memory_space<hbm>>) target(%dma_start3A_276 : memref<25600xf32, #tpu.memory_space<vmem>>) target_semaphore(%run_scoped3A : memref<!tpu.dma_semaphore, #tpu.memory_space<semaphore_mem>>)
      %dma_wait3A_278 = arith.constant 0 : i32
      %dma_wait3A_279 = tpu.memref_slice %arg7[%dma_wait3A_278] : memref<25616xf32, #tpu.memory_space<vmem>> -> memref<25600xf32, #tpu.memory_space<vmem>>
      %dma_wait3A_280 = tpu.memref_slice %arg3[%mul3A_4] : memref<819200xf32, #tpu.memory_space<hbm>> -> memref<25600xf32, #tpu.memory_space<hbm>>
      %dma_wait3A_281 = arith.constant 0 : i32
      %dma_wait3A_282 = tpu.memref_slice %arg7[%dma_wait3A_281] : memref<25616xf32, #tpu.memory_space<vmem>> -> memref<25600xf32, #tpu.memory_space<vmem>>
      %dma_wait3A_283 = tpu.memref_slice %arg3[%mul3A_4] : memref<819200xf32, #tpu.memory_space<hbm>> -> memref<25600xf32, #tpu.memory_space<hbm>>
      tpu.wait_dma2 semaphore(%run_scoped3A : memref<!tpu.dma_semaphore, #tpu.memory_space<semaphore_mem>>) src(%dma_wait3A_283 : memref<25600xf32, #tpu.memory_space<hbm>>) dst(%dma_wait3A_282 : memref<25600xf32, #tpu.memory_space<vmem>>)
      tpu.yield
    }) : () -> ()
    %dma_start3A = arith.constant 0 : i32
    %dma_start3A_5 = arith.constant 0 : i32
    %dma_start3A_6 = arith.constant 0 : i32
    %dma_start3A_7 = tpu.memref_slice %arg8[%dma_start3A_5, %dma_start3A_6] : memref<512x32xf32, #tpu.memory_space<vmem>> -> memref<128x32xf32, #tpu.memory_space<vmem>>
    %dma_start3A_8 = arith.constant 0 : i32
    %dma_start3A_9 = tpu.memref_slice %arg6[%dma_start3A, %dma_start3A_8] : memref<200x128xi32, #tpu.memory_space<vmem>> -> memref<1x128xi32, #tpu.memory_space<vmem>>
    %dma_start3A_10 = tpu.memref_squeeze %dma_start3A_9 : memref<1x128xi32, #tpu.memory_space<vmem>> -> memref<128xi32, #tpu.memory_space<vmem>>
    %dma_start3A_11 = arith.constant 0 : i32
    %dma_start3A_12 = arith.constant 0 : i32
    %dma_start3A_13 = tpu.memref_slice %arg4[%dma_start3A_11, %dma_start3A_12] : memref<1000000x32xf32, #tpu.memory_space<hbm>> -> memref<1000000x32xf32, #tpu.memory_space<hbm>>
    tpu.enqueue_indirect_dma source(%dma_start3A_13 : memref<1000000x32xf32, #tpu.memory_space<hbm>>) target(%dma_start3A_7 : memref<128x32xf32, #tpu.memory_space<vmem>>) offsets(%dma_start3A_10 : memref<128xi32, #tpu.memory_space<vmem>>) semaphore(%arg12 : memref<!tpu.dma_semaphore, #tpu.memory_space<semaphore_mem>>)
    %dma_start3A_14 = arith.constant 1 : i32
    %dma_start3A_15 = arith.constant 128 : i32
    %dma_start3A_16 = arith.constant 0 : i32
    %dma_start3A_17 = tpu.memref_slice %arg8[%dma_start3A_15, %dma_start3A_16] : memref<512x32xf32, #tpu.memory_space<vmem>> -> memref<128x32xf32, #tpu.memory_space<vmem>>
    %dma_start3A_18 = arith.constant 0 : i32
    %dma_start3A_19 = tpu.memref_slice %arg6[%dma_start3A_14, %dma_start3A_18] : memref<200x128xi32, #tpu.memory_space<vmem>> -> memref<1x128xi32, #tpu.memory_space<vmem>>
    %dma_start3A_20 = tpu.memref_squeeze %dma_start3A_19 : memref<1x128xi32, #tpu.memory_space<vmem>> -> memref<128xi32, #tpu.memory_space<vmem>>
    %dma_start3A_21 = arith.constant 0 : i32
    %dma_start3A_22 = arith.constant 0 : i32
    %dma_start3A_23 = tpu.memref_slice %arg4[%dma_start3A_21, %dma_start3A_22] : memref<1000000x32xf32, #tpu.memory_space<hbm>> -> memref<1000000x32xf32, #tpu.memory_space<hbm>>
    tpu.enqueue_indirect_dma source(%dma_start3A_23 : memref<1000000x32xf32, #tpu.memory_space<hbm>>) target(%dma_start3A_17 : memref<128x32xf32, #tpu.memory_space<vmem>>) offsets(%dma_start3A_20 : memref<128xi32, #tpu.memory_space<vmem>>) semaphore(%arg12 : memref<!tpu.dma_semaphore, #tpu.memory_space<semaphore_mem>>)
    %dma_start3A_24 = arith.constant 2 : i32
    %dma_start3A_25 = arith.constant 256 : i32
    %dma_start3A_26 = arith.constant 0 : i32
    %dma_start3A_27 = tpu.memref_slice %arg8[%dma_start3A_25, %dma_start3A_26] : memref<512x32xf32, #tpu.memory_space<vmem>> -> memref<128x32xf32, #tpu.memory_space<vmem>>
    %dma_start3A_28 = arith.constant 0 : i32
    %dma_start3A_29 = tpu.memref_slice %arg6[%dma_start3A_24, %dma_start3A_28] : memref<200x128xi32, #tpu.memory_space<vmem>> -> memref<1x128xi32, #tpu.memory_space<vmem>>
    %dma_start3A_30 = tpu.memref_squeeze %dma_start3A_29 : memref<1x128xi32, #tpu.memory_space<vmem>> -> memref<128xi32, #tpu.memory_space<vmem>>
    %dma_start3A_31 = arith.constant 0 : i32
    %dma_start3A_32 = arith.constant 0 : i32
    %dma_start3A_33 = tpu.memref_slice %arg4[%dma_start3A_31, %dma_start3A_32] : memref<1000000x32xf32, #tpu.memory_space<hbm>> -> memref<1000000x32xf32, #tpu.memory_space<hbm>>
    tpu.enqueue_indirect_dma source(%dma_start3A_33 : memref<1000000x32xf32, #tpu.memory_space<hbm>>) target(%dma_start3A_27 : memref<128x32xf32, #tpu.memory_space<vmem>>) offsets(%dma_start3A_30 : memref<128xi32, #tpu.memory_space<vmem>>) semaphore(%arg12 : memref<!tpu.dma_semaphore, #tpu.memory_space<semaphore_mem>>)
    %dma_start3A_34 = arith.constant 3 : i32
    %dma_start3A_35 = arith.constant 384 : i32
    %dma_start3A_36 = arith.constant 0 : i32
    %dma_start3A_37 = tpu.memref_slice %arg8[%dma_start3A_35, %dma_start3A_36] : memref<512x32xf32, #tpu.memory_space<vmem>> -> memref<128x32xf32, #tpu.memory_space<vmem>>
    %dma_start3A_38 = arith.constant 0 : i32
    %dma_start3A_39 = tpu.memref_slice %arg6[%dma_start3A_34, %dma_start3A_38] : memref<200x128xi32, #tpu.memory_space<vmem>> -> memref<1x128xi32, #tpu.memory_space<vmem>>
    %dma_start3A_40 = tpu.memref_squeeze %dma_start3A_39 : memref<1x128xi32, #tpu.memory_space<vmem>> -> memref<128xi32, #tpu.memory_space<vmem>>
    %dma_start3A_41 = arith.constant 0 : i32
    %dma_start3A_42 = arith.constant 0 : i32
    %dma_start3A_43 = tpu.memref_slice %arg4[%dma_start3A_41, %dma_start3A_42] : memref<1000000x32xf32, #tpu.memory_space<hbm>> -> memref<1000000x32xf32, #tpu.memory_space<hbm>>
    tpu.enqueue_indirect_dma source(%dma_start3A_43 : memref<1000000x32xf32, #tpu.memory_space<hbm>>) target(%dma_start3A_37 : memref<128x32xf32, #tpu.memory_space<vmem>>) offsets(%dma_start3A_40 : memref<128xi32, #tpu.memory_space<vmem>>) semaphore(%arg12 : memref<!tpu.dma_semaphore, #tpu.memory_space<semaphore_mem>>)
    %dma_start3A_44 = arith.constant 4 : i32
    %dma_start3A_45 = arith.constant 0 : i32
    %dma_start3A_46 = arith.constant 0 : i32
    %dma_start3A_47 = tpu.memref_slice %arg9[%dma_start3A_45, %dma_start3A_46] : memref<512x32xf32, #tpu.memory_space<vmem>> -> memref<128x32xf32, #tpu.memory_space<vmem>>
    %dma_start3A_48 = arith.constant 0 : i32
    %dma_start3A_49 = tpu.memref_slice %arg6[%dma_start3A_44, %dma_start3A_48] : memref<200x128xi32, #tpu.memory_space<vmem>> -> memref<1x128xi32, #tpu.memory_space<vmem>>
    %dma_start3A_50 = tpu.memref_squeeze %dma_start3A_49 : memref<1x128xi32, #tpu.memory_space<vmem>> -> memref<128xi32, #tpu.memory_space<vmem>>
    %dma_start3A_51 = arith.constant 0 : i32
    %dma_start3A_52 = arith.constant 0 : i32
    %dma_start3A_53 = tpu.memref_slice %arg4[%dma_start3A_51, %dma_start3A_52] : memref<1000000x32xf32, #tpu.memory_space<hbm>> -> memref<1000000x32xf32, #tpu.memory_space<hbm>>
    tpu.enqueue_indirect_dma source(%dma_start3A_53 : memref<1000000x32xf32, #tpu.memory_space<hbm>>) target(%dma_start3A_47 : memref<128x32xf32, #tpu.memory_space<vmem>>) offsets(%dma_start3A_50 : memref<128xi32, #tpu.memory_space<vmem>>) semaphore(%arg13 : memref<!tpu.dma_semaphore, #tpu.memory_space<semaphore_mem>>)
    %dma_start3A_54 = arith.constant 5 : i32
    %dma_start3A_55 = arith.constant 128 : i32
    %dma_start3A_56 = arith.constant 0 : i32
    %dma_start3A_57 = tpu.memref_slice %arg9[%dma_start3A_55, %dma_start3A_56] : memref<512x32xf32, #tpu.memory_space<vmem>> -> memref<128x32xf32, #tpu.memory_space<vmem>>
    %dma_start3A_58 = arith.constant 0 : i32
    %dma_start3A_59 = tpu.memref_slice %arg6[%dma_start3A_54, %dma_start3A_58] : memref<200x128xi32, #tpu.memory_space<vmem>> -> memref<1x128xi32, #tpu.memory_space<vmem>>
    %dma_start3A_60 = tpu.memref_squeeze %dma_start3A_59 : memref<1x128xi32, #tpu.memory_space<vmem>> -> memref<128xi32, #tpu.memory_space<vmem>>
    %dma_start3A_61 = arith.constant 0 : i32
    %dma_start3A_62 = arith.constant 0 : i32
    %dma_start3A_63 = tpu.memref_slice %arg4[%dma_start3A_61, %dma_start3A_62] : memref<1000000x32xf32, #tpu.memory_space<hbm>> -> memref<1000000x32xf32, #tpu.memory_space<hbm>>
    tpu.enqueue_indirect_dma source(%dma_start3A_63 : memref<1000000x32xf32, #tpu.memory_space<hbm>>) target(%dma_start3A_57 : memref<128x32xf32, #tpu.memory_space<vmem>>) offsets(%dma_start3A_60 : memref<128xi32, #tpu.memory_space<vmem>>) semaphore(%arg13 : memref<!tpu.dma_semaphore, #tpu.memory_space<semaphore_mem>>)
    %dma_start3A_64 = arith.constant 6 : i32
    %dma_start3A_65 = arith.constant 256 : i32
    %dma_start3A_66 = arith.constant 0 : i32
    %dma_start3A_67 = tpu.memref_slice %arg9[%dma_start3A_65, %dma_start3A_66] : memref<512x32xf32, #tpu.memory_space<vmem>> -> memref<128x32xf32, #tpu.memory_space<vmem>>
    %dma_start3A_68 = arith.constant 0 : i32
    %dma_start3A_69 = tpu.memref_slice %arg6[%dma_start3A_64, %dma_start3A_68] : memref<200x128xi32, #tpu.memory_space<vmem>> -> memref<1x128xi32, #tpu.memory_space<vmem>>
    %dma_start3A_70 = tpu.memref_squeeze %dma_start3A_69 : memref<1x128xi32, #tpu.memory_space<vmem>> -> memref<128xi32, #tpu.memory_space<vmem>>
    %dma_start3A_71 = arith.constant 0 : i32
    %dma_start3A_72 = arith.constant 0 : i32
    %dma_start3A_73 = tpu.memref_slice %arg4[%dma_start3A_71, %dma_start3A_72] : memref<1000000x32xf32, #tpu.memory_space<hbm>> -> memref<1000000x32xf32, #tpu.memory_space<hbm>>
    tpu.enqueue_indirect_dma source(%dma_start3A_73 : memref<1000000x32xf32, #tpu.memory_space<hbm>>) target(%dma_start3A_67 : memref<128x32xf32, #tpu.memory_space<vmem>>) offsets(%dma_start3A_70 : memref<128xi32, #tpu.memory_space<vmem>>) semaphore(%arg13 : memref<!tpu.dma_semaphore, #tpu.memory_space<semaphore_mem>>)
    %dma_start3A_74 = arith.constant 7 : i32
    %dma_start3A_75 = arith.constant 384 : i32
    %dma_start3A_76 = arith.constant 0 : i32
    %dma_start3A_77 = tpu.memref_slice %arg9[%dma_start3A_75, %dma_start3A_76] : memref<512x32xf32, #tpu.memory_space<vmem>> -> memref<128x32xf32, #tpu.memory_space<vmem>>
    %dma_start3A_78 = arith.constant 0 : i32
    %dma_start3A_79 = tpu.memref_slice %arg6[%dma_start3A_74, %dma_start3A_78] : memref<200x128xi32, #tpu.memory_space<vmem>> -> memref<1x128xi32, #tpu.memory_space<vmem>>
    %dma_start3A_80 = tpu.memref_squeeze %dma_start3A_79 : memref<1x128xi32, #tpu.memory_space<vmem>> -> memref<128xi32, #tpu.memory_space<vmem>>
    %dma_start3A_81 = arith.constant 0 : i32
    %dma_start3A_82 = arith.constant 0 : i32
    %dma_start3A_83 = tpu.memref_slice %arg4[%dma_start3A_81, %dma_start3A_82] : memref<1000000x32xf32, #tpu.memory_space<hbm>> -> memref<1000000x32xf32, #tpu.memory_space<hbm>>
    tpu.enqueue_indirect_dma source(%dma_start3A_83 : memref<1000000x32xf32, #tpu.memory_space<hbm>>) target(%dma_start3A_77 : memref<128x32xf32, #tpu.memory_space<vmem>>) offsets(%dma_start3A_80 : memref<128xi32, #tpu.memory_space<vmem>>) semaphore(%arg13 : memref<!tpu.dma_semaphore, #tpu.memory_space<semaphore_mem>>)
    %dma_wait3A = arith.constant 0 : i32
    %dma_wait3A_84 = arith.constant 0 : i32
    %dma_wait3A_85 = tpu.memref_slice %arg4[%dma_wait3A, %dma_wait3A_84] : memref<1000000x32xf32, #tpu.memory_space<hbm>> -> memref<512x32xf32, #tpu.memory_space<hbm>>
    %dma_wait3A_86 = arith.constant 0 : i32
    %dma_wait3A_87 = arith.constant 0 : i32
    %dma_wait3A_88 = tpu.memref_slice %arg4[%dma_wait3A_86, %dma_wait3A_87] : memref<1000000x32xf32, #tpu.memory_space<hbm>> -> memref<512x32xf32, #tpu.memory_space<hbm>>
    tpu.wait_dma2 semaphore(%arg12 : memref<!tpu.dma_semaphore, #tpu.memory_space<semaphore_mem>>) src(%dma_wait3A_88 : memref<512x32xf32, #tpu.memory_space<hbm>>) dst(%arg8 : memref<512x32xf32, #tpu.memory_space<vmem>>)
    %scan3A = arith.constant 0 : i32
    %scan3A_89 = arith.constant 0 : i32
    %scan3A_90 = arith.constant 512 : i32
    %scan3A_91 = arith.addi %scan3A_89, %scan3A_90 : i32
    %scan3A_92 = arith.constant 1 : i32
    scf.for %scan3A_272 = %scan3A_89 to %scan3A_91 step %scan3A_92  : i32 {
      %add3A_273 = arith.constant 0 : i32
      %add3A_274 = arith.addi %add3A_273, %scan3A_272 : i32
      %get3A = arith.index_cast %add3A_274 : i32 to index
      %get3A_275 = tpu.vector_load %arg7[%get3A] {strides = array<i32>} : memref<25616xf32, #tpu.memory_space<vmem>>, vector<16xf32>,
      %slice3A = vector.extract_strided_slice %get3A_275 {offsets = [0], sizes = [1], strides = [1]} : vector<16xf32> to vector<1xf32>
      %squeeze3A = vector.extract %slice3A[0] : f32 from vector<1xf32>
      %sub3A = arith.constant 1.000000e+00 : f32
      %sub3A_276 = arith.subf %sub3A, %squeeze3A : f32
      %broadcast_in_dim3A = vector.broadcast %sub3A_276 : f32 to vector<16xf32>
      %get3A_277 = arith.index_cast %scan3A_272 : i32 to index
      %get3A_278 = arith.constant 0 : index
      %get3A_279 = tpu.vector_load %arg8[%get3A_277, %get3A_278] {strides = array<i32>} : memref<512x32xf32, #tpu.memory_space<vmem>>, vector<16xf32>,
      %add3A_280 = arith.addf %get3A_279, %get3A_279 : vector<16xf32>
      %exp3A = math.exp %add3A_280 : vector<16xf32>
      %add3A_281 = arith.constant 1.000000e+00 : f32
      %add3A_282 = vector.broadcast %add3A_281 : f32 to vector<16xf32>
      %add3A_283 = arith.addf %exp3A, %add3A_282 : vector<16xf32>
      %div3A = arith.constant 2.000000e+00 : f32
      %div3A_284 = vector.broadcast %div3A : f32 to vector<16xf32>
      %div3A_285 = arith.divf %div3A_284, %add3A_283 : vector<16xf32>
      %sub3A_286 = arith.constant 1.000000e+00 : f32
      %sub3A_287 = vector.broadcast %sub3A_286 : f32 to vector<16xf32>
      %sub3A_288 = arith.subf %sub3A_287, %div3A_285 : vector<16xf32>
      %mul3A_289 = arith.mulf %sub3A_288, %sub3A_288 : vector<16xf32>
      %mul3A_290 = arith.constant 0.178206727 : f32
      %mul3A_291 = vector.broadcast %mul3A_290 : f32 to vector<16xf32>
      %mul3A_292 = arith.mulf %mul3A_289, %mul3A_291 : vector<16xf32>
      %add3A_293 = arith.constant -1.28735542 : f32
      %add3A_294 = vector.broadcast %add3A_293 : f32 to vector<16xf32>
      %add3A_295 = arith.addf %add3A_294, %mul3A_292 : vector<16xf32>
      %mul3A_296 = arith.mulf %mul3A_289, %add3A_295 : vector<16xf32>
      %add3A_297 = arith.constant 4.04196453 : f32
      %add3A_298 = vector.broadcast %add3A_297 : f32 to vector<16xf32>
      %add3A_299 = arith.addf %add3A_298, %mul3A_296 : vector<16xf32>
      %mul3A_300 = arith.mulf %mul3A_289, %add3A_299 : vector<16xf32>
      %add3A_301 = arith.constant -4.93273544 : f32
      %add3A_302 = vector.broadcast %add3A_301 : f32 to vector<16xf32>
      %add3A_303 = arith.addf %add3A_302, %mul3A_300 : vector<16xf32>
      %mul3A_304 = arith.mulf %mul3A_289, %add3A_303 : vector<16xf32>
      %add3A_305 = arith.constant 0.999958992 : f32
      %add3A_306 = vector.broadcast %add3A_305 : f32 to vector<16xf32>
      %add3A_307 = arith.addf %add3A_306, %mul3A_304 : vector<16xf32>
      %mul3A_308 = arith.constant -0.437798977 : f32
      %mul3A_309 = vector.broadcast %mul3A_308 : f32 to vector<16xf32>
      %mul3A_310 = arith.mulf %mul3A_289, %mul3A_309 : vector<16xf32>
      %add3A_311 = arith.constant 2.4346664 : f32
      %add3A_312 = vector.broadcast %add3A_311 : f32 to vector<16xf32>
      %add3A_313 = arith.addf %add3A_312, %mul3A_310 : vector<16xf32>
      %mul3A_314 = arith.mulf %mul3A_289, %add3A_313 : vector<16xf32>
      %add3A_315 = arith.constant -5.13638878 : f32
      %add3A_316 = vector.broadcast %add3A_315 : f32 to vector<16xf32>
      %add3A_317 = arith.addf %add3A_316, %mul3A_314 : vector<16xf32>
      %mul3A_318 = arith.mulf %mul3A_289, %add3A_317 : vector<16xf32>
      %add3A_319 = arith.constant 3.13927698 : f32
      %add3A_320 = vector.broadcast %add3A_319 : f32 to vector<16xf32>
      %add3A_321 = arith.addf %add3A_320, %mul3A_318 : vector<16xf32>
      %mul3A_322 = arith.mulf %sub3A_288, %add3A_321 : vector<16xf32>
      %mul3A_323 = arith.mulf %add3A_307, %broadcast_in_dim3A : vector<16xf32>
      %mul3A_324 = arith.mulf %mul3A_322, %broadcast_in_dim3A : vector<16xf32>
      %pack3A = tpu.pack_subelements %mul3A_323, %mul3A_324 {pack_format = #tpu.pack_format<interleaved>, positions = array<i32: 0, 1>} : vector<16xf32>, vector<16xf32> -> vector<32xbf16>
      %swap3A = arith.index_cast %scan3A_272 : i32 to index
      %swap3A_325 = arith.constant 0 : index
      %swap3A_326 = tpu.vector_load %arg10[%swap3A, %swap3A_325] {strides = array<i32>} : memref<512x64xbf16, #tpu.memory_space<vmem>>, vector<32xbf16>,
      tpu.vector_store %arg10[%swap3A, %swap3A_325], %pack3A {strides = array<i32>} : memref<512x64xbf16, #tpu.memory_space<vmem>>, vector<32xbf16>,
      %get3A_327 = arith.index_cast %scan3A_272 : i32 to index
      %get3A_328 = arith.constant 16 : index
      %get3A_329 = tpu.vector_load %arg8[%get3A_327, %get3A_328] {strides = array<i32>} : memref<512x32xf32, #tpu.memory_space<vmem>>, vector<16xf32>,
      %add3A_330 = arith.addf %get3A_329, %get3A_329 : vector<16xf32>
      %exp3A_331 = math.exp %add3A_330 : vector<16xf32>
      %add3A_332 = arith.constant 1.000000e+00 : f32
      %add3A_333 = vector.broadcast %add3A_332 : f32 to vector<16xf32>
      %add3A_334 = arith.addf %exp3A_331, %add3A_333 : vector<16xf32>
      %div3A_335 = arith.constant 2.000000e+00 : f32
      %div3A_336 = vector.broadcast %div3A_335 : f32 to vector<16xf32>
      %div3A_337 = arith.divf %div3A_336, %add3A_334 : vector<16xf32>
      %sub3A_338 = arith.constant 1.000000e+00 : f32
      %sub3A_339 = vector.broadcast %sub3A_338 : f32 to vector<16xf32>
      %sub3A_340 = arith.subf %sub3A_339, %div3A_337 : vector<16xf32>
      %mul3A_341 = arith.mulf %sub3A_340, %sub3A_340 : vector<16xf32>
      %mul3A_342 = arith.constant 0.178206727 : f32
      %mul3A_343 = vector.broadcast %mul3A_342 : f32 to vector<16xf32>
      %mul3A_344 = arith.mulf %mul3A_341, %mul3A_343 : vector<16xf32>
      %add3A_345 = arith.constant -1.28735542 : f32
      %add3A_346 = vector.broadcast %add3A_345 : f32 to vector<16xf32>
      %add3A_347 = arith.addf %add3A_346, %mul3A_344 : vector<16xf32>
      %mul3A_348 = arith.mulf %mul3A_341, %add3A_347 : vector<16xf32>
      %add3A_349 = arith.constant 4.04196453 : f32
      %add3A_350 = vector.broadcast %add3A_349 : f32 to vector<16xf32>
      %add3A_351 = arith.addf %add3A_350, %mul3A_348 : vector<16xf32>
      %mul3A_352 = arith.mulf %mul3A_341, %add3A_351 : vector<16xf32>
      %add3A_353 = arith.constant -4.93273544 : f32
      %add3A_354 = vector.broadcast %add3A_353 : f32 to vector<16xf32>
      %add3A_355 = arith.addf %add3A_354, %mul3A_352 : vector<16xf32>
      %mul3A_356 = arith.mulf %mul3A_341, %add3A_355 : vector<16xf32>
      %add3A_357 = arith.constant 0.999958992 : f32
      %add3A_358 = vector.broadcast %add3A_357 : f32 to vector<16xf32>
      %add3A_359 = arith.addf %add3A_358, %mul3A_356 : vector<16xf32>
      %mul3A_360 = arith.constant -0.437798977 : f32
      %mul3A_361 = vector.broadcast %mul3A_360 : f32 to vector<16xf32>
      %mul3A_362 = arith.mulf %mul3A_341, %mul3A_361 : vector<16xf32>
      %add3A_363 = arith.constant 2.4346664 : f32
      %add3A_364 = vector.broadcast %add3A_363 : f32 to vector<16xf32>
      %add3A_365 = arith.addf %add3A_364, %mul3A_362 : vector<16xf32>
      %mul3A_366 = arith.mulf %mul3A_341, %add3A_365 : vector<16xf32>
      %add3A_367 = arith.constant -5.13638878 : f32
      %add3A_368 = vector.broadcast %add3A_367 : f32 to vector<16xf32>
      %add3A_369 = arith.addf %add3A_368, %mul3A_366 : vector<16xf32>
      %mul3A_370 = arith.mulf %mul3A_341, %add3A_369 : vector<16xf32>
      %add3A_371 = arith.constant 3.13927698 : f32
      %add3A_372 = vector.broadcast %add3A_371 : f32 to vector<16xf32>
      %add3A_373 = arith.addf %add3A_372, %mul3A_370 : vector<16xf32>
      %mul3A_374 = arith.mulf %sub3A_340, %add3A_373 : vector<16xf32>
      %mul3A_375 = arith.mulf %add3A_359, %broadcast_in_dim3A : vector<16xf32>
      %mul3A_376 = arith.mulf %mul3A_374, %broadcast_in_dim3A : vector<16xf32>
      %pack3A_377 = tpu.pack_subelements %mul3A_375, %mul3A_376 {pack_format = #tpu.pack_format<interleaved>, positions = array<i32: 0, 1>} : vector<16xf32>, vector<16xf32> -> vector<32xbf16>
      %swap3A_378 = arith.index_cast %scan3A_272 : i32 to index
      %swap3A_379 = arith.constant 32 : index
      %swap3A_380 = tpu.vector_load %arg10[%swap3A_378, %swap3A_379] {strides = array<i32>} : memref<512x64xbf16, #tpu.memory_space<vmem>>, vector<32xbf16>,
      tpu.vector_store %arg10[%swap3A_378, %swap3A_379], %pack3A_377 {strides = array<i32>} : memref<512x64xbf16, #tpu.memory_space<vmem>>, vector<32xbf16>,
    }
    %scan3A_93 = arith.constant 512 : i32
    %mul3A_94 = arith.constant 25600 : i32
    %mul3A_95 = arith.muli %add3A, %mul3A_94 : i32
    %add3A_96 = arith.constant 0 : i32
    %add3A_97 = arith.addi %mul3A_95, %add3A_96 : i32
    %dma_start3A_98 = arith.constant 0 : i32
    %dma_start3A_99 = tpu.memref_slice %arg5[%add3A_97, %dma_start3A_98] : memref<819200x64xbf16, #tpu.memory_space<hbm>> -> memref<512x64xbf16, #tpu.memory_space<hbm>>
    %dma_start3A_100 = arith.constant 0 : i32
    %dma_start3A_101 = tpu.memref_slice %arg5[%add3A_97, %dma_start3A_100] : memref<819200x64xbf16, #tpu.memory_space<hbm>> -> memref<512x64xbf16, #tpu.memory_space<hbm>>
    tpu.enqueue_dma source(%arg10 : memref<512x64xbf16, #tpu.memory_space<vmem>>) target(%dma_start3A_101 : memref<512x64xbf16, #tpu.memory_space<hbm>>) target_semaphore(%arg14 : memref<!tpu.dma_semaphore, #tpu.memory_space<semaphore_mem>>)
    %dma_start3A_102 = arith.constant 8 : i32
    %dma_start3A_103 = arith.constant 0 : i32
    %dma_start3A_104 = arith.constant 0 : i32
    %dma_start3A_105 = tpu.memref_slice %arg8[%dma_start3A_103, %dma_start3A_104] : memref<512x32xf32, #tpu.memory_space<vmem>> -> memref<128x32xf32, #tpu.memory_space<vmem>>
    %dma_start3A_106 = arith.constant 0 : i32
    %dma_start3A_107 = tpu.memref_slice %arg6[%dma_start3A_102, %dma_start3A_106] : memref<200x128xi32, #tpu.memory_space<vmem>> -> memref<1x128xi32, #tpu.memory_space<vmem>>
    %dma_start3A_108 = tpu.memref_squeeze %dma_start3A_107 : memref<1x128xi32, #tpu.memory_space<vmem>> -> memref<128xi32, #tpu.memory_space<vmem>>
    %dma_start3A_109 = arith.constant 0 : i32
    %dma_start3A_110 = arith.constant 0 : i32
    %dma_start3A_111 = tpu.memref_slice %arg4[%dma_start3A_109, %dma_start3A_110] : memref<1000000x32xf32, #tpu.memory_space<hbm>> -> memref<1000000x32xf32, #tpu.memory_space<hbm>>
    tpu.enqueue_indirect_dma source(%dma_start3A_111 : memref<1000000x32xf32, #tpu.memory_space<hbm>>) target(%dma_start3A_105 : memref<128x32xf32, #tpu.memory_space<vmem>>) offsets(%dma_start3A_108 : memref<128xi32, #tpu.memory_space<vmem>>) semaphore(%arg12 : memref<!tpu.dma_semaphore, #tpu.memory_space<semaphore_mem>>)
    %dma_start3A_112 = arith.constant 9 : i32
    %dma_start3A_113 = arith.constant 128 : i32
    %dma_start3A_114 = arith.constant 0 : i32
    %dma_start3A_115 = tpu.memref_slice %arg8[%dma_start3A_113, %dma_start3A_114] : memref<512x32xf32, #tpu.memory_space<vmem>> -> memref<128x32xf32, #tpu.memory_space<vmem>>
    %dma_start3A_116 = arith.constant 0 : i32
    %dma_start3A_117 = tpu.memref_slice %arg6[%dma_start3A_112, %dma_start3A_116] : memref<200x128xi32, #tpu.memory_space<vmem>> -> memref<1x128xi32, #tpu.memory_space<vmem>>
    %dma_start3A_118 = tpu.memref_squeeze %dma_start3A_117 : memref<1x128xi32, #tpu.memory_space<vmem>> -> memref<128xi32, #tpu.memory_space<vmem>>
    %dma_start3A_119 = arith.constant 0 : i32
    %dma_start3A_120 = arith.constant 0 : i32
    %dma_start3A_121 = tpu.memref_slice %arg4[%dma_start3A_119, %dma_start3A_120] : memref<1000000x32xf32, #tpu.memory_space<hbm>> -> memref<1000000x32xf32, #tpu.memory_space<hbm>>
    tpu.enqueue_indirect_dma source(%dma_start3A_121 : memref<1000000x32xf32, #tpu.memory_space<hbm>>) target(%dma_start3A_115 : memref<128x32xf32, #tpu.memory_space<vmem>>) offsets(%dma_start3A_118 : memref<128xi32, #tpu.memory_space<vmem>>) semaphore(%arg12 : memref<!tpu.dma_semaphore, #tpu.memory_space<semaphore_mem>>)
    %dma_start3A_122 = arith.constant 10 : i32
    %dma_start3A_123 = arith.constant 256 : i32
    %dma_start3A_124 = arith.constant 0 : i32
    %dma_start3A_125 = tpu.memref_slice %arg8[%dma_start3A_123, %dma_start3A_124] : memref<512x32xf32, #tpu.memory_space<vmem>> -> memref<128x32xf32, #tpu.memory_space<vmem>>
    %dma_start3A_126 = arith.constant 0 : i32
    %dma_start3A_127 = tpu.memref_slice %arg6[%dma_start3A_122, %dma_start3A_126] : memref<200x128xi32, #tpu.memory_space<vmem>> -> memref<1x128xi32, #tpu.memory_space<vmem>>
    %dma_start3A_128 = tpu.memref_squeeze %dma_start3A_127 : memref<1x128xi32, #tpu.memory_space<vmem>> -> memref<128xi32, #tpu.memory_space<vmem>>
    %dma_start3A_129 = arith.constant 0 : i32
    %dma_start3A_130 = arith.constant 0 : i32
    %dma_start3A_131 = tpu.memref_slice %arg4[%dma_start3A_129, %dma_start3A_130] : memref<1000000x32xf32, #tpu.memory_space<hbm>> -> memref<1000000x32xf32, #tpu.memory_space<hbm>>
    tpu.enqueue_indirect_dma source(%dma_start3A_131 : memref<1000000x32xf32, #tpu.memory_space<hbm>>) target(%dma_start3A_125 : memref<128x32xf32, #tpu.memory_space<vmem>>) offsets(%dma_start3A_128 : memref<128xi32, #tpu.memory_space<vmem>>) semaphore(%arg12 : memref<!tpu.dma_semaphore, #tpu.memory_space<semaphore_mem>>)
    %dma_start3A_132 = arith.constant 11 : i32
    %dma_start3A_133 = arith.constant 384 : i32
    %dma_start3A_134 = arith.constant 0 : i32
    %dma_start3A_135 = tpu.memref_slice %arg8[%dma_start3A_133, %dma_start3A_134] : memref<512x32xf32, #tpu.memory_space<vmem>> -> memref<128x32xf32, #tpu.memory_space<vmem>>
    %dma_start3A_136 = arith.constant 0 : i32
    %dma_start3A_137 = tpu.memref_slice %arg6[%dma_start3A_132, %dma_start3A_136] : memref<200x128xi32, #tpu.memory_space<vmem>> -> memref<1x128xi32, #tpu.memory_space<vmem>>
    %dma_start3A_138 = tpu.memref_squeeze %dma_start3A_137 : memref<1x128xi32, #tpu.memory_space<vmem>> -> memref<128xi32, #tpu.memory_space<vmem>>
    %dma_start3A_139 = arith.constant 0 : i32
    %dma_start3A_140 = arith.constant 0 : i32
    %dma_start3A_141 = tpu.memref_slice %arg4[%dma_start3A_139, %dma_start3A_140] : memref<1000000x32xf32, #tpu.memory_space<hbm>> -> memref<1000000x32xf32, #tpu.memory_space<hbm>>
    tpu.enqueue_indirect_dma source(%dma_start3A_141 : memref<1000000x32xf32, #tpu.memory_space<hbm>>) target(%dma_start3A_135 : memref<128x32xf32, #tpu.memory_space<vmem>>) offsets(%dma_start3A_138 : memref<128xi32, #tpu.memory_space<vmem>>) semaphore(%arg12 : memref<!tpu.dma_semaphore, #tpu.memory_space<semaphore_mem>>)
    %dma_wait3A_142 = arith.constant 0 : i32
    %dma_wait3A_143 = arith.constant 0 : i32
    %dma_wait3A_144 = tpu.memref_slice %arg4[%dma_wait3A_142, %dma_wait3A_143] : memref<1000000x32xf32, #tpu.memory_space<hbm>> -> memref<512x32xf32, #tpu.memory_space<hbm>>
    %dma_wait3A_145 = arith.constant 0 : i32
    %dma_wait3A_146 = arith.constant 0 : i32
    %dma_wait3A_147 = tpu.memref_slice %arg4[%dma_wait3A_145, %dma_wait3A_146] : memref<1000000x32xf32, #tpu.memory_space<hbm>> -> memref<512x32xf32, #tpu.memory_space<hbm>>
    tpu.wait_dma2 semaphore(%arg13 : memref<!tpu.dma_semaphore, #tpu.memory_space<semaphore_mem>>) src(%dma_wait3A_147 : memref<512x32xf32, #tpu.memory_space<hbm>>) dst(%arg9 : memref<512x32xf32, #tpu.memory_space<vmem>>)
    %scan3A_148 = arith.constant 0 : i32
    %scan3A_149 = arith.constant 0 : i32
    %scan3A_150 = arith.constant 512 : i32
    %scan3A_151 = arith.addi %scan3A_149, %scan3A_150 : i32
    %scan3A_152 = arith.constant 1 : i32
    scf.for %scan3A_272 = %scan3A_149 to %scan3A_151 step %scan3A_152  : i32 {
      %add3A_273 = arith.constant 512 : i32
      %add3A_274 = arith.addi %add3A_273, %scan3A_272 : i32
      %get3A = arith.index_cast %add3A_274 : i32 to index
      %get3A_275 = tpu.vector_load %arg7[%get3A] {strides = array<i32>} : memref<25616xf32, #tpu.memory_space<vmem>>, vector<16xf32>,
      %slice3A = vector.extract_strided_slice %get3A_275 {offsets = [0], sizes = [1], strides = [1]} : vector<16xf32> to vector<1xf32>
      %squeeze3A = vector.extract %slice3A[0] : f32 from vector<1xf32>
      %sub3A = arith.constant 1.000000e+00 : f32
      %sub3A_276 = arith.subf %sub3A, %squeeze3A : f32
      %broadcast_in_dim3A = vector.broadcast %sub3A_276 : f32 to vector<16xf32>
      %get3A_277 = arith.index_cast %scan3A_272 : i32 to index
      %get3A_278 = arith.constant 0 : index
      %get3A_279 = tpu.vector_load %arg9[%get3A_277, %get3A_278] {strides = array<i32>} : memref<512x32xf32, #tpu.memory_space<vmem>>, vector<16xf32>,
      %add3A_280 = arith.addf %get3A_279, %get3A_279 : vector<16xf32>
      %exp3A = math.exp %add3A_280 : vector<16xf32>
      %add3A_281 = arith.constant 1.000000e+00 : f32
      %add3A_282 = vector.broadcast %add3A_281 : f32 to vector<16xf32>
      %add3A_283 = arith.addf %exp3A, %add3A_282 : vector<16xf32>
      %div3A = arith.constant 2.000000e+00 : f32
      %div3A_284 = vector.broadcast %div3A : f32 to vector<16xf32>
      %div3A_285 = arith.divf %div3A_284, %add3A_283 : vector<16xf32>
      %sub3A_286 = arith.constant 1.000000e+00 : f32
      %sub3A_287 = vector.broadcast %sub3A_286 : f32 to vector<16xf32>
      %sub3A_288 = arith.subf %sub3A_287, %div3A_285 : vector<16xf32>
      %mul3A_289 = arith.mulf %sub3A_288, %sub3A_288 : vector<16xf32>
      %mul3A_290 = arith.constant 0.178206727 : f32
      %mul3A_291 = vector.broadcast %mul3A_290 : f32 to vector<16xf32>
      %mul3A_292 = arith.mulf %mul3A_289, %mul3A_291 : vector<16xf32>
      %add3A_293 = arith.constant -1.28735542 : f32
      %add3A_294 = vector.broadcast %add3A_293 : f32 to vector<16xf32>
      %add3A_295 = arith.addf %add3A_294, %mul3A_292 : vector<16xf32>
      %mul3A_296 = arith.mulf %mul3A_289, %add3A_295 : vector<16xf32>
      %add3A_297 = arith.constant 4.04196453 : f32
      %add3A_298 = vector.broadcast %add3A_297 : f32 to vector<16xf32>
      %add3A_299 = arith.addf %add3A_298, %mul3A_296 : vector<16xf32>
      %mul3A_300 = arith.mulf %mul3A_289, %add3A_299 : vector<16xf32>
      %add3A_301 = arith.constant -4.93273544 : f32
      %add3A_302 = vector.broadcast %add3A_301 : f32 to vector<16xf32>
      %add3A_303 = arith.addf %add3A_302, %mul3A_300 : vector<16xf32>
      %mul3A_304 = arith.mulf %mul3A_289, %add3A_303 : vector<16xf32>
      %add3A_305 = arith.constant 0.999958992 : f32
      %add3A_306 = vector.broadcast %add3A_305 : f32 to vector<16xf32>
      %add3A_307 = arith.addf %add3A_306, %mul3A_304 : vector<16xf32>
      %mul3A_308 = arith.constant -0.437798977 : f32
      %mul3A_309 = vector.broadcast %mul3A_308 : f32 to vector<16xf32>
      %mul3A_310 = arith.mulf %mul3A_289, %mul3A_309 : vector<16xf32>
      %add3A_311 = arith.constant 2.4346664 : f32
      %add3A_312 = vector.broadcast %add3A_311 : f32 to vector<16xf32>
      %add3A_313 = arith.addf %add3A_312, %mul3A_310 : vector<16xf32>
      %mul3A_314 = arith.mulf %mul3A_289, %add3A_313 : vector<16xf32>
      %add3A_315 = arith.constant -5.13638878 : f32
      %add3A_316 = vector.broadcast %add3A_315 : f32 to vector<16xf32>
      %add3A_317 = arith.addf %add3A_316, %mul3A_314 : vector<16xf32>
      %mul3A_318 = arith.mulf %mul3A_289, %add3A_317 : vector<16xf32>
      %add3A_319 = arith.constant 3.13927698 : f32
      %add3A_320 = vector.broadcast %add3A_319 : f32 to vector<16xf32>
      %add3A_321 = arith.addf %add3A_320, %mul3A_318 : vector<16xf32>
      %mul3A_322 = arith.mulf %sub3A_288, %add3A_321 : vector<16xf32>
      %mul3A_323 = arith.mulf %add3A_307, %broadcast_in_dim3A : vector<16xf32>
      %mul3A_324 = arith.mulf %mul3A_322, %broadcast_in_dim3A : vector<16xf32>
      %pack3A = tpu.pack_subelements %mul3A_323, %mul3A_324 {pack_format = #tpu.pack_format<interleaved>, positions = array<i32: 0, 1>} : vector<16xf32>, vector<16xf32> -> vector<32xbf16>
      %swap3A = arith.index_cast %scan3A_272 : i32 to index
      %swap3A_325 = arith.constant 0 : index
      %swap3A_326 = tpu.vector_load %arg11[%swap3A, %swap3A_325] {strides = array<i32>} : memref<512x64xbf16, #tpu.memory_space<vmem>>, vector<32xbf16>,
      tpu.vector_store %arg11[%swap3A, %swap3A_325], %pack3A {strides = array<i32>} : memref<512x64xbf16, #tpu.memory_space<vmem>>, vector<32xbf16>,
      %get3A_327 = arith.index_cast %scan3A_272 : i32 to index
      %get3A_328 = arith.constant 16 : index
      %get3A_329 = tpu.vector_load %arg9[%get3A_327, %get3A_328] {strides = array<i32>} : memref<512x32xf32, #tpu.memory_space<vmem>>, vector<16xf32>,
      %add3A_330 = arith.addf %get3A_329, %get3A_329 : vector<16xf32>
      %exp3A_331 = math.exp %add3A_330 : vector<16xf32>
      %add3A_332 = arith.constant 1.000000e+00 : f32
      %add3A_333 = vector.broadcast %add3A_332 : f32 to vector<16xf32>
      %add3A_334 = arith.addf %exp3A_331, %add3A_333 : vector<16xf32>
      %div3A_335 = arith.constant 2.000000e+00 : f32
      %div3A_336 = vector.broadcast %div3A_335 : f32 to vector<16xf32>
      %div3A_337 = arith.divf %div3A_336, %add3A_334 : vector<16xf32>
      %sub3A_338 = arith.constant 1.000000e+00 : f32
      %sub3A_339 = vector.broadcast %sub3A_338 : f32 to vector<16xf32>
      %sub3A_340 = arith.subf %sub3A_339, %div3A_337 : vector<16xf32>
      %mul3A_341 = arith.mulf %sub3A_340, %sub3A_340 : vector<16xf32>
      %mul3A_342 = arith.constant 0.178206727 : f32
      %mul3A_343 = vector.broadcast %mul3A_342 : f32 to vector<16xf32>
      %mul3A_344 = arith.mulf %mul3A_341, %mul3A_343 : vector<16xf32>
      %add3A_345 = arith.constant -1.28735542 : f32
      %add3A_346 = vector.broadcast %add3A_345 : f32 to vector<16xf32>
      %add3A_347 = arith.addf %add3A_346, %mul3A_344 : vector<16xf32>
      %mul3A_348 = arith.mulf %mul3A_341, %add3A_347 : vector<16xf32>
      %add3A_349 = arith.constant 4.04196453 : f32
      %add3A_350 = vector.broadcast %add3A_349 : f32 to vector<16xf32>
      %add3A_351 = arith.addf %add3A_350, %mul3A_348 : vector<16xf32>
      %mul3A_352 = arith.mulf %mul3A_341, %add3A_351 : vector<16xf32>
      %add3A_353 = arith.constant -4.93273544 : f32
      %add3A_354 = vector.broadcast %add3A_353 : f32 to vector<16xf32>
      %add3A_355 = arith.addf %add3A_354, %mul3A_352 : vector<16xf32>
      %mul3A_356 = arith.mulf %mul3A_341, %add3A_355 : vector<16xf32>
      %add3A_357 = arith.constant 0.999958992 : f32
      %add3A_358 = vector.broadcast %add3A_357 : f32 to vector<16xf32>
      %add3A_359 = arith.addf %add3A_358, %mul3A_356 : vector<16xf32>
      %mul3A_360 = arith.constant -0.437798977 : f32
      %mul3A_361 = vector.broadcast %mul3A_360 : f32 to vector<16xf32>
      %mul3A_362 = arith.mulf %mul3A_341, %mul3A_361 : vector<16xf32>
      %add3A_363 = arith.constant 2.4346664 : f32
      %add3A_364 = vector.broadcast %add3A_363 : f32 to vector<16xf32>
      %add3A_365 = arith.addf %add3A_364, %mul3A_362 : vector<16xf32>
      %mul3A_366 = arith.mulf %mul3A_341, %add3A_365 : vector<16xf32>
      %add3A_367 = arith.constant -5.13638878 : f32
      %add3A_368 = vector.broadcast %add3A_367 : f32 to vector<16xf32>
      %add3A_369 = arith.addf %add3A_368, %mul3A_366 : vector<16xf32>
      %mul3A_370 = arith.mulf %mul3A_341, %add3A_369 : vector<16xf32>
      %add3A_371 = arith.constant 3.13927698 : f32
      %add3A_372 = vector.broadcast %add3A_371 : f32 to vector<16xf32>
      %add3A_373 = arith.addf %add3A_372, %mul3A_370 : vector<16xf32>
      %mul3A_374 = arith.mulf %sub3A_340, %add3A_373 : vector<16xf32>
      %mul3A_375 = arith.mulf %add3A_359, %broadcast_in_dim3A : vector<16xf32>
      %mul3A_376 = arith.mulf %mul3A_374, %broadcast_in_dim3A : vector<16xf32>
      %pack3A_377 = tpu.pack_subelements %mul3A_375, %mul3A_376 {pack_format = #tpu.pack_format<interleaved>, positions = array<i32: 0, 1>} : vector<16xf32>, vector<16xf32> -> vector<32xbf16>
      %swap3A_378 = arith.index_cast %scan3A_272 : i32 to index
      %swap3A_379 = arith.constant 32 : index
      %swap3A_380 = tpu.vector_load %arg11[%swap3A_378, %swap3A_379] {strides = array<i32>} : memref<512x64xbf16, #tpu.memory_space<vmem>>, vector<32xbf16>,
      tpu.vector_store %arg11[%swap3A_378, %swap3A_379], %pack3A_377 {strides = array<i32>} : memref<512x64xbf16, #tpu.memory_space<vmem>>, vector<32xbf16>,
    }
    %scan3A_153 = arith.constant 512 : i32
    %mul3A_154 = arith.constant 25600 : i32
    %mul3A_155 = arith.muli %add3A, %mul3A_154 : i32
    %add3A_156 = arith.constant 512 : i32
    %add3A_157 = arith.addi %mul3A_155, %add3A_156 : i32
    %dma_start3A_158 = arith.constant 0 : i32
    %dma_start3A_159 = tpu.memref_slice %arg5[%add3A_157, %dma_start3A_158] : memref<819200x64xbf16, #tpu.memory_space<hbm>> -> memref<512x64xbf16, #tpu.memory_space<hbm>>
    %dma_start3A_160 = arith.constant 0 : i32
    %dma_start3A_161 = tpu.memref_slice %arg5[%add3A_157, %dma_start3A_160] : memref<819200x64xbf16, #tpu.memory_space<hbm>> -> memref<512x64xbf16, #tpu.memory_space<hbm>>
    tpu.enqueue_dma source(%arg11 : memref<512x64xbf16, #tpu.memory_space<vmem>>) target(%dma_start3A_161 : memref<512x64xbf16, #tpu.memory_space<hbm>>) target_semaphore(%arg15 : memref<!tpu.dma_semaphore, #tpu.memory_space<semaphore_mem>>)
    %dma_start3A_162 = arith.constant 12 : i32
    %dma_start3A_163 = arith.constant 0 : i32
    %dma_start3A_164 = arith.constant 0 : i32
    %dma_start3A_165 = tpu.memref_slice %arg9[%dma_start3A_163, %dma_start3A_164] : memref<512x32xf32, #tpu.memory_space<vmem>> -> memref<128x32xf32, #tpu.memory_space<vmem>>
    %dma_start3A_166 = arith.constant 0 : i32
    %dma_start3A_167 = tpu.memref_slice %arg6[%dma_start3A_162, %dma_start3A_166] : memref<200x128xi32, #tpu.memory_space<vmem>> -> memref<1x128xi32, #tpu.memory_space<vmem>>
    %dma_start3A_168 = tpu.memref_squeeze %dma_start3A_167 : memref<1x128xi32, #tpu.memory_space<vmem>> -> memref<128xi32, #tpu.memory_space<vmem>>
    %dma_start3A_169 = arith.constant 0 : i32
    %dma_start3A_170 = arith.constant 0 : i32
    %dma_start3A_171 = tpu.memref_slice %arg4[%dma_start3A_169, %dma_start3A_170] : memref<1000000x32xf32, #tpu.memory_space<hbm>> -> memref<1000000x32xf32, #tpu.memory_space<hbm>>
    tpu.enqueue_indirect_dma source(%dma_start3A_171 : memref<1000000x32xf32, #tpu.memory_space<hbm>>) target(%dma_start3A_165 : memref<128x32xf32, #tpu.memory_space<vmem>>) offsets(%dma_start3A_168 : memref<128xi32, #tpu.memory_space<vmem>>) semaphore(%arg13 : memref<!tpu.dma_semaphore, #tpu.memory_space<semaphore_mem>>)
    %dma_start3A_172 = arith.constant 13 : i32
    %dma_start3A_173 = arith.constant 128 : i32
    %dma_start3A_174 = arith.constant 0 : i32
    %dma_start3A_175 = tpu.memref_slice %arg9[%dma_start3A_173, %dma_start3A_174] : memref<512x32xf32, #tpu.memory_space<vmem>> -> memref<128x32xf32, #tpu.memory_space<vmem>>
    %dma_start3A_176 = arith.constant 0 : i32
    %dma_start3A_177 = tpu.memref_slice %arg6[%dma_start3A_172, %dma_start3A_176] : memref<200x128xi32, #tpu.memory_space<vmem>> -> memref<1x128xi32, #tpu.memory_space<vmem>>
    %dma_start3A_178 = tpu.memref_squeeze %dma_start3A_177 : memref<1x128xi32, #tpu.memory_space<vmem>> -> memref<128xi32, #tpu.memory_space<vmem>>
    %dma_start3A_179 = arith.constant 0 : i32
    %dma_start3A_180 = arith.constant 0 : i32
    %dma_start3A_181 = tpu.memref_slice %arg4[%dma_start3A_179, %dma_start3A_180] : memref<1000000x32xf32, #tpu.memory_space<hbm>> -> memref<1000000x32xf32, #tpu.memory_space<hbm>>
    tpu.enqueue_indirect_dma source(%dma_start3A_181 : memref<1000000x32xf32, #tpu.memory_space<hbm>>) target(%dma_start3A_175 : memref<128x32xf32, #tpu.memory_space<vmem>>) offsets(%dma_start3A_178 : memref<128xi32, #tpu.memory_space<vmem>>) semaphore(%arg13 : memref<!tpu.dma_semaphore, #tpu.memory_space<semaphore_mem>>)
    %dma_start3A_182 = arith.constant 14 : i32
    %dma_start3A_183 = arith.constant 256 : i32
    %dma_start3A_184 = arith.constant 0 : i32
    %dma_start3A_185 = tpu.memref_slice %arg9[%dma_start3A_183, %dma_start3A_184] : memref<512x32xf32, #tpu.memory_space<vmem>> -> memref<128x32xf32, #tpu.memory_space<vmem>>
    %dma_start3A_186 = arith.constant 0 : i32
    %dma_start3A_187 = tpu.memref_slice %arg6[%dma_start3A_182, %dma_start3A_186] : memref<200x128xi32, #tpu.memory_space<vmem>> -> memref<1x128xi32, #tpu.memory_space<vmem>>
    %dma_start3A_188 = tpu.memref_squeeze %dma_start3A_187 : memref<1x128xi32, #tpu.memory_space<vmem>> -> memref<128xi32, #tpu.memory_space<vmem>>
    %dma_start3A_189 = arith.constant 0 : i32
    %dma_start3A_190 = arith.constant 0 : i32
    %dma_start3A_191 = tpu.memref_slice %arg4[%dma_start3A_189, %dma_start3A_190] : memref<1000000x32xf32, #tpu.memory_space<hbm>> -> memref<1000000x32xf32, #tpu.memory_space<hbm>>
    tpu.enqueue_indirect_dma source(%dma_start3A_191 : memref<1000000x32xf32, #tpu.memory_space<hbm>>) target(%dma_start3A_185 : memref<128x32xf32, #tpu.memory_space<vmem>>) offsets(%dma_start3A_188 : memref<128xi32, #tpu.memory_space<vmem>>) semaphore(%arg13 : memref<!tpu.dma_semaphore, #tpu.memory_space<semaphore_mem>>)
    %dma_start3A_192 = arith.constant 15 : i32
    %dma_start3A_193 = arith.constant 384 : i32
    %dma_start3A_194 = arith.constant 0 : i32
    %dma_start3A_195 = tpu.memref_slice %arg9[%dma_start3A_193, %dma_start3A_194] : memref<512x32xf32, #tpu.memory_space<vmem>> -> memref<128x32xf32, #tpu.memory_space<vmem>>
    %dma_start3A_196 = arith.constant 0 : i32
    %dma_start3A_197 = tpu.memref_slice %arg6[%dma_start3A_192, %dma_start3A_196] : memref<200x128xi32, #tpu.memory_space<vmem>> -> memref<1x128xi32, #tpu.memory_space<vmem>>
    %dma_start3A_198 = tpu.memref_squeeze %dma_start3A_197 : memref<1x128xi32, #tpu.memory_space<vmem>> -> memref<128xi32, #tpu.memory_space<vmem>>
    %dma_start3A_199 = arith.constant 0 : i32
    %dma_start3A_200 = arith.constant 0 : i32
    %dma_start3A_201 = tpu.memref_slice %arg4[%dma_start3A_199, %dma_start3A_200] : memref<1000000x32xf32, #tpu.memory_space<hbm>> -> memref<1000000x32xf32, #tpu.memory_space<hbm>>
    tpu.enqueue_indirect_dma source(%dma_start3A_201 : memref<1000000x32xf32, #tpu.memory_space<hbm>>) target(%dma_start3A_195 : memref<128x32xf32, #tpu.memory_space<vmem>>) offsets(%dma_start3A_198 : memref<128xi32, #tpu.memory_space<vmem>>) semaphore(%arg13 : memref<!tpu.dma_semaphore, #tpu.memory_space<semaphore_mem>>)
    %scan3A_202 = arith.constant 0 : i32
    %scan3A_203 = arith.constant 1 : i32
    %scan3A_204 = arith.constant 23 : i32
    %scan3A_205 = arith.addi %scan3A_203, %scan3A_204 : i32
    %scan3A_206 = arith.constant 1 : i32
    scf.for %scan3A_272 = %scan3A_203 to %scan3A_205 step %scan3A_206  : i32 {
      %mul3A_273 = arith.constant 2 : i32
      %mul3A_274 = arith.muli %mul3A_273, %scan3A_272 : i32
      %add3A_275 = arith.constant 0 : i32
      %add3A_276 = arith.addi %mul3A_274, %add3A_275 : i32
      %dma_wait3A_277 = arith.constant 0 : i32
      %dma_wait3A_278 = arith.constant 0 : i32
      %dma_wait3A_279 = tpu.memref_slice %arg4[%dma_wait3A_277, %dma_wait3A_278] : memref<1000000x32xf32, #tpu.memory_space<hbm>> -> memref<512x32xf32, #tpu.memory_space<hbm>>
      %dma_wait3A_280 = arith.constant 0 : i32
      %dma_wait3A_281 = arith.constant 0 : i32
      %dma_wait3A_282 = tpu.memref_slice %arg4[%dma_wait3A_280, %dma_wait3A_281] : memref<1000000x32xf32, #tpu.memory_space<hbm>> -> memref<512x32xf32, #tpu.memory_space<hbm>>
      tpu.wait_dma2 semaphore(%arg12 : memref<!tpu.dma_semaphore, #tpu.memory_space<semaphore_mem>>) src(%dma_wait3A_282 : memref<512x32xf32, #tpu.memory_space<hbm>>) dst(%arg8 : memref<512x32xf32, #tpu.memory_space<vmem>>)
      %dma_wait3A_283 = arith.constant 0 : i32
      %dma_wait3A_284 = arith.constant 0 : i32
      %dma_wait3A_285 = tpu.memref_slice %arg5[%dma_wait3A_283, %dma_wait3A_284] : memref<819200x64xbf16, #tpu.memory_space<hbm>> -> memref<512x64xbf16, #tpu.memory_space<hbm>>
      %dma_wait3A_286 = arith.constant 0 : i32
      %dma_wait3A_287 = arith.constant 0 : i32
      %dma_wait3A_288 = tpu.memref_slice %arg5[%dma_wait3A_286, %dma_wait3A_287] : memref<819200x64xbf16, #tpu.memory_space<hbm>> -> memref<512x64xbf16, #tpu.memory_space<hbm>>
      tpu.wait_dma2 semaphore(%arg14 : memref<!tpu.dma_semaphore, #tpu.memory_space<semaphore_mem>>) src(%arg10 : memref<512x64xbf16, #tpu.memory_space<vmem>>) dst(%dma_wait3A_288 : memref<512x64xbf16, #tpu.memory_space<hbm>>)
      %scan3A_289 = arith.constant 0 : i32
      %scan3A_290 = arith.constant 0 : i32
      %scan3A_291 = arith.constant 512 : i32
      %scan3A_292 = arith.addi %scan3A_290, %scan3A_291 : i32
      %scan3A_293 = arith.constant 1 : i32
      scf.for %scan3A_443 = %scan3A_290 to %scan3A_292 step %scan3A_293  : i32 {
        %mul3A_444 = arith.constant 512 : i32
        %mul3A_445 = arith.muli %add3A_276, %mul3A_444 : i32
        %add3A_446 = arith.addi %mul3A_445, %scan3A_443 : i32
        %get3A = arith.index_cast %add3A_446 : i32 to index
        %get3A_447 = tpu.vector_load %arg7[%get3A] {strides = array<i32>} : memref<25616xf32, #tpu.memory_space<vmem>>, vector<16xf32>,
        %slice3A = vector.extract_strided_slice %get3A_447 {offsets = [0], sizes = [1], strides = [1]} : vector<16xf32> to vector<1xf32>
        %squeeze3A = vector.extract %slice3A[0] : f32 from vector<1xf32>
        %sub3A = arith.constant 1.000000e+00 : f32
        %sub3A_448 = arith.subf %sub3A, %squeeze3A : f32
        %broadcast_in_dim3A = vector.broadcast %sub3A_448 : f32 to vector<16xf32>
        %get3A_449 = arith.index_cast %scan3A_443 : i32 to index
        %get3A_450 = arith.constant 0 : index
        %get3A_451 = tpu.vector_load %arg8[%get3A_449, %get3A_450] {strides = array<i32>} : memref<512x32xf32, #tpu.memory_space<vmem>>, vector<16xf32>,
        %add3A_452 = arith.addf %get3A_451, %get3A_451 : vector<16xf32>
        %exp3A = math.exp %add3A_452 : vector<16xf32>
        %add3A_453 = arith.constant 1.000000e+00 : f32
        %add3A_454 = vector.broadcast %add3A_453 : f32 to vector<16xf32>
        %add3A_455 = arith.addf %exp3A, %add3A_454 : vector<16xf32>
        %div3A = arith.constant 2.000000e+00 : f32
        %div3A_456 = vector.broadcast %div3A : f32 to vector<16xf32>
        %div3A_457 = arith.divf %div3A_456, %add3A_455 : vector<16xf32>
        %sub3A_458 = arith.constant 1.000000e+00 : f32
        %sub3A_459 = vector.broadcast %sub3A_458 : f32 to vector<16xf32>
        %sub3A_460 = arith.subf %sub3A_459, %div3A_457 : vector<16xf32>
        %mul3A_461 = arith.mulf %sub3A_460, %sub3A_460 : vector<16xf32>
        %mul3A_462 = arith.constant 0.178206727 : f32
        %mul3A_463 = vector.broadcast %mul3A_462 : f32 to vector<16xf32>
        %mul3A_464 = arith.mulf %mul3A_461, %mul3A_463 : vector<16xf32>
        %add3A_465 = arith.constant -1.28735542 : f32
        %add3A_466 = vector.broadcast %add3A_465 : f32 to vector<16xf32>
        %add3A_467 = arith.addf %add3A_466, %mul3A_464 : vector<16xf32>
        %mul3A_468 = arith.mulf %mul3A_461, %add3A_467 : vector<16xf32>
        %add3A_469 = arith.constant 4.04196453 : f32
        %add3A_470 = vector.broadcast %add3A_469 : f32 to vector<16xf32>
        %add3A_471 = arith.addf %add3A_470, %mul3A_468 : vector<16xf32>
        %mul3A_472 = arith.mulf %mul3A_461, %add3A_471 : vector<16xf32>
        %add3A_473 = arith.constant -4.93273544 : f32
        %add3A_474 = vector.broadcast %add3A_473 : f32 to vector<16xf32>
        %add3A_475 = arith.addf %add3A_474, %mul3A_472 : vector<16xf32>
        %mul3A_476 = arith.mulf %mul3A_461, %add3A_475 : vector<16xf32>
        %add3A_477 = arith.constant 0.999958992 : f32
        %add3A_478 = vector.broadcast %add3A_477 : f32 to vector<16xf32>
        %add3A_479 = arith.addf %add3A_478, %mul3A_476 : vector<16xf32>
        %mul3A_480 = arith.constant -0.437798977 : f32
        %mul3A_481 = vector.broadcast %mul3A_480 : f32 to vector<16xf32>
        %mul3A_482 = arith.mulf %mul3A_461, %mul3A_481 : vector<16xf32>
        %add3A_483 = arith.constant 2.4346664 : f32
        %add3A_484 = vector.broadcast %add3A_483 : f32 to vector<16xf32>
        %add3A_485 = arith.addf %add3A_484, %mul3A_482 : vector<16xf32>
        %mul3A_486 = arith.mulf %mul3A_461, %add3A_485 : vector<16xf32>
        %add3A_487 = arith.constant -5.13638878 : f32
        %add3A_488 = vector.broadcast %add3A_487 : f32 to vector<16xf32>
        %add3A_489 = arith.addf %add3A_488, %mul3A_486 : vector<16xf32>
        %mul3A_490 = arith.mulf %mul3A_461, %add3A_489 : vector<16xf32>
        %add3A_491 = arith.constant 3.13927698 : f32
        %add3A_492 = vector.broadcast %add3A_491 : f32 to vector<16xf32>
        %add3A_493 = arith.addf %add3A_492, %mul3A_490 : vector<16xf32>
        %mul3A_494 = arith.mulf %sub3A_460, %add3A_493 : vector<16xf32>
        %mul3A_495 = arith.mulf %add3A_479, %broadcast_in_dim3A : vector<16xf32>
        %mul3A_496 = arith.mulf %mul3A_494, %broadcast_in_dim3A : vector<16xf32>
        %pack3A = tpu.pack_subelements %mul3A_495, %mul3A_496 {pack_format = #tpu.pack_format<interleaved>, positions = array<i32: 0, 1>} : vector<16xf32>, vector<16xf32> -> vector<32xbf16>
        %swap3A = arith.index_cast %scan3A_443 : i32 to index
        %swap3A_497 = arith.constant 0 : index
        %swap3A_498 = tpu.vector_load %arg10[%swap3A, %swap3A_497] {strides = array<i32>} : memref<512x64xbf16, #tpu.memory_space<vmem>>, vector<32xbf16>,
        tpu.vector_store %arg10[%swap3A, %swap3A_497], %pack3A {strides = array<i32>} : memref<512x64xbf16, #tpu.memory_space<vmem>>, vector<32xbf16>,
        %get3A_499 = arith.index_cast %scan3A_443 : i32 to index
        %get3A_500 = arith.constant 16 : index
        %get3A_501 = tpu.vector_load %arg8[%get3A_499, %get3A_500] {strides = array<i32>} : memref<512x32xf32, #tpu.memory_space<vmem>>, vector<16xf32>,
        %add3A_502 = arith.addf %get3A_501, %get3A_501 : vector<16xf32>
        %exp3A_503 = math.exp %add3A_502 : vector<16xf32>
        %add3A_504 = arith.constant 1.000000e+00 : f32
        %add3A_505 = vector.broadcast %add3A_504 : f32 to vector<16xf32>
        %add3A_506 = arith.addf %exp3A_503, %add3A_505 : vector<16xf32>
        %div3A_507 = arith.constant 2.000000e+00 : f32
        %div3A_508 = vector.broadcast %div3A_507 : f32 to vector<16xf32>
        %div3A_509 = arith.divf %div3A_508, %add3A_506 : vector<16xf32>
        %sub3A_510 = arith.constant 1.000000e+00 : f32
        %sub3A_511 = vector.broadcast %sub3A_510 : f32 to vector<16xf32>
        %sub3A_512 = arith.subf %sub3A_511, %div3A_509 : vector<16xf32>
        %mul3A_513 = arith.mulf %sub3A_512, %sub3A_512 : vector<16xf32>
        %mul3A_514 = arith.constant 0.178206727 : f32
        %mul3A_515 = vector.broadcast %mul3A_514 : f32 to vector<16xf32>
        %mul3A_516 = arith.mulf %mul3A_513, %mul3A_515 : vector<16xf32>
        %add3A_517 = arith.constant -1.28735542 : f32
        %add3A_518 = vector.broadcast %add3A_517 : f32 to vector<16xf32>
        %add3A_519 = arith.addf %add3A_518, %mul3A_516 : vector<16xf32>
        %mul3A_520 = arith.mulf %mul3A_513, %add3A_519 : vector<16xf32>
        %add3A_521 = arith.constant 4.04196453 : f32
        %add3A_522 = vector.broadcast %add3A_521 : f32 to vector<16xf32>
        %add3A_523 = arith.addf %add3A_522, %mul3A_520 : vector<16xf32>
        %mul3A_524 = arith.mulf %mul3A_513, %add3A_523 : vector<16xf32>
        %add3A_525 = arith.constant -4.93273544 : f32
        %add3A_526 = vector.broadcast %add3A_525 : f32 to vector<16xf32>
        %add3A_527 = arith.addf %add3A_526, %mul3A_524 : vector<16xf32>
        %mul3A_528 = arith.mulf %mul3A_513, %add3A_527 : vector<16xf32>
        %add3A_529 = arith.constant 0.999958992 : f32
        %add3A_530 = vector.broadcast %add3A_529 : f32 to vector<16xf32>
        %add3A_531 = arith.addf %add3A_530, %mul3A_528 : vector<16xf32>
        %mul3A_532 = arith.constant -0.437798977 : f32
        %mul3A_533 = vector.broadcast %mul3A_532 : f32 to vector<16xf32>
        %mul3A_534 = arith.mulf %mul3A_513, %mul3A_533 : vector<16xf32>
        %add3A_535 = arith.constant 2.4346664 : f32
        %add3A_536 = vector.broadcast %add3A_535 : f32 to vector<16xf32>
        %add3A_537 = arith.addf %add3A_536, %mul3A_534 : vector<16xf32>
        %mul3A_538 = arith.mulf %mul3A_513, %add3A_537 : vector<16xf32>
        %add3A_539 = arith.constant -5.13638878 : f32
        %add3A_540 = vector.broadcast %add3A_539 : f32 to vector<16xf32>
        %add3A_541 = arith.addf %add3A_540, %mul3A_538 : vector<16xf32>
        %mul3A_542 = arith.mulf %mul3A_513, %add3A_541 : vector<16xf32>
        %add3A_543 = arith.constant 3.13927698 : f32
        %add3A_544 = vector.broadcast %add3A_543 : f32 to vector<16xf32>
        %add3A_545 = arith.addf %add3A_544, %mul3A_542 : vector<16xf32>
        %mul3A_546 = arith.mulf %sub3A_512, %add3A_545 : vector<16xf32>
        %mul3A_547 = arith.mulf %add3A_531, %broadcast_in_dim3A : vector<16xf32>
        %mul3A_548 = arith.mulf %mul3A_546, %broadcast_in_dim3A : vector<16xf32>
        %pack3A_549 = tpu.pack_subelements %mul3A_547, %mul3A_548 {pack_format = #tpu.pack_format<interleaved>, positions = array<i32: 0, 1>} : vector<16xf32>, vector<16xf32> -> vector<32xbf16>
        %swap3A_550 = arith.index_cast %scan3A_443 : i32 to index
        %swap3A_551 = arith.constant 32 : index
        %swap3A_552 = tpu.vector_load %arg10[%swap3A_550, %swap3A_551] {strides = array<i32>} : memref<512x64xbf16, #tpu.memory_space<vmem>>, vector<32xbf16>,
        tpu.vector_store %arg10[%swap3A_550, %swap3A_551], %pack3A_549 {strides = array<i32>} : memref<512x64xbf16, #tpu.memory_space<vmem>>, vector<32xbf16>,
      }
      %scan3A_294 = arith.constant 512 : i32
      %mul3A_295 = arith.constant 25600 : i32
      %mul3A_296 = arith.muli %add3A, %mul3A_295 : i32
      %mul3A_297 = arith.constant 512 : i32
      %mul3A_298 = arith.muli %add3A_276, %mul3A_297 : i32
      %add3A_299 = arith.addi %mul3A_296, %mul3A_298 : i32
      %dma_start3A_300 = arith.constant 0 : i32
      %dma_start3A_301 = tpu.memref_slice %arg5[%add3A_299, %dma_start3A_300] : memref<819200x64xbf16, #tpu.memory_space<hbm>> -> memref<512x64xbf16, #tpu.memory_space<hbm>>
      %dma_start3A_302 = arith.constant 0 : i32
      %dma_start3A_303 = tpu.memref_slice %arg5[%add3A_299, %dma_start3A_302] : memref<819200x64xbf16, #tpu.memory_space<hbm>> -> memref<512x64xbf16, #tpu.memory_space<hbm>>
      tpu.enqueue_dma source(%arg10 : memref<512x64xbf16, #tpu.memory_space<vmem>>) target(%dma_start3A_303 : memref<512x64xbf16, #tpu.memory_space<hbm>>) target_semaphore(%arg14 : memref<!tpu.dma_semaphore, #tpu.memory_space<semaphore_mem>>)
      %add3A_304 = arith.constant 2 : i32
      %add3A_305 = arith.addi %add3A_276, %add3A_304 : i32
      %mul3A_306 = arith.constant 4 : i32
      %mul3A_307 = arith.muli %add3A_305, %mul3A_306 : i32
      %add3A_308 = arith.constant 0 : i32
      %add3A_309 = arith.addi %mul3A_307, %add3A_308 : i32
      %dma_start3A_310 = arith.constant 0 : i32
      %dma_start3A_311 = arith.constant 0 : i32
      %dma_start3A_312 = tpu.memref_slice %arg8[%dma_start3A_310, %dma_start3A_311] : memref<512x32xf32, #tpu.memory_space<vmem>> -> memref<128x32xf32, #tpu.memory_space<vmem>>
      %dma_start3A_313 = arith.constant 0 : i32
      %dma_start3A_314 = tpu.memref_slice %arg6[%add3A_309, %dma_start3A_313] : memref<200x128xi32, #tpu.memory_space<vmem>> -> memref<1x128xi32, #tpu.memory_space<vmem>>
      %dma_start3A_315 = tpu.memref_squeeze %dma_start3A_314 : memref<1x128xi32, #tpu.memory_space<vmem>> -> memref<128xi32, #tpu.memory_space<vmem>>
      %dma_start3A_316 = arith.constant 0 : i32
      %dma_start3A_317 = arith.constant 0 : i32
      %dma_start3A_318 = tpu.memref_slice %arg4[%dma_start3A_316, %dma_start3A_317] : memref<1000000x32xf32, #tpu.memory_space<hbm>> -> memref<1000000x32xf32, #tpu.memory_space<hbm>>
      tpu.enqueue_indirect_dma source(%dma_start3A_318 : memref<1000000x32xf32, #tpu.memory_space<hbm>>) target(%dma_start3A_312 : memref<128x32xf32, #tpu.memory_space<vmem>>) offsets(%dma_start3A_315 : memref<128xi32, #tpu.memory_space<vmem>>) semaphore(%arg12 : memref<!tpu.dma_semaphore, #tpu.memory_space<semaphore_mem>>)
      %mul3A_319 = arith.constant 4 : i32
      %mul3A_320 = arith.muli %add3A_305, %mul3A_319 : i32
      %add3A_321 = arith.constant 1 : i32
      %add3A_322 = arith.addi %mul3A_320, %add3A_321 : i32
      %dma_start3A_323 = arith.constant 128 : i32
      %dma_start3A_324 = arith.constant 0 : i32
      %dma_start3A_325 = tpu.memref_slice %arg8[%dma_start3A_323, %dma_start3A_324] : memref<512x32xf32, #tpu.memory_space<vmem>> -> memref<128x32xf32, #tpu.memory_space<vmem>>
      %dma_start3A_326 = arith.constant 0 : i32
      %dma_start3A_327 = tpu.memref_slice %arg6[%add3A_322, %dma_start3A_326] : memref<200x128xi32, #tpu.memory_space<vmem>> -> memref<1x128xi32, #tpu.memory_space<vmem>>
      %dma_start3A_328 = tpu.memref_squeeze %dma_start3A_327 : memref<1x128xi32, #tpu.memory_space<vmem>> -> memref<128xi32, #tpu.memory_space<vmem>>
      %dma_start3A_329 = arith.constant 0 : i32
      %dma_start3A_330 = arith.constant 0 : i32
      %dma_start3A_331 = tpu.memref_slice %arg4[%dma_start3A_329, %dma_start3A_330] : memref<1000000x32xf32, #tpu.memory_space<hbm>> -> memref<1000000x32xf32, #tpu.memory_space<hbm>>
      tpu.enqueue_indirect_dma source(%dma_start3A_331 : memref<1000000x32xf32, #tpu.memory_space<hbm>>) target(%dma_start3A_325 : memref<128x32xf32, #tpu.memory_space<vmem>>) offsets(%dma_start3A_328 : memref<128xi32, #tpu.memory_space<vmem>>) semaphore(%arg12 : memref<!tpu.dma_semaphore, #tpu.memory_space<semaphore_mem>>)
      %mul3A_332 = arith.constant 4 : i32
      %mul3A_333 = arith.muli %add3A_305, %mul3A_332 : i32
      %add3A_334 = arith.constant 2 : i32
      %add3A_335 = arith.addi %mul3A_333, %add3A_334 : i32
      %dma_start3A_336 = arith.constant 256 : i32
      %dma_start3A_337 = arith.constant 0 : i32
      %dma_start3A_338 = tpu.memref_slice %arg8[%dma_start3A_336, %dma_start3A_337] : memref<512x32xf32, #tpu.memory_space<vmem>> -> memref<128x32xf32, #tpu.memory_space<vmem>>
      %dma_start3A_339 = arith.constant 0 : i32
      %dma_start3A_340 = tpu.memref_slice %arg6[%add3A_335, %dma_start3A_339] : memref<200x128xi32, #tpu.memory_space<vmem>> -> memref<1x128xi32, #tpu.memory_space<vmem>>
      %dma_start3A_341 = tpu.memref_squeeze %dma_start3A_340 : memref<1x128xi32, #tpu.memory_space<vmem>> -> memref<128xi32, #tpu.memory_space<vmem>>
      %dma_start3A_342 = arith.constant 0 : i32
      %dma_start3A_343 = arith.constant 0 : i32
      %dma_start3A_344 = tpu.memref_slice %arg4[%dma_start3A_342, %dma_start3A_343] : memref<1000000x32xf32, #tpu.memory_space<hbm>> -> memref<1000000x32xf32, #tpu.memory_space<hbm>>
      tpu.enqueue_indirect_dma source(%dma_start3A_344 : memref<1000000x32xf32, #tpu.memory_space<hbm>>) target(%dma_start3A_338 : memref<128x32xf32, #tpu.memory_space<vmem>>) offsets(%dma_start3A_341 : memref<128xi32, #tpu.memory_space<vmem>>) semaphore(%arg12 : memref<!tpu.dma_semaphore, #tpu.memory_space<semaphore_mem>>)
      %mul3A_345 = arith.constant 4 : i32
      %mul3A_346 = arith.muli %add3A_305, %mul3A_345 : i32
      %add3A_347 = arith.constant 3 : i32
      %add3A_348 = arith.addi %mul3A_346, %add3A_347 : i32
      %dma_start3A_349 = arith.constant 384 : i32
      %dma_start3A_350 = arith.constant 0 : i32
      %dma_start3A_351 = tpu.memref_slice %arg8[%dma_start3A_349, %dma_start3A_350] : memref<512x32xf32, #tpu.memory_space<vmem>> -> memref<128x32xf32, #tpu.memory_space<vmem>>
      %dma_start3A_352 = arith.constant 0 : i32
      %dma_start3A_353 = tpu.memref_slice %arg6[%add3A_348, %dma_start3A_352] : memref<200x128xi32, #tpu.memory_space<vmem>> -> memref<1x128xi32, #tpu.memory_space<vmem>>
      %dma_start3A_354 = tpu.memref_squeeze %dma_start3A_353 : memref<1x128xi32, #tpu.memory_space<vmem>> -> memref<128xi32, #tpu.memory_space<vmem>>
      %dma_start3A_355 = arith.constant 0 : i32
      %dma_start3A_356 = arith.constant 0 : i32
      %dma_start3A_357 = tpu.memref_slice %arg4[%dma_start3A_355, %dma_start3A_356] : memref<1000000x32xf32, #tpu.memory_space<hbm>> -> memref<1000000x32xf32, #tpu.memory_space<hbm>>
      tpu.enqueue_indirect_dma source(%dma_start3A_357 : memref<1000000x32xf32, #tpu.memory_space<hbm>>) target(%dma_start3A_351 : memref<128x32xf32, #tpu.memory_space<vmem>>) offsets(%dma_start3A_354 : memref<128xi32, #tpu.memory_space<vmem>>) semaphore(%arg12 : memref<!tpu.dma_semaphore, #tpu.memory_space<semaphore_mem>>)
      %mul3A_358 = arith.constant 2 : i32
      %mul3A_359 = arith.muli %mul3A_358, %scan3A_272 : i32
      %add3A_360 = arith.constant 1 : i32
      %add3A_361 = arith.addi %mul3A_359, %add3A_360 : i32
      %dma_wait3A_362 = arith.constant 0 : i32
      %dma_wait3A_363 = arith.constant 0 : i32
      %dma_wait3A_364 = tpu.memref_slice %arg4[%dma_wait3A_362, %dma_wait3A_363] : memref<1000000x32xf32, #tpu.memory_space<hbm>> -> memref<512x32xf32, #tpu.memory_space<hbm>>
      %dma_wait3A_365 = arith.constant 0 : i32
      %dma_wait3A_366 = arith.constant 0 : i32
      %dma_wait3A_367 = tpu.memref_slice %arg4[%dma_wait3A_365, %dma_wait3A_366] : memref<1000000x32xf32, #tpu.memory_space<hbm>> -> memref<512x32xf32, #tpu.memory_space<hbm>>
      tpu.wait_dma2 semaphore(%arg13 : memref<!tpu.dma_semaphore, #tpu.memory_space<semaphore_mem>>) src(%dma_wait3A_367 : memref<512x32xf32, #tpu.memory_space<hbm>>) dst(%arg9 : memref<512x32xf32, #tpu.memory_space<vmem>>)
      %dma_wait3A_368 = arith.constant 0 : i32
      %dma_wait3A_369 = arith.constant 0 : i32
      %dma_wait3A_370 = tpu.memref_slice %arg5[%dma_wait3A_368, %dma_wait3A_369] : memref<819200x64xbf16, #tpu.memory_space<hbm>> -> memref<512x64xbf16, #tpu.memory_space<hbm>>
      %dma_wait3A_371 = arith.constant 0 : i32
      %dma_wait3A_372 = arith.constant 0 : i32
      %dma_wait3A_373 = tpu.memref_slice %arg5[%dma_wait3A_371, %dma_wait3A_372] : memref<819200x64xbf16, #tpu.memory_space<hbm>> -> memref<512x64xbf16, #tpu.memory_space<hbm>>
      tpu.wait_dma2 semaphore(%arg15 : memref<!tpu.dma_semaphore, #tpu.memory_space<semaphore_mem>>) src(%arg11 : memref<512x64xbf16, #tpu.memory_space<vmem>>) dst(%dma_wait3A_373 : memref<512x64xbf16, #tpu.memory_space<hbm>>)
      %scan3A_374 = arith.constant 0 : i32
      %scan3A_375 = arith.constant 0 : i32
      %scan3A_376 = arith.constant 512 : i32
      %scan3A_377 = arith.addi %scan3A_375, %scan3A_376 : i32
      %scan3A_378 = arith.constant 1 : i32
      scf.for %scan3A_443 = %scan3A_375 to %scan3A_377 step %scan3A_378  : i32 {
        %mul3A_444 = arith.constant 512 : i32
        %mul3A_445 = arith.muli %add3A_361, %mul3A_444 : i32
        %add3A_446 = arith.addi %mul3A_445, %scan3A_443 : i32
        %get3A = arith.index_cast %add3A_446 : i32 to index
        %get3A_447 = tpu.vector_load %arg7[%get3A] {strides = array<i32>} : memref<25616xf32, #tpu.memory_space<vmem>>, vector<16xf32>,
        %slice3A = vector.extract_strided_slice %get3A_447 {offsets = [0], sizes = [1], strides = [1]} : vector<16xf32> to vector<1xf32>
        %squeeze3A = vector.extract %slice3A[0] : f32 from vector<1xf32>
        %sub3A = arith.constant 1.000000e+00 : f32
        %sub3A_448 = arith.subf %sub3A, %squeeze3A : f32
        %broadcast_in_dim3A = vector.broadcast %sub3A_448 : f32 to vector<16xf32>
        %get3A_449 = arith.index_cast %scan3A_443 : i32 to index
        %get3A_450 = arith.constant 0 : index
        %get3A_451 = tpu.vector_load %arg9[%get3A_449, %get3A_450] {strides = array<i32>} : memref<512x32xf32, #tpu.memory_space<vmem>>, vector<16xf32>,
        %add3A_452 = arith.addf %get3A_451, %get3A_451 : vector<16xf32>
        %exp3A = math.exp %add3A_452 : vector<16xf32>
        %add3A_453 = arith.constant 1.000000e+00 : f32
        %add3A_454 = vector.broadcast %add3A_453 : f32 to vector<16xf32>
        %add3A_455 = arith.addf %exp3A, %add3A_454 : vector<16xf32>
        %div3A = arith.constant 2.000000e+00 : f32
        %div3A_456 = vector.broadcast %div3A : f32 to vector<16xf32>
        %div3A_457 = arith.divf %div3A_456, %add3A_455 : vector<16xf32>
        %sub3A_458 = arith.constant 1.000000e+00 : f32
        %sub3A_459 = vector.broadcast %sub3A_458 : f32 to vector<16xf32>
        %sub3A_460 = arith.subf %sub3A_459, %div3A_457 : vector<16xf32>
        %mul3A_461 = arith.mulf %sub3A_460, %sub3A_460 : vector<16xf32>
        %mul3A_462 = arith.constant 0.178206727 : f32
        %mul3A_463 = vector.broadcast %mul3A_462 : f32 to vector<16xf32>
        %mul3A_464 = arith.mulf %mul3A_461, %mul3A_463 : vector<16xf32>
        %add3A_465 = arith.constant -1.28735542 : f32
        %add3A_466 = vector.broadcast %add3A_465 : f32 to vector<16xf32>
        %add3A_467 = arith.addf %add3A_466, %mul3A_464 : vector<16xf32>
        %mul3A_468 = arith.mulf %mul3A_461, %add3A_467 : vector<16xf32>
        %add3A_469 = arith.constant 4.04196453 : f32
        %add3A_470 = vector.broadcast %add3A_469 : f32 to vector<16xf32>
        %add3A_471 = arith.addf %add3A_470, %mul3A_468 : vector<16xf32>
        %mul3A_472 = arith.mulf %mul3A_461, %add3A_471 : vector<16xf32>
        %add3A_473 = arith.constant -4.93273544 : f32
        %add3A_474 = vector.broadcast %add3A_473 : f32 to vector<16xf32>
        %add3A_475 = arith.addf %add3A_474, %mul3A_472 : vector<16xf32>
        %mul3A_476 = arith.mulf %mul3A_461, %add3A_475 : vector<16xf32>
        %add3A_477 = arith.constant 0.999958992 : f32
        %add3A_478 = vector.broadcast %add3A_477 : f32 to vector<16xf32>
        %add3A_479 = arith.addf %add3A_478, %mul3A_476 : vector<16xf32>
        %mul3A_480 = arith.constant -0.437798977 : f32
        %mul3A_481 = vector.broadcast %mul3A_480 : f32 to vector<16xf32>
        %mul3A_482 = arith.mulf %mul3A_461, %mul3A_481 : vector<16xf32>
        %add3A_483 = arith.constant 2.4346664 : f32
        %add3A_484 = vector.broadcast %add3A_483 : f32 to vector<16xf32>
        %add3A_485 = arith.addf %add3A_484, %mul3A_482 : vector<16xf32>
        %mul3A_486 = arith.mulf %mul3A_461, %add3A_485 : vector<16xf32>
        %add3A_487 = arith.constant -5.13638878 : f32
        %add3A_488 = vector.broadcast %add3A_487 : f32 to vector<16xf32>
        %add3A_489 = arith.addf %add3A_488, %mul3A_486 : vector<16xf32>
        %mul3A_490 = arith.mulf %mul3A_461, %add3A_489 : vector<16xf32>
        %add3A_491 = arith.constant 3.13927698 : f32
        %add3A_492 = vector.broadcast %add3A_491 : f32 to vector<16xf32>
        %add3A_493 = arith.addf %add3A_492, %mul3A_490 : vector<16xf32>
        %mul3A_494 = arith.mulf %sub3A_460, %add3A_493 : vector<16xf32>
        %mul3A_495 = arith.mulf %add3A_479, %broadcast_in_dim3A : vector<16xf32>
        %mul3A_496 = arith.mulf %mul3A_494, %broadcast_in_dim3A : vector<16xf32>
        %pack3A = tpu.pack_subelements %mul3A_495, %mul3A_496 {pack_format = #tpu.pack_format<interleaved>, positions = array<i32: 0, 1>} : vector<16xf32>, vector<16xf32> -> vector<32xbf16>
        %swap3A = arith.index_cast %scan3A_443 : i32 to index
        %swap3A_497 = arith.constant 0 : index
        %swap3A_498 = tpu.vector_load %arg11[%swap3A, %swap3A_497] {strides = array<i32>} : memref<512x64xbf16, #tpu.memory_space<vmem>>, vector<32xbf16>,
        tpu.vector_store %arg11[%swap3A, %swap3A_497], %pack3A {strides = array<i32>} : memref<512x64xbf16, #tpu.memory_space<vmem>>, vector<32xbf16>,
        %get3A_499 = arith.index_cast %scan3A_443 : i32 to index
        %get3A_500 = arith.constant 16 : index
        %get3A_501 = tpu.vector_load %arg9[%get3A_499, %get3A_500] {strides = array<i32>} : memref<512x32xf32, #tpu.memory_space<vmem>>, vector<16xf32>,
        %add3A_502 = arith.addf %get3A_501, %get3A_501 : vector<16xf32>
        %exp3A_503 = math.exp %add3A_502 : vector<16xf32>
        %add3A_504 = arith.constant 1.000000e+00 : f32
        %add3A_505 = vector.broadcast %add3A_504 : f32 to vector<16xf32>
        %add3A_506 = arith.addf %exp3A_503, %add3A_505 : vector<16xf32>
        %div3A_507 = arith.constant 2.000000e+00 : f32
        %div3A_508 = vector.broadcast %div3A_507 : f32 to vector<16xf32>
        %div3A_509 = arith.divf %div3A_508, %add3A_506 : vector<16xf32>
        %sub3A_510 = arith.constant 1.000000e+00 : f32
        %sub3A_511 = vector.broadcast %sub3A_510 : f32 to vector<16xf32>
        %sub3A_512 = arith.subf %sub3A_511, %div3A_509 : vector<16xf32>
        %mul3A_513 = arith.mulf %sub3A_512, %sub3A_512 : vector<16xf32>
        %mul3A_514 = arith.constant 0.178206727 : f32
        %mul3A_515 = vector.broadcast %mul3A_514 : f32 to vector<16xf32>
        %mul3A_516 = arith.mulf %mul3A_513, %mul3A_515 : vector<16xf32>
        %add3A_517 = arith.constant -1.28735542 : f32
        %add3A_518 = vector.broadcast %add3A_517 : f32 to vector<16xf32>
        %add3A_519 = arith.addf %add3A_518, %mul3A_516 : vector<16xf32>
        %mul3A_520 = arith.mulf %mul3A_513, %add3A_519 : vector<16xf32>
        %add3A_521 = arith.constant 4.04196453 : f32
        %add3A_522 = vector.broadcast %add3A_521 : f32 to vector<16xf32>
        %add3A_523 = arith.addf %add3A_522, %mul3A_520 : vector<16xf32>
        %mul3A_524 = arith.mulf %mul3A_513, %add3A_523 : vector<16xf32>
        %add3A_525 = arith.constant -4.93273544 : f32
        %add3A_526 = vector.broadcast %add3A_525 : f32 to vector<16xf32>
        %add3A_527 = arith.addf %add3A_526, %mul3A_524 : vector<16xf32>
        %mul3A_528 = arith.mulf %mul3A_513, %add3A_527 : vector<16xf32>
        %add3A_529 = arith.constant 0.999958992 : f32
        %add3A_530 = vector.broadcast %add3A_529 : f32 to vector<16xf32>
        %add3A_531 = arith.addf %add3A_530, %mul3A_528 : vector<16xf32>
        %mul3A_532 = arith.constant -0.437798977 : f32
        %mul3A_533 = vector.broadcast %mul3A_532 : f32 to vector<16xf32>
        %mul3A_534 = arith.mulf %mul3A_513, %mul3A_533 : vector<16xf32>
        %add3A_535 = arith.constant 2.4346664 : f32
        %add3A_536 = vector.broadcast %add3A_535 : f32 to vector<16xf32>
        %add3A_537 = arith.addf %add3A_536, %mul3A_534 : vector<16xf32>
        %mul3A_538 = arith.mulf %mul3A_513, %add3A_537 : vector<16xf32>
        %add3A_539 = arith.constant -5.13638878 : f32
        %add3A_540 = vector.broadcast %add3A_539 : f32 to vector<16xf32>
        %add3A_541 = arith.addf %add3A_540, %mul3A_538 : vector<16xf32>
        %mul3A_542 = arith.mulf %mul3A_513, %add3A_541 : vector<16xf32>
        %add3A_543 = arith.constant 3.13927698 : f32
        %add3A_544 = vector.broadcast %add3A_543 : f32 to vector<16xf32>
        %add3A_545 = arith.addf %add3A_544, %mul3A_542 : vector<16xf32>
        %mul3A_546 = arith.mulf %sub3A_512, %add3A_545 : vector<16xf32>
        %mul3A_547 = arith.mulf %add3A_531, %broadcast_in_dim3A : vector<16xf32>
        %mul3A_548 = arith.mulf %mul3A_546, %broadcast_in_dim3A : vector<16xf32>
        %pack3A_549 = tpu.pack_subelements %mul3A_547, %mul3A_548 {pack_format = #tpu.pack_format<interleaved>, positions = array<i32: 0, 1>} : vector<16xf32>, vector<16xf32> -> vector<32xbf16>
        %swap3A_550 = arith.index_cast %scan3A_443 : i32 to index
        %swap3A_551 = arith.constant 32 : index
        %swap3A_552 = tpu.vector_load %arg11[%swap3A_550, %swap3A_551] {strides = array<i32>} : memref<512x64xbf16, #tpu.memory_space<vmem>>, vector<32xbf16>,
        tpu.vector_store %arg11[%swap3A_550, %swap3A_551], %pack3A_549 {strides = array<i32>} : memref<512x64xbf16, #tpu.memory_space<vmem>>, vector<32xbf16>,
      }
      %scan3A_379 = arith.constant 512 : i32
      %mul3A_380 = arith.constant 25600 : i32
      %mul3A_381 = arith.muli %add3A, %mul3A_380 : i32
      %mul3A_382 = arith.constant 512 : i32
      %mul3A_383 = arith.muli %add3A_361, %mul3A_382 : i32
      %add3A_384 = arith.addi %mul3A_381, %mul3A_383 : i32
      %dma_start3A_385 = arith.constant 0 : i32
      %dma_start3A_386 = tpu.memref_slice %arg5[%add3A_384, %dma_start3A_385] : memref<819200x64xbf16, #tpu.memory_space<hbm>> -> memref<512x64xbf16, #tpu.memory_space<hbm>>
      %dma_start3A_387 = arith.constant 0 : i32
      %dma_start3A_388 = tpu.memref_slice %arg5[%add3A_384, %dma_start3A_387] : memref<819200x64xbf16, #tpu.memory_space<hbm>> -> memref<512x64xbf16, #tpu.memory_space<hbm>>
      tpu.enqueue_dma source(%arg11 : memref<512x64xbf16, #tpu.memory_space<vmem>>) target(%dma_start3A_388 : memref<512x64xbf16, #tpu.memory_space<hbm>>) target_semaphore(%arg15 : memref<!tpu.dma_semaphore, #tpu.memory_space<semaphore_mem>>)
      %add3A_389 = arith.constant 2 : i32
      %add3A_390 = arith.addi %add3A_361, %add3A_389 : i32
      %mul3A_391 = arith.constant 4 : i32
      %mul3A_392 = arith.muli %add3A_390, %mul3A_391 : i32
      %add3A_393 = arith.constant 0 : i32
      %add3A_394 = arith.addi %mul3A_392, %add3A_393 : i32
      %dma_start3A_395 = arith.constant 0 : i32
      %dma_start3A_396 = arith.constant 0 : i32
      %dma_start3A_397 = tpu.memref_slice %arg9[%dma_start3A_395, %dma_start3A_396] : memref<512x32xf32, #tpu.memory_space<vmem>> -> memref<128x32xf32, #tpu.memory_space<vmem>>
      %dma_start3A_398 = arith.constant 0 : i32
      %dma_start3A_399 = tpu.memref_slice %arg6[%add3A_394, %dma_start3A_398] : memref<200x128xi32, #tpu.memory_space<vmem>> -> memref<1x128xi32, #tpu.memory_space<vmem>>
      %dma_start3A_400 = tpu.memref_squeeze %dma_start3A_399 : memref<1x128xi32, #tpu.memory_space<vmem>> -> memref<128xi32, #tpu.memory_space<vmem>>
      %dma_start3A_401 = arith.constant 0 : i32
      %dma_start3A_402 = arith.constant 0 : i32
      %dma_start3A_403 = tpu.memref_slice %arg4[%dma_start3A_401, %dma_start3A_402] : memref<1000000x32xf32, #tpu.memory_space<hbm>> -> memref<1000000x32xf32, #tpu.memory_space<hbm>>
      tpu.enqueue_indirect_dma source(%dma_start3A_403 : memref<1000000x32xf32, #tpu.memory_space<hbm>>) target(%dma_start3A_397 : memref<128x32xf32, #tpu.memory_space<vmem>>) offsets(%dma_start3A_400 : memref<128xi32, #tpu.memory_space<vmem>>) semaphore(%arg13 : memref<!tpu.dma_semaphore, #tpu.memory_space<semaphore_mem>>)
      %mul3A_404 = arith.constant 4 : i32
      %mul3A_405 = arith.muli %add3A_390, %mul3A_404 : i32
      %add3A_406 = arith.constant 1 : i32
      %add3A_407 = arith.addi %mul3A_405, %add3A_406 : i32
      %dma_start3A_408 = arith.constant 128 : i32
      %dma_start3A_409 = arith.constant 0 : i32
      %dma_start3A_410 = tpu.memref_slice %arg9[%dma_start3A_408, %dma_start3A_409] : memref<512x32xf32, #tpu.memory_space<vmem>> -> memref<128x32xf32, #tpu.memory_space<vmem>>
      %dma_start3A_411 = arith.constant 0 : i32
      %dma_start3A_412 = tpu.memref_slice %arg6[%add3A_407, %dma_start3A_411] : memref<200x128xi32, #tpu.memory_space<vmem>> -> memref<1x128xi32, #tpu.memory_space<vmem>>
      %dma_start3A_413 = tpu.memref_squeeze %dma_start3A_412 : memref<1x128xi32, #tpu.memory_space<vmem>> -> memref<128xi32, #tpu.memory_space<vmem>>
      %dma_start3A_414 = arith.constant 0 : i32
      %dma_start3A_415 = arith.constant 0 : i32
      %dma_start3A_416 = tpu.memref_slice %arg4[%dma_start3A_414, %dma_start3A_415] : memref<1000000x32xf32, #tpu.memory_space<hbm>> -> memref<1000000x32xf32, #tpu.memory_space<hbm>>
      tpu.enqueue_indirect_dma source(%dma_start3A_416 : memref<1000000x32xf32, #tpu.memory_space<hbm>>) target(%dma_start3A_410 : memref<128x32xf32, #tpu.memory_space<vmem>>) offsets(%dma_start3A_413 : memref<128xi32, #tpu.memory_space<vmem>>) semaphore(%arg13 : memref<!tpu.dma_semaphore, #tpu.memory_space<semaphore_mem>>)
      %mul3A_417 = arith.constant 4 : i32
      %mul3A_418 = arith.muli %add3A_390, %mul3A_417 : i32
      %add3A_419 = arith.constant 2 : i32
      %add3A_420 = arith.addi %mul3A_418, %add3A_419 : i32
      %dma_start3A_421 = arith.constant 256 : i32
      %dma_start3A_422 = arith.constant 0 : i32
      %dma_start3A_423 = tpu.memref_slice %arg9[%dma_start3A_421, %dma_start3A_422] : memref<512x32xf32, #tpu.memory_space<vmem>> -> memref<128x32xf32, #tpu.memory_space<vmem>>
      %dma_start3A_424 = arith.constant 0 : i32
      %dma_start3A_425 = tpu.memref_slice %arg6[%add3A_420, %dma_start3A_424] : memref<200x128xi32, #tpu.memory_space<vmem>> -> memref<1x128xi32, #tpu.memory_space<vmem>>
      %dma_start3A_426 = tpu.memref_squeeze %dma_start3A_425 : memref<1x128xi32, #tpu.memory_space<vmem>> -> memref<128xi32, #tpu.memory_space<vmem>>
      %dma_start3A_427 = arith.constant 0 : i32
      %dma_start3A_428 = arith.constant 0 : i32
      %dma_start3A_429 = tpu.memref_slice %arg4[%dma_start3A_427, %dma_start3A_428] : memref<1000000x32xf32, #tpu.memory_space<hbm>> -> memref<1000000x32xf32, #tpu.memory_space<hbm>>
      tpu.enqueue_indirect_dma source(%dma_start3A_429 : memref<1000000x32xf32, #tpu.memory_space<hbm>>) target(%dma_start3A_423 : memref<128x32xf32, #tpu.memory_space<vmem>>) offsets(%dma_start3A_426 : memref<128xi32, #tpu.memory_space<vmem>>) semaphore(%arg13 : memref<!tpu.dma_semaphore, #tpu.memory_space<semaphore_mem>>)
      %mul3A_430 = arith.constant 4 : i32
      %mul3A_431 = arith.muli %add3A_390, %mul3A_430 : i32
      %add3A_432 = arith.constant 3 : i32
      %add3A_433 = arith.addi %mul3A_431, %add3A_432 : i32
      %dma_start3A_434 = arith.constant 384 : i32
      %dma_start3A_435 = arith.constant 0 : i32
      %dma_start3A_436 = tpu.memref_slice %arg9[%dma_start3A_434, %dma_start3A_435] : memref<512x32xf32, #tpu.memory_space<vmem>> -> memref<128x32xf32, #tpu.memory_space<vmem>>
      %dma_start3A_437 = arith.constant 0 : i32
      %dma_start3A_438 = tpu.memref_slice %arg6[%add3A_433, %dma_start3A_437] : memref<200x128xi32, #tpu.memory_space<vmem>> -> memref<1x128xi32, #tpu.memory_space<vmem>>
      %dma_start3A_439 = tpu.memref_squeeze %dma_start3A_438 : memref<1x128xi32, #tpu.memory_space<vmem>> -> memref<128xi32, #tpu.memory_space<vmem>>
      %dma_start3A_440 = arith.constant 0 : i32
      %dma_start3A_441 = arith.constant 0 : i32
      %dma_start3A_442 = tpu.memref_slice %arg4[%dma_start3A_440, %dma_start3A_441] : memref<1000000x32xf32, #tpu.memory_space<hbm>> -> memref<1000000x32xf32, #tpu.memory_space<hbm>>
      tpu.enqueue_indirect_dma source(%dma_start3A_442 : memref<1000000x32xf32, #tpu.memory_space<hbm>>) target(%dma_start3A_436 : memref<128x32xf32, #tpu.memory_space<vmem>>) offsets(%dma_start3A_439 : memref<128xi32, #tpu.memory_space<vmem>>) semaphore(%arg13 : memref<!tpu.dma_semaphore, #tpu.memory_space<semaphore_mem>>)
    }
    %scan3A_207 = arith.constant 23 : i32
    %dma_wait3A_208 = arith.constant 0 : i32
    %dma_wait3A_209 = arith.constant 0 : i32
    %dma_wait3A_210 = tpu.memref_slice %arg4[%dma_wait3A_208, %dma_wait3A_209] : memref<1000000x32xf32, #tpu.memory_space<hbm>> -> memref<512x32xf32, #tpu.memory_space<hbm>>
    %dma_wait3A_211 = arith.constant 0 : i32
    %dma_wait3A_212 = arith.constant 0 : i32
    %dma_wait3A_213 = tpu.memref_slice %arg4[%dma_wait3A_211, %dma_wait3A_212] : memref<1000000x32xf32, #tpu.memory_space<hbm>> -> memref<512x32xf32, #tpu.memory_space<hbm>>
    tpu.wait_dma2 semaphore(%arg12 : memref<!tpu.dma_semaphore, #tpu.memory_space<semaphore_mem>>) src(%dma_wait3A_213 : memref<512x32xf32, #tpu.memory_space<hbm>>) dst(%arg8 : memref<512x32xf32, #tpu.memory_space<vmem>>)
    %dma_wait3A_214 = arith.constant 0 : i32
    %dma_wait3A_215 = arith.constant 0 : i32
    %dma_wait3A_216 = tpu.memref_slice %arg5[%dma_wait3A_214, %dma_wait3A_215] : memref<819200x64xbf16, #tpu.memory_space<hbm>> -> memref<512x64xbf16, #tpu.memory_space<hbm>>
    %dma_wait3A_217 = arith.constant 0 : i32
    %dma_wait3A_218 = arith.constant 0 : i32
    %dma_wait3A_219 = tpu.memref_slice %arg5[%dma_wait3A_217, %dma_wait3A_218] : memref<819200x64xbf16, #tpu.memory_space<hbm>> -> memref<512x64xbf16, #tpu.memory_space<hbm>>
    tpu.wait_dma2 semaphore(%arg14 : memref<!tpu.dma_semaphore, #tpu.memory_space<semaphore_mem>>) src(%arg10 : memref<512x64xbf16, #tpu.memory_space<vmem>>) dst(%dma_wait3A_219 : memref<512x64xbf16, #tpu.memory_space<hbm>>)
    %scan3A_220 = arith.constant 0 : i32
    %scan3A_221 = arith.constant 0 : i32
    %scan3A_222 = arith.constant 512 : i32
    %scan3A_223 = arith.addi %scan3A_221, %scan3A_222 : i32
    %scan3A_224 = arith.constant 1 : i32
    scf.for %scan3A_272 = %scan3A_221 to %scan3A_223 step %scan3A_224  : i32 {
      %add3A_273 = arith.constant 24576 : i32
      %add3A_274 = arith.addi %add3A_273, %scan3A_272 : i32
      %get3A = arith.index_cast %add3A_274 : i32 to index
      %get3A_275 = tpu.vector_load %arg7[%get3A] {strides = array<i32>} : memref<25616xf32, #tpu.memory_space<vmem>>, vector<16xf32>,
      %slice3A = vector.extract_strided_slice %get3A_275 {offsets = [0], sizes = [1], strides = [1]} : vector<16xf32> to vector<1xf32>
      %squeeze3A = vector.extract %slice3A[0] : f32 from vector<1xf32>
      %sub3A = arith.constant 1.000000e+00 : f32
      %sub3A_276 = arith.subf %sub3A, %squeeze3A : f32
      %broadcast_in_dim3A = vector.broadcast %sub3A_276 : f32 to vector<16xf32>
      %get3A_277 = arith.index_cast %scan3A_272 : i32 to index
      %get3A_278 = arith.constant 0 : index
      %get3A_279 = tpu.vector_load %arg8[%get3A_277, %get3A_278] {strides = array<i32>} : memref<512x32xf32, #tpu.memory_space<vmem>>, vector<16xf32>,
      %add3A_280 = arith.addf %get3A_279, %get3A_279 : vector<16xf32>
      %exp3A = math.exp %add3A_280 : vector<16xf32>
      %add3A_281 = arith.constant 1.000000e+00 : f32
      %add3A_282 = vector.broadcast %add3A_281 : f32 to vector<16xf32>
      %add3A_283 = arith.addf %exp3A, %add3A_282 : vector<16xf32>
      %div3A = arith.constant 2.000000e+00 : f32
      %div3A_284 = vector.broadcast %div3A : f32 to vector<16xf32>
      %div3A_285 = arith.divf %div3A_284, %add3A_283 : vector<16xf32>
      %sub3A_286 = arith.constant 1.000000e+00 : f32
      %sub3A_287 = vector.broadcast %sub3A_286 : f32 to vector<16xf32>
      %sub3A_288 = arith.subf %sub3A_287, %div3A_285 : vector<16xf32>
      %mul3A_289 = arith.mulf %sub3A_288, %sub3A_288 : vector<16xf32>
      %mul3A_290 = arith.constant 0.178206727 : f32
      %mul3A_291 = vector.broadcast %mul3A_290 : f32 to vector<16xf32>
      %mul3A_292 = arith.mulf %mul3A_289, %mul3A_291 : vector<16xf32>
      %add3A_293 = arith.constant -1.28735542 : f32
      %add3A_294 = vector.broadcast %add3A_293 : f32 to vector<16xf32>
      %add3A_295 = arith.addf %add3A_294, %mul3A_292 : vector<16xf32>
      %mul3A_296 = arith.mulf %mul3A_289, %add3A_295 : vector<16xf32>
      %add3A_297 = arith.constant 4.04196453 : f32
      %add3A_298 = vector.broadcast %add3A_297 : f32 to vector<16xf32>
      %add3A_299 = arith.addf %add3A_298, %mul3A_296 : vector<16xf32>
      %mul3A_300 = arith.mulf %mul3A_289, %add3A_299 : vector<16xf32>
      %add3A_301 = arith.constant -4.93273544 : f32
      %add3A_302 = vector.broadcast %add3A_301 : f32 to vector<16xf32>
      %add3A_303 = arith.addf %add3A_302, %mul3A_300 : vector<16xf32>
      %mul3A_304 = arith.mulf %mul3A_289, %add3A_303 : vector<16xf32>
      %add3A_305 = arith.constant 0.999958992 : f32
      %add3A_306 = vector.broadcast %add3A_305 : f32 to vector<16xf32>
      %add3A_307 = arith.addf %add3A_306, %mul3A_304 : vector<16xf32>
      %mul3A_308 = arith.constant -0.437798977 : f32
      %mul3A_309 = vector.broadcast %mul3A_308 : f32 to vector<16xf32>
      %mul3A_310 = arith.mulf %mul3A_289, %mul3A_309 : vector<16xf32>
      %add3A_311 = arith.constant 2.4346664 : f32
      %add3A_312 = vector.broadcast %add3A_311 : f32 to vector<16xf32>
      %add3A_313 = arith.addf %add3A_312, %mul3A_310 : vector<16xf32>
      %mul3A_314 = arith.mulf %mul3A_289, %add3A_313 : vector<16xf32>
      %add3A_315 = arith.constant -5.13638878 : f32
      %add3A_316 = vector.broadcast %add3A_315 : f32 to vector<16xf32>
      %add3A_317 = arith.addf %add3A_316, %mul3A_314 : vector<16xf32>
      %mul3A_318 = arith.mulf %mul3A_289, %add3A_317 : vector<16xf32>
      %add3A_319 = arith.constant 3.13927698 : f32
      %add3A_320 = vector.broadcast %add3A_319 : f32 to vector<16xf32>
      %add3A_321 = arith.addf %add3A_320, %mul3A_318 : vector<16xf32>
      %mul3A_322 = arith.mulf %sub3A_288, %add3A_321 : vector<16xf32>
      %mul3A_323 = arith.mulf %add3A_307, %broadcast_in_dim3A : vector<16xf32>
      %mul3A_324 = arith.mulf %mul3A_322, %broadcast_in_dim3A : vector<16xf32>
      %pack3A = tpu.pack_subelements %mul3A_323, %mul3A_324 {pack_format = #tpu.pack_format<interleaved>, positions = array<i32: 0, 1>} : vector<16xf32>, vector<16xf32> -> vector<32xbf16>
      %swap3A = arith.index_cast %scan3A_272 : i32 to index
      %swap3A_325 = arith.constant 0 : index
      %swap3A_326 = tpu.vector_load %arg10[%swap3A, %swap3A_325] {strides = array<i32>} : memref<512x64xbf16, #tpu.memory_space<vmem>>, vector<32xbf16>,
      tpu.vector_store %arg10[%swap3A, %swap3A_325], %pack3A {strides = array<i32>} : memref<512x64xbf16, #tpu.memory_space<vmem>>, vector<32xbf16>,
      %get3A_327 = arith.index_cast %scan3A_272 : i32 to index
      %get3A_328 = arith.constant 16 : index
      %get3A_329 = tpu.vector_load %arg8[%get3A_327, %get3A_328] {strides = array<i32>} : memref<512x32xf32, #tpu.memory_space<vmem>>, vector<16xf32>,
      %add3A_330 = arith.addf %get3A_329, %get3A_329 : vector<16xf32>
      %exp3A_331 = math.exp %add3A_330 : vector<16xf32>
      %add3A_332 = arith.constant 1.000000e+00 : f32
      %add3A_333 = vector.broadcast %add3A_332 : f32 to vector<16xf32>
      %add3A_334 = arith.addf %exp3A_331, %add3A_333 : vector<16xf32>
      %div3A_335 = arith.constant 2.000000e+00 : f32
      %div3A_336 = vector.broadcast %div3A_335 : f32 to vector<16xf32>
      %div3A_337 = arith.divf %div3A_336, %add3A_334 : vector<16xf32>
      %sub3A_338 = arith.constant 1.000000e+00 : f32
      %sub3A_339 = vector.broadcast %sub3A_338 : f32 to vector<16xf32>
      %sub3A_340 = arith.subf %sub3A_339, %div3A_337 : vector<16xf32>
      %mul3A_341 = arith.mulf %sub3A_340, %sub3A_340 : vector<16xf32>
      %mul3A_342 = arith.constant 0.178206727 : f32
      %mul3A_343 = vector.broadcast %mul3A_342 : f32 to vector<16xf32>
      %mul3A_344 = arith.mulf %mul3A_341, %mul3A_343 : vector<16xf32>
      %add3A_345 = arith.constant -1.28735542 : f32
      %add3A_346 = vector.broadcast %add3A_345 : f32 to vector<16xf32>
      %add3A_347 = arith.addf %add3A_346, %mul3A_344 : vector<16xf32>
      %mul3A_348 = arith.mulf %mul3A_341, %add3A_347 : vector<16xf32>
      %add3A_349 = arith.constant 4.04196453 : f32
      %add3A_350 = vector.broadcast %add3A_349 : f32 to vector<16xf32>
      %add3A_351 = arith.addf %add3A_350, %mul3A_348 : vector<16xf32>
      %mul3A_352 = arith.mulf %mul3A_341, %add3A_351 : vector<16xf32>
      %add3A_353 = arith.constant -4.93273544 : f32
      %add3A_354 = vector.broadcast %add3A_353 : f32 to vector<16xf32>
      %add3A_355 = arith.addf %add3A_354, %mul3A_352 : vector<16xf32>
      %mul3A_356 = arith.mulf %mul3A_341, %add3A_355 : vector<16xf32>
      %add3A_357 = arith.constant 0.999958992 : f32
      %add3A_358 = vector.broadcast %add3A_357 : f32 to vector<16xf32>
      %add3A_359 = arith.addf %add3A_358, %mul3A_356 : vector<16xf32>
      %mul3A_360 = arith.constant -0.437798977 : f32
      %mul3A_361 = vector.broadcast %mul3A_360 : f32 to vector<16xf32>
      %mul3A_362 = arith.mulf %mul3A_341, %mul3A_361 : vector<16xf32>
      %add3A_363 = arith.constant 2.4346664 : f32
      %add3A_364 = vector.broadcast %add3A_363 : f32 to vector<16xf32>
      %add3A_365 = arith.addf %add3A_364, %mul3A_362 : vector<16xf32>
      %mul3A_366 = arith.mulf %mul3A_341, %add3A_365 : vector<16xf32>
      %add3A_367 = arith.constant -5.13638878 : f32
      %add3A_368 = vector.broadcast %add3A_367 : f32 to vector<16xf32>
      %add3A_369 = arith.addf %add3A_368, %mul3A_366 : vector<16xf32>
      %mul3A_370 = arith.mulf %mul3A_341, %add3A_369 : vector<16xf32>
      %add3A_371 = arith.constant 3.13927698 : f32
      %add3A_372 = vector.broadcast %add3A_371 : f32 to vector<16xf32>
      %add3A_373 = arith.addf %add3A_372, %mul3A_370 : vector<16xf32>
      %mul3A_374 = arith.mulf %sub3A_340, %add3A_373 : vector<16xf32>
      %mul3A_375 = arith.mulf %add3A_359, %broadcast_in_dim3A : vector<16xf32>
      %mul3A_376 = arith.mulf %mul3A_374, %broadcast_in_dim3A : vector<16xf32>
      %pack3A_377 = tpu.pack_subelements %mul3A_375, %mul3A_376 {pack_format = #tpu.pack_format<interleaved>, positions = array<i32: 0, 1>} : vector<16xf32>, vector<16xf32> -> vector<32xbf16>
      %swap3A_378 = arith.index_cast %scan3A_272 : i32 to index
      %swap3A_379 = arith.constant 32 : index
      %swap3A_380 = tpu.vector_load %arg10[%swap3A_378, %swap3A_379] {strides = array<i32>} : memref<512x64xbf16, #tpu.memory_space<vmem>>, vector<32xbf16>,
      tpu.vector_store %arg10[%swap3A_378, %swap3A_379], %pack3A_377 {strides = array<i32>} : memref<512x64xbf16, #tpu.memory_space<vmem>>, vector<32xbf16>,
    }
    %scan3A_225 = arith.constant 512 : i32
    %mul3A_226 = arith.constant 25600 : i32
    %mul3A_227 = arith.muli %add3A, %mul3A_226 : i32
    %add3A_228 = arith.constant 24576 : i32
    %add3A_229 = arith.addi %mul3A_227, %add3A_228 : i32
    %dma_start3A_230 = arith.constant 0 : i32
    %dma_start3A_231 = tpu.memref_slice %arg5[%add3A_229, %dma_start3A_230] : memref<819200x64xbf16, #tpu.memory_space<hbm>> -> memref<512x64xbf16, #tpu.memory_space<hbm>>
    %dma_start3A_232 = arith.constant 0 : i32
    %dma_start3A_233 = tpu.memref_slice %arg5[%add3A_229, %dma_start3A_232] : memref<819200x64xbf16, #tpu.memory_space<hbm>> -> memref<512x64xbf16, #tpu.memory_space<hbm>>
    tpu.enqueue_dma source(%arg10 : memref<512x64xbf16, #tpu.memory_space<vmem>>) target(%dma_start3A_233 : memref<512x64xbf16, #tpu.memory_space<hbm>>) target_semaphore(%arg14 : memref<!tpu.dma_semaphore, #tpu.memory_space<semaphore_mem>>)
    %dma_wait3A_234 = arith.constant 0 : i32
    %dma_wait3A_235 = arith.constant 0 : i32
    %dma_wait3A_236 = tpu.memref_slice %arg4[%dma_wait3A_234, %dma_wait3A_235] : memref<1000000x32xf32, #tpu.memory_space<hbm>> -> memref<512x32xf32, #tpu.memory_space<hbm>>
    %dma_wait3A_237 = arith.constant 0 : i32
    %dma_wait3A_238 = arith.constant 0 : i32
    %dma_wait3A_239 = tpu.memref_slice %arg4[%dma_wait3A_237, %dma_wait3A_238] : memref<1000000x32xf32, #tpu.memory_space<hbm>> -> memref<512x32xf32, #tpu.memory_space<hbm>>
    tpu.wait_dma2 semaphore(%arg13 : memref<!tpu.dma_semaphore, #tpu.memory_space<semaphore_mem>>) src(%dma_wait3A_239 : memref<512x32xf32, #tpu.memory_space<hbm>>) dst(%arg9 : memref<512x32xf32, #tpu.memory_space<vmem>>)
    %dma_wait3A_240 = arith.constant 0 : i32
    %dma_wait3A_241 = arith.constant 0 : i32
    %dma_wait3A_242 = tpu.memref_slice %arg5[%dma_wait3A_240, %dma_wait3A_241] : memref<819200x64xbf16, #tpu.memory_space<hbm>> -> memref<512x64xbf16, #tpu.memory_space<hbm>>
    %dma_wait3A_243 = arith.constant 0 : i32
    %dma_wait3A_244 = arith.constant 0 : i32
    %dma_wait3A_245 = tpu.memref_slice %arg5[%dma_wait3A_243, %dma_wait3A_244] : memref<819200x64xbf16, #tpu.memory_space<hbm>> -> memref<512x64xbf16, #tpu.memory_space<hbm>>
    tpu.wait_dma2 semaphore(%arg15 : memref<!tpu.dma_semaphore, #tpu.memory_space<semaphore_mem>>) src(%arg11 : memref<512x64xbf16, #tpu.memory_space<vmem>>) dst(%dma_wait3A_245 : memref<512x64xbf16, #tpu.memory_space<hbm>>)
    %scan3A_246 = arith.constant 0 : i32
    %scan3A_247 = arith.constant 0 : i32
    %scan3A_248 = arith.constant 512 : i32
    %scan3A_249 = arith.addi %scan3A_247, %scan3A_248 : i32
    %scan3A_250 = arith.constant 1 : i32
    scf.for %scan3A_272 = %scan3A_247 to %scan3A_249 step %scan3A_250  : i32 {
      %add3A_273 = arith.constant 25088 : i32
      %add3A_274 = arith.addi %add3A_273, %scan3A_272 : i32
      %get3A = arith.index_cast %add3A_274 : i32 to index
      %get3A_275 = tpu.vector_load %arg7[%get3A] {strides = array<i32>} : memref<25616xf32, #tpu.memory_space<vmem>>, vector<16xf32>,
      %slice3A = vector.extract_strided_slice %get3A_275 {offsets = [0], sizes = [1], strides = [1]} : vector<16xf32> to vector<1xf32>
      %squeeze3A = vector.extract %slice3A[0] : f32 from vector<1xf32>
      %sub3A = arith.constant 1.000000e+00 : f32
      %sub3A_276 = arith.subf %sub3A, %squeeze3A : f32
      %broadcast_in_dim3A = vector.broadcast %sub3A_276 : f32 to vector<16xf32>
      %get3A_277 = arith.index_cast %scan3A_272 : i32 to index
      %get3A_278 = arith.constant 0 : index
      %get3A_279 = tpu.vector_load %arg9[%get3A_277, %get3A_278] {strides = array<i32>} : memref<512x32xf32, #tpu.memory_space<vmem>>, vector<16xf32>,
      %add3A_280 = arith.addf %get3A_279, %get3A_279 : vector<16xf32>
      %exp3A = math.exp %add3A_280 : vector<16xf32>
      %add3A_281 = arith.constant 1.000000e+00 : f32
      %add3A_282 = vector.broadcast %add3A_281 : f32 to vector<16xf32>
      %add3A_283 = arith.addf %exp3A, %add3A_282 : vector<16xf32>
      %div3A = arith.constant 2.000000e+00 : f32
      %div3A_284 = vector.broadcast %div3A : f32 to vector<16xf32>
      %div3A_285 = arith.divf %div3A_284, %add3A_283 : vector<16xf32>
      %sub3A_286 = arith.constant 1.000000e+00 : f32
      %sub3A_287 = vector.broadcast %sub3A_286 : f32 to vector<16xf32>
      %sub3A_288 = arith.subf %sub3A_287, %div3A_285 : vector<16xf32>
      %mul3A_289 = arith.mulf %sub3A_288, %sub3A_288 : vector<16xf32>
      %mul3A_290 = arith.constant 0.178206727 : f32
      %mul3A_291 = vector.broadcast %mul3A_290 : f32 to vector<16xf32>
      %mul3A_292 = arith.mulf %mul3A_289, %mul3A_291 : vector<16xf32>
      %add3A_293 = arith.constant -1.28735542 : f32
      %add3A_294 = vector.broadcast %add3A_293 : f32 to vector<16xf32>
      %add3A_295 = arith.addf %add3A_294, %mul3A_292 : vector<16xf32>
      %mul3A_296 = arith.mulf %mul3A_289, %add3A_295 : vector<16xf32>
      %add3A_297 = arith.constant 4.04196453 : f32
      %add3A_298 = vector.broadcast %add3A_297 : f32 to vector<16xf32>
      %add3A_299 = arith.addf %add3A_298, %mul3A_296 : vector<16xf32>
      %mul3A_300 = arith.mulf %mul3A_289, %add3A_299 : vector<16xf32>
      %add3A_301 = arith.constant -4.93273544 : f32
      %add3A_302 = vector.broadcast %add3A_301 : f32 to vector<16xf32>
      %add3A_303 = arith.addf %add3A_302, %mul3A_300 : vector<16xf32>
      %mul3A_304 = arith.mulf %mul3A_289, %add3A_303 : vector<16xf32>
      %add3A_305 = arith.constant 0.999958992 : f32
      %add3A_306 = vector.broadcast %add3A_305 : f32 to vector<16xf32>
      %add3A_307 = arith.addf %add3A_306, %mul3A_304 : vector<16xf32>
      %mul3A_308 = arith.constant -0.437798977 : f32
      %mul3A_309 = vector.broadcast %mul3A_308 : f32 to vector<16xf32>
      %mul3A_310 = arith.mulf %mul3A_289, %mul3A_309 : vector<16xf32>
      %add3A_311 = arith.constant 2.4346664 : f32
      %add3A_312 = vector.broadcast %add3A_311 : f32 to vector<16xf32>
      %add3A_313 = arith.addf %add3A_312, %mul3A_310 : vector<16xf32>
      %mul3A_314 = arith.mulf %mul3A_289, %add3A_313 : vector<16xf32>
      %add3A_315 = arith.constant -5.13638878 : f32
      %add3A_316 = vector.broadcast %add3A_315 : f32 to vector<16xf32>
      %add3A_317 = arith.addf %add3A_316, %mul3A_314 : vector<16xf32>
      %mul3A_318 = arith.mulf %mul3A_289, %add3A_317 : vector<16xf32>
      %add3A_319 = arith.constant 3.13927698 : f32
      %add3A_320 = vector.broadcast %add3A_319 : f32 to vector<16xf32>
      %add3A_321 = arith.addf %add3A_320, %mul3A_318 : vector<16xf32>
      %mul3A_322 = arith.mulf %sub3A_288, %add3A_321 : vector<16xf32>
      %mul3A_323 = arith.mulf %add3A_307, %broadcast_in_dim3A : vector<16xf32>
      %mul3A_324 = arith.mulf %mul3A_322, %broadcast_in_dim3A : vector<16xf32>
      %pack3A = tpu.pack_subelements %mul3A_323, %mul3A_324 {pack_format = #tpu.pack_format<interleaved>, positions = array<i32: 0, 1>} : vector<16xf32>, vector<16xf32> -> vector<32xbf16>
      %swap3A = arith.index_cast %scan3A_272 : i32 to index
      %swap3A_325 = arith.constant 0 : index
      %swap3A_326 = tpu.vector_load %arg11[%swap3A, %swap3A_325] {strides = array<i32>} : memref<512x64xbf16, #tpu.memory_space<vmem>>, vector<32xbf16>,
      tpu.vector_store %arg11[%swap3A, %swap3A_325], %pack3A {strides = array<i32>} : memref<512x64xbf16, #tpu.memory_space<vmem>>, vector<32xbf16>,
      %get3A_327 = arith.index_cast %scan3A_272 : i32 to index
      %get3A_328 = arith.constant 16 : index
      %get3A_329 = tpu.vector_load %arg9[%get3A_327, %get3A_328] {strides = array<i32>} : memref<512x32xf32, #tpu.memory_space<vmem>>, vector<16xf32>,
      %add3A_330 = arith.addf %get3A_329, %get3A_329 : vector<16xf32>
      %exp3A_331 = math.exp %add3A_330 : vector<16xf32>
      %add3A_332 = arith.constant 1.000000e+00 : f32
      %add3A_333 = vector.broadcast %add3A_332 : f32 to vector<16xf32>
      %add3A_334 = arith.addf %exp3A_331, %add3A_333 : vector<16xf32>
      %div3A_335 = arith.constant 2.000000e+00 : f32
      %div3A_336 = vector.broadcast %div3A_335 : f32 to vector<16xf32>
      %div3A_337 = arith.divf %div3A_336, %add3A_334 : vector<16xf32>
      %sub3A_338 = arith.constant 1.000000e+00 : f32
      %sub3A_339 = vector.broadcast %sub3A_338 : f32 to vector<16xf32>
      %sub3A_340 = arith.subf %sub3A_339, %div3A_337 : vector<16xf32>
      %mul3A_341 = arith.mulf %sub3A_340, %sub3A_340 : vector<16xf32>
      %mul3A_342 = arith.constant 0.178206727 : f32
      %mul3A_343 = vector.broadcast %mul3A_342 : f32 to vector<16xf32>
      %mul3A_344 = arith.mulf %mul3A_341, %mul3A_343 : vector<16xf32>
      %add3A_345 = arith.constant -1.28735542 : f32
      %add3A_346 = vector.broadcast %add3A_345 : f32 to vector<16xf32>
      %add3A_347 = arith.addf %add3A_346, %mul3A_344 : vector<16xf32>
      %mul3A_348 = arith.mulf %mul3A_341, %add3A_347 : vector<16xf32>
      %add3A_349 = arith.constant 4.04196453 : f32
      %add3A_350 = vector.broadcast %add3A_349 : f32 to vector<16xf32>
      %add3A_351 = arith.addf %add3A_350, %mul3A_348 : vector<16xf32>
      %mul3A_352 = arith.mulf %mul3A_341, %add3A_351 : vector<16xf32>
      %add3A_353 = arith.constant -4.93273544 : f32
      %add3A_354 = vector.broadcast %add3A_353 : f32 to vector<16xf32>
      %add3A_355 = arith.addf %add3A_354, %mul3A_352 : vector<16xf32>
      %mul3A_356 = arith.mulf %mul3A_341, %add3A_355 : vector<16xf32>
      %add3A_357 = arith.constant 0.999958992 : f32
      %add3A_358 = vector.broadcast %add3A_357 : f32 to vector<16xf32>
      %add3A_359 = arith.addf %add3A_358, %mul3A_356 : vector<16xf32>
      %mul3A_360 = arith.constant -0.437798977 : f32
      %mul3A_361 = vector.broadcast %mul3A_360 : f32 to vector<16xf32>
      %mul3A_362 = arith.mulf %mul3A_341, %mul3A_361 : vector<16xf32>
      %add3A_363 = arith.constant 2.4346664 : f32
      %add3A_364 = vector.broadcast %add3A_363 : f32 to vector<16xf32>
      %add3A_365 = arith.addf %add3A_364, %mul3A_362 : vector<16xf32>
      %mul3A_366 = arith.mulf %mul3A_341, %add3A_365 : vector<16xf32>
      %add3A_367 = arith.constant -5.13638878 : f32
      %add3A_368 = vector.broadcast %add3A_367 : f32 to vector<16xf32>
      %add3A_369 = arith.addf %add3A_368, %mul3A_366 : vector<16xf32>
      %mul3A_370 = arith.mulf %mul3A_341, %add3A_369 : vector<16xf32>
      %add3A_371 = arith.constant 3.13927698 : f32
      %add3A_372 = vector.broadcast %add3A_371 : f32 to vector<16xf32>
      %add3A_373 = arith.addf %add3A_372, %mul3A_370 : vector<16xf32>
      %mul3A_374 = arith.mulf %sub3A_340, %add3A_373 : vector<16xf32>
      %mul3A_375 = arith.mulf %add3A_359, %broadcast_in_dim3A : vector<16xf32>
      %mul3A_376 = arith.mulf %mul3A_374, %broadcast_in_dim3A : vector<16xf32>
      %pack3A_377 = tpu.pack_subelements %mul3A_375, %mul3A_376 {pack_format = #tpu.pack_format<interleaved>, positions = array<i32: 0, 1>} : vector<16xf32>, vector<16xf32> -> vector<32xbf16>
      %swap3A_378 = arith.index_cast %scan3A_272 : i32 to index
      %swap3A_379 = arith.constant 32 : index
      %swap3A_380 = tpu.vector_load %arg11[%swap3A_378, %swap3A_379] {strides = array<i32>} : memref<512x64xbf16, #tpu.memory_space<vmem>>, vector<32xbf16>,
      tpu.vector_store %arg11[%swap3A_378, %swap3A_379], %pack3A_377 {strides = array<i32>} : memref<512x64xbf16, #tpu.memory_space<vmem>>, vector<32xbf16>,
    }
    %scan3A_251 = arith.constant 512 : i32
    %mul3A_252 = arith.constant 25600 : i32
    %mul3A_253 = arith.muli %add3A, %mul3A_252 : i32
    %add3A_254 = arith.constant 25088 : i32
    %add3A_255 = arith.addi %mul3A_253, %add3A_254 : i32
    %dma_start3A_256 = arith.constant 0 : i32
    %dma_start3A_257 = tpu.memref_slice %arg5[%add3A_255, %dma_start3A_256] : memref<819200x64xbf16, #tpu.memory_space<hbm>> -> memref<512x64xbf16, #tpu.memory_space<hbm>>
    %dma_start3A_258 = arith.constant 0 : i32
    %dma_start3A_259 = tpu.memref_slice %arg5[%add3A_255, %dma_start3A_258] : memref<819200x64xbf16, #tpu.memory_space<hbm>> -> memref<512x64xbf16, #tpu.memory_space<hbm>>
    tpu.enqueue_dma source(%arg11 : memref<512x64xbf16, #tpu.memory_space<vmem>>) target(%dma_start3A_259 : memref<512x64xbf16, #tpu.memory_space<hbm>>) target_semaphore(%arg15 : memref<!tpu.dma_semaphore, #tpu.memory_space<semaphore_mem>>)
    %dma_wait3A_260 = arith.constant 0 : i32
    %dma_wait3A_261 = arith.constant 0 : i32
    %dma_wait3A_262 = tpu.memref_slice %arg5[%dma_wait3A_260, %dma_wait3A_261] : memref<819200x64xbf16, #tpu.memory_space<hbm>> -> memref<512x64xbf16, #tpu.memory_space<hbm>>
    %dma_wait3A_263 = arith.constant 0 : i32
    %dma_wait3A_264 = arith.constant 0 : i32
    %dma_wait3A_265 = tpu.memref_slice %arg5[%dma_wait3A_263, %dma_wait3A_264] : memref<819200x64xbf16, #tpu.memory_space<hbm>> -> memref<512x64xbf16, #tpu.memory_space<hbm>>
    tpu.wait_dma2 semaphore(%arg14 : memref<!tpu.dma_semaphore, #tpu.memory_space<semaphore_mem>>) src(%arg10 : memref<512x64xbf16, #tpu.memory_space<vmem>>) dst(%dma_wait3A_265 : memref<512x64xbf16, #tpu.memory_space<hbm>>)
    %dma_wait3A_266 = arith.constant 0 : i32
    %dma_wait3A_267 = arith.constant 0 : i32
    %dma_wait3A_268 = tpu.memref_slice %arg5[%dma_wait3A_266, %dma_wait3A_267] : memref<819200x64xbf16, #tpu.memory_space<hbm>> -> memref<512x64xbf16, #tpu.memory_space<hbm>>
    %dma_wait3A_269 = arith.constant 0 : i32
    %dma_wait3A_270 = arith.constant 0 : i32
    %dma_wait3A_271 = tpu.memref_slice %arg5[%dma_wait3A_269, %dma_wait3A_270] : memref<819200x64xbf16, #tpu.memory_space<hbm>> -> memref<512x64xbf16, #tpu.memory_space<hbm>>
    tpu.wait_dma2 semaphore(%arg15 : memref<!tpu.dma_semaphore, #tpu.memory_space<semaphore_mem>>) src(%arg11 : memref<512x64xbf16, #tpu.memory_space<vmem>>) dst(%dma_wait3A_271 : memref<512x64xbf16, #tpu.memory_space<hbm>>)
    return
  }
}

</mosaic_0001>

<sc_bundles>
// kernel: kernel.3.cloned.1.call-start
scs
__scs_entry_jumppad:
0x0: {  	(pc) =	sbr.rel $0x88, $3  }
0x1: {  	(tag) =	ssettag $0x0;
	lr =	simm.s32 $0x1  }
0x2: {  	[smem:$0x3F9E] =	sst lr;
	_ =	strace $0xD0000000  }
0x3: {  	_ = 	snop  }
0x4: {  	_ = 	snop  }
0x5: {  	_ = 	snop  }
0x6: {  	_ = 	snop  }
0x7: {  	_ = 	snop  }
__scs_overlays_trampoline_lowered:
0x8: {  	[smem:$0x3FAD] =	sst s0  }
0x9: {  	[smem:$0x3FAE] =	sst s1  }
0xa: {  	[smem:$0x3FAF] =	sst s2  }
0xb: {  	[smem:$0x3FB0] =	sst s3  }
0xc: {  	[smem:$0x3FB1] =	sst s4  }
0xd: {  	[smem:$0x3FB2] =	sst s5  }
0xe: {  	[smem:$0x3FB3] =	sst s6  }
0xf: {  	[smem:$0x3FB4] =	sst s7  }
0x10: {  	[smem:$0x3FB5] =	sst s8  }
0x11: {  	[smem:$0x3FB6] =	sst s9;
	s0 =	simm.s32 @!p0 $0x0  }
0x12: {  	s1 =	sld [smem:$0x3F9C];
	s0 =	simm.s32 @p0 $0x1  }
0x13: {  	[smem:$0x3FB7] =	sst s0;
	s0 =	simm.s32 @!p1 $0x0  }
0x14: {  	s2 =	sld [smem:$0x3F9B];
	s0 =	simm.s32 @p1 $0x1  }
0x15: {  	[smem:$0x3FB8] =	sst s0;
	s0 =	simm.s32 @!p2 $0x0  }
0x16: {  	s3 =	sld [smem:$0x3FDB];
	s0 =	simm.s32 @p2 $0x1  }
0x17: {  	s4 =	simm.s32 $0x1BF5;
	[smem:$0x3FBA] =	sst s0  }
0x18: {  	s0 =	sld [smem:$0x3F9D];
	_ =	swait.ge [sflag:s4], $0x0  }
0x19: {  	s7 =	sld [smem:$0x3F9E]  }
0x1a: {  	s8 =	sadd.s32 $0xFFFFE003, lr  }
0x1b: {  	s9 =	sadd.s32 $0xFFFFFEF7, lr;
	s5 =	simm.s32 $0xFFFFFFFF;
	p2 =	slt.u32 s8, $0xFFFFF086  }
0x1c: {  	p1 =	slt.u32 s9, $0xF7A;
	s5 =	simm.s32 @!p2 $0x0  }
0x1d: {  	s5 =	simm.s32 @p1 $0x1;
	p0 =	seq.s32 s7, s2  }
0x1e: {  	s7 =	smul.u32 @!p0 $0xF7A, s2;
	p2 =	seq.s32 @!p0 s5, $0x0  }
0x1f: {  	s9 =	smul.u32 $0xF7A, s1;
	s8 =	simm.s32 @!p0 $0x1BF5;
	p2 =	por !p2, p0  }
0x20: {  	[sflag:s8] =	ssyncset.s32 @!p0 $0xFFFFF086;
	s6 =	sadd.s32 @!p0 s3, s7;
	s7 =	simm.s32 @!p0 $0x108  }
0x21: {  	s3 =	sadd.s32 s3, s9;
	s6 =	sadd.s32 @!p0 $0x88, s6;
	s7 =	simm.s32 @p2 $0x1082  }
0x22: {  	[simem:s7], [sflag:s8] =	dma.local @!p0 [hbm:s6], $0xF7A  }
0x23: {  	s9 =	sor.u32 $0xD0000000, s2;
	s6 =	simm.s32 $0x108;
	_ =	swait.ge @!p0 [sflag:s8], $0x0  }
0x24: {  	s3 =	sadd.s32 $0x88, s3;
	s6 =	simm.s32 @!p1 $0x1082;
	[sflag:s4] =	ssyncset.s32 $0xFFFFF086  }
0x25: {  	[simem:s6], [sflag:s4] =	dma.local [hbm:s3], $0xF7A  }
0x26: {  	[smem:$0x3F9E] =	sst s1;
	(tag) =	ssettag s2;
	_ =	strace s9  }
0x27: {  	s1 =	sld [smem:$0x3FAE]  }
0x28: {  	s2 =	sld [smem:$0x3FAF]  }
0x29: {  	s4 =	sld [smem:$0x3FB1]  }
0x2a: {  	p0 =	seq.s32 s5, $0x0;
	s5 =	sld [smem:$0x3FB2]  }
0x2b: {  	s6 =	sld [smem:$0x3FB3]  }
0x2c: {  	s7 =	sld [smem:$0x3FB4]  }
0x2d: {  	s3 =	simm.s32 $0x108;
	s8 =	sld [smem:$0x3FB5]  }
0x2e: {  	s3 =	simm.s32 @!p0 $0x1082;
	s9 =	sld [smem:$0x3FB6]  }
0x2f: {  	lr =	sadd.s32 s0, s3;
	s0 =	sld [smem:$0x3FAD]  }
0x30: {  	s3 =	sld [smem:$0x3FB0]  }
0x31: {  	[smem:$0x3FB9] =	sst s10  }
0x32: {  	s10 =	sld [smem:$0x3FB7];
	_ =	sdelay $0x3  }
0x33: {  	p0 =	seq.s32 s10, $0x1;
	s10 =	sld [smem:$0x3FB9];
	_ =	sdelay $0x3  }
0x34: {  	[smem:$0x3FB9] =	sst s10  }
0x35: {  	s10 =	sld [smem:$0x3FB8];
	_ =	sdelay $0x3  }
0x36: {  	p1 =	seq.s32 s10, $0x1;
	s10 =	sld [smem:$0x3FB9];
	_ =	sdelay $0x3  }
0x37: {  	[smem:$0x3FB9] =	sst s10  }
0x38: {  	s10 =	sld [smem:$0x3FBA]  }
0x39: {  	_ = 	snop;
	(pc) =	sbr.ind lr, $3  }
0x3a: {  	_ = 	snop  }
0x3b: {  	_ = 	snop  }
0x3c: {  	p2 =	seq.s32 s10, $0x1;
	s10 =	sld [smem:$0x3FB9]  }
0x3d: {  	_ =	shalt  }
0x3e: {  	_ =	shalt  }
0x3f: {  	_ =	shalt  }
0x40: {  	_ =	shalt  }
0x41: {  	_ =	shalt  }
0x42: {  	_ =	shalt  }
0x43: {  	_ =	shalt  }
0x44: {  	_ =	shalt  }
0x45: {  	_ =	shalt  }
0x46: {  	_ =	shalt  }
0x47: {  	_ =	shalt  }
0x48: {  	_ =	shalt  }
0x49: {  	_ =	shalt  }
0x4a: {  	_ =	shalt  }
0x4b: {  	_ =	shalt  }
0x4c: {  	_ =	shalt  }
0x4d: {  	_ =	shalt  }
0x4e: {  	_ =	shalt  }
0x4f: {  	_ =	shalt  }
0x50: {  	_ =	shalt  }
0x51: {  	_ =	shalt  }
0x52: {  	_ =	shalt  }
0x53: {  	_ =	shalt  }
0x54: {  	_ =	shalt  }
0x55: {  	_ =	shalt  }
0x56: {  	_ =	shalt  }
0x57: {  	_ =	shalt  }
0x58: {  	_ =	shalt  }
0x59: {  	_ =	shalt  }
0x5a: {  	_ =	shalt  }
0x5b: {  	_ =	shalt  }
0x5c: {  	_ =	shalt  }
0x5d: {  	_ =	shalt  }
0x5e: {  	_ =	shalt  }
0x5f: {  	_ =	shalt  }
0x60: {  	_ =	shalt  }
0x61: {  	_ =	shalt  }
0x62: {  	_ =	shalt  }
0x63: {  	_ =	shalt  }
0x64: {  	_ =	shalt  }
0x65: {  	_ =	shalt  }
0x66: {  	_ =	shalt  }
0x67: {  	_ =	shalt  }
0x68: {  	_ =	shalt  }
0x69: {  	_ =	shalt  }
0x6a: {  	_ =	shalt  }
0x6b: {  	_ =	shalt  }
0x6c: {  	_ =	shalt  }
0x6d: {  	_ =	shalt  }
0x6e: {  	_ =	shalt  }
0x6f: {  	_ =	shalt  }
0x70: {  	_ =	shalt  }
0x71: {  	_ =	shalt  }
0x72: {  	_ =	shalt  }
0x73: {  	_ =	shalt  }
0x74: {  	_ =	shalt  }
0x75: {  	_ =	shalt  }
0x76: {  	_ =	shalt  }
0x77: {  	_ =	shalt  }
0x78: {  	_ =	shalt  }
0x79: {  	_ =	shalt  }
0x7a: {  	_ =	shalt  }
0x7b: {  	_ =	shalt  }
0x7c: {  	_ =	shalt  }
0x7d: {  	_ =	shalt  }
0x7e: {  	_ =	shalt  }
0x7f: {  	_ =	shalt  }
0x80: {  	_ =	shalt  }
0x81: {  	_ =	shalt  }
0x82: {  	_ =	shalt  }
0x83: {  	_ =	shalt  }
0x84: {  	_ =	shalt  }
0x85: {  	_ =	shalt  }
0x86: {  	_ =	shalt  }
0x87: {  	_ =	shalt  }
.Lfunc_end0:
.L_simem_size_0:
called_computation.1_lowered:
.L_overlay_start_0:
0x88: {  	s2 =	sld [smem:$0x3FD9]  }
0x89: {  	s3 =	sld [smem:$0x3FFE];
	_ =	sdelay $0x1  }
0x8a: {  	s1 =	srdreg.scid  }
0x8b: {  	s0 =	sand.u32 $0x1, s1  }
0x8c: {  	s17 =	sshll.u32 s0, $0xA;
	s2 =	sadd.s32 s3, s2  }
0x8d: {  	s2 =	sadd.s32 s2, s17  }
0x8e: {  	[smem:$0x3FC5] =	sst s2  }
0x8f: {  	_ = 	snop  }
0x90: {  	s2 =	sld [smem:$0x3FD0];
	(tm) =	ssettm $0x1  }
0x91: {  	s18 =	sld [smem:$0x3FFB];
	_ =	sdelay $0x3  }
0x92: {  	_ =	strace s18  }
0x93: {  	s3 =	sld [smem:$0x3FFC];
	_ =	sdelay $0x3  }
0x94: {  	_ =	strace s3  }
0x95: {  	s3 =	sld [smem:$0x3FFD];
	_ =	sdelay $0x3  }
0x96: {  	_ =	strace s3  }
0x97: {  	_ =	strace $0x8FFFFFFF  }
0x98: {  	s19 =	sld [smem:$0x3FDB];
	_ =	sdelay $0x1  }
0x99: {  	s4 =	simm.s32 $_scs_section_size  }
0x9a: {  	s5 =	simm.s32 $_size__tile_overlayer_lowered;
	s6 =	simm.s32 $_tile_overlayer_lowered  }
0x9b: {  	s22 =	simm.s32 $0x1BFF;
	s21 =	sshll.u32 s6, $0x1;
	s3 =	sadd.s32 s4, s19  }
0x9c: {  	s7 =	simm.s32 $0x0;
	s20 =	sshll.u32 s5, $0x1;
	s5 =	sadd.s32 s21, s3  }
0x9d: {  	[timem:s7], [sflag:s22] =	dma.local [hbm:s5], s20  }
0x9e: {  	_ =	swait.ge [sflag:s22], s20  }
0x9f: {  	s4 =	ssub.s32 $0x0, s20;
	[sflag:s22] =	ssyncset.done $0x0  }
0xa0: {  	[sflag:s22] =	ssyncadd.s32 s4;
	_ =	sdelay $0x1  }
0xa1: {  	s23 =	simm.s32 $0x1B8B  }
0xa2: {  	_ =	swait.ge [sflag:s23], $0x1  }
0xa3: {  	[sflag:s23] =	ssyncset.done $0x0  }
0xa4: {  	s25 =	simm.s32 $0x1B8E;
	s24 =	sld [smem:$0x3FFE];
	[sflag:s23] =	ssyncadd.s32 $0xFFFFFFFF  }
0xa5: {  	s26 =	simm.s32 $execute0_lowered;
	[smem:$0x3FD2] =	sst s25  }
0xa6: {  	s5 =	sshll.u32 s26, $0x1;
	_ =	strace $0x80000046;
	[dreg:$0x1] =	wrdreg $0xFFFFFFFF  }
0xa7: {  	s28 =	simm.s32 $_size_execute0_lowered;
	s3 =	sadd.s32 s3, s5;
	[dreg:$0x0] =	wrdreg $0x0  }
0xa8: {  	s5 =	sshll.u32 s28, $0x1;
	[dreg:$0x2] =	wrdreg s3  }
0xa9: {  	[dreg:$0x3] =	wrdreg s5  }
0xaa: {  	[dreg:$0x4] =	wrdreg $0xC0  }
0xab: {  	_ =	task [dreg:s7], $0x5FFFF  }
0xac: {  	[dreg:$0x1] =	wrdreg $0xFFFFFFFF  }
0xad: {  	[dreg:$0x0] =	wrdreg $0x60  }
0xae: {  	[dreg:$0x2] =	wrdreg s24  }
0xaf: {  	[dreg:$0x3] =	wrdreg s2  }
0xb0: {  	[dreg:$0x4] =	wrdreg $0x9  }
0xb1: {  	_ =	task.clear_ibuf [dreg:s7], $0x5FFFF;
	_ =	strace $0x90000046  }
0xb2: {  	s29 =	simm.s32 $0x9;
	_ =	strace $0x80000048  }
0xb3: {  	_ =	swait.ge [sflag:s29], $0x1  }
0xb4: {  	[sflag:s29] =	ssyncadd.s32 $0xFFFFFFFF  }
0xb5: {  	_ =	strace $0x90000048  }
0xb6: {  	_ =	sfence  }
0xb7: {  	s30 =	sld [smem:$0x0];
	_ =	sdelay $0x2  }
0xb8: {  	s31 =	sshll.u32 s1, $0xD;
	s1 =	sshrl.u32 s1, $0x2  }
0xb9: {  	s3 =	sand.u32 $0x4000, s31;
	s1 =	sadd.s32 s1, s30  }
0xba: {  	s0 =	sor.u32 s3, s0;
	s1 =	sshll.u32 s1, $0x11  }
0xbb: {  	s0 =	sor.u32 s1, s0  }
0xbc: {  	s0 =	sadd.s32 $0x8F2B, s0  }
0xbd: {  	[sflag:s0] =	ssyncadd.remote.s32 $0x1  }
0xbe: {  	_ =	sfence.sel $0xFFFF  }
0xbf: {  	[dreg:$0x0] =	wrdreg $0xFFFFFFFF;
	(pc) =	sbr.abs _section_cstart, $3  }
0xc0: {  	[dreg:$0x1] =	wrdreg $0xFFFFFFFF  }
0xc1: {  	_ =	task.clear_ibuf [dreg:s7], $0x2FFFF;
	_ =	strace $0x9FFFFFFF  }
0xc2: {  	(tm) =	ssettm $0x7FFFFFFF  }
0xc3: {  	_ =	shalt  }
tec
execute0_lowered:
.L_overlay_start_1:
0x0: {  	(tag) =	ssettag $0x1  }
0x1: {  	s0 =	rddreg [dreg:$0x0]  }
0x2: {  	s1 =	srdreg.scid;
	s3 =	stileid.u32  }
0x3: {  	s2 =	rddreg [dreg:$0x1];
	s13 =	simm.s32 $0x5;
	s14 =	simm.s32 $0x80  }
0x4: {  	s15 =	simm.s32 $0xC810;
	s16 =	simm.s32 $0xD810;
	s18 =	simm.s32 $0xE810  }
0x5: {  	s20 =	simm.s32 $0xF810;
	s29 =	simm.s32 $0x13810;
	s30 =	simm.s32 $0x1  }
0x6: {  	s31 =	simm.s32 $0x14810;
	s1 =	sand.u32 $0x1, s1;
	s4 =	sshll.u32 s3, $0x1  }
0x7: {  	s21 =	simm.s32 $0x2;
	s17 =	simm.s32 $0x3;
	s5 =	sor.u32 s1, s4  }
0x8: {  	s19 =	simm.s32 $0x4;
	s3 =	simm.s32 $0x0;
	s6 =	smul.u32 $0xC80, s5  }
0x9: {  	[smem:$0x7FF] =	sst s3;
	s1 =	ssub.s32 $0x2, s1;
	s8 =	smul.u32 $0x19000, s5  }
0xa: {  	s4 =	smul.u32 $0x190000, s5;
	s7 =	sshrl.u32 s1, $0x1;
	s5 =	sadd.s32 $0x32E00, s0  }
0xb: {  	_ =	strace $0x80000047;
	s22 =	ssub.s32 s1, s7;
	s25 =	sadd.s32 s5, s8  }
0xc: {  	s6 =	sadd.s32 s6, s0;
	s0 =	smax.u32 s22, $0x1;
	[dreg:$0x4] =	wrdreg s25  }
0xd: {  	s23 =	sshrl.u32 s4, $0x4;
	s24 =	sadd.s32 $0x19E00, s6;
	[dreg:$0x9] =	wrdreg s0  }
0xe: {  	s22 =	simm.s32 $0x10810;
	s6 =	sadd.s32 $0xE00, s6;
	[dreg:$0x3] =	wrdreg s24  }
0xf: {  	s1 =	sadd.s32 s5, s23;
	s26 =	sadd.s32 $0x800, s25;
	[dreg:$0x5] =	wrdreg s6  }
0x10: {  	s23 =	simm.s32 $0x18810;
	[dreg:$0x6] =	wrdreg s26;
	s28 =	sadd.s32 $0x18000, s1  }
0x11: {  	s25 =	simm.s32 $0x0;
	s1 =	sadd.s32 $0x18800, s1;
	[dreg:$0x7] =	wrdreg s28  }
0x12: {  	s24 =	simm.s32 $0x11810;
	s26 =	simm.s32 $0x12810;
	[dreg:$0x8] =	wrdreg s1  }
.LBB2_1:
0x13: {  	s0 =	rddreg [dreg:$0x3]  }
0x14: {  	[tilespmem:s3], [sflag:$0x5] =	stream.linear.gather [hbm4b:s0+s3], $0x6400, $0x38;
	[tilespmem:$0x1C810] =	vst v63  }
0x15: {  	_ =	swait.ge [sflag:s13], $0x6400  }
0x16: {  	[sflag:s13] =	ssyncset.done $0x0  }
0x17: {  	s1 =	simm.s32 $0x6400;
	s7 =	rddreg [dreg:$0x5];
	[sflag:s13] =	ssyncadd.s32 $0xFFFF9C00  }
0x18: {  	[tilespmem:s1], [sflag:$0x5] =	stream.linear.gather [hbm4b:s7+s3], $0x6400, $0x38;
	[tilespmem:$0x1C810] =	vst v63  }
0x19: {  	_ =	swait.ge [sflag:s13], $0x6400  }
0x1a: {  	[sflag:s13] =	ssyncset.done $0x0  }
0x1b: {  	[sflag:s13] =	ssyncadd.s32 $0xFFFF9C00  }
0x1c: {  	[tilespmem:s15], [sflag:$0x1] =	stream.indirect.gather [hbm4b:s2+s14], $0x20, s3, s14, $0xb8;
	[tilespmem:$0x1C810] =	vst v63  }
0x1d: {  	_ = 	snop  }
0x1e: {  	[tilespmem:s16], [sflag:$0x1] =	stream.indirect.gather [hbm4b:s2+s14], $0x20, s14, s14, $0xb8;
	[tilespmem:$0x1C810] =	vst v63  }
0x1f: {  	s8 =	simm.s32 $0x100  }
0x20: {  	[tilespmem:s18], [sflag:$0x1] =	stream.indirect.gather [hbm4b:s2+s14], $0x20, s8, s14, $0xb8;
	[tilespmem:$0x1C810] =	vst v63  }
0x21: {  	s9 =	simm.s32 $0x180  }
0x22: {  	[tilespmem:s20], [sflag:$0x1] =	stream.indirect.gather [hbm4b:s2+s14], $0x20, s9, s14, $0xb8;
	[tilespmem:$0x1C810] =	vst v63  }
0x23: {  	s10 =	simm.s32 $0x200  }
0x24: {  	[tilespmem:s22], [sflag:$0x2] =	stream.indirect.gather [hbm4b:s2+s14], $0x20, s10, s14, $0xb8;
	[tilespmem:$0x1C810] =	vst v63  }
0x25: {  	s11 =	simm.s32 $0x280  }
0x26: {  	[tilespmem:s24], [sflag:$0x2] =	stream.indirect.gather [hbm4b:s2+s14], $0x20, s11, s14, $0xb8;
	[tilespmem:$0x1C810] =	vst v63  }
0x27: {  	s12 =	simm.s32 $0x300  }
0x28: {  	[tilespmem:s26], [sflag:$0x2] =	stream.indirect.gather [hbm4b:s2+s14], $0x20, s12, s14, $0xb8;
	[tilespmem:$0x1C810] =	vst v63  }
0x29: {  	s28 =	simm.s32 $0x380  }
0x2a: {  	[tilespmem:s29], [sflag:$0x2] =	stream.indirect.gather [hbm4b:s2+s14], $0x20, s28, s14, $0xb8;
	[tilespmem:$0x1C810] =	vst v63  }
0x2b: {  	_ =	swait.ge [sflag:s30], $0x4000  }
0x2c: {  	[sflag:s30] =	ssyncset.done $0x0  }
0x2d: {  	s6 =	simm.s32 $0x0;
	[sflag:s30] =	ssyncadd.s32 $0xFFFFC000  }
0x2e: {  	v0 =	vld [tilespmem:s6+$0xC810]  }
0x2f: {  	v1 =	vld [tilespmem:s6+$0xC820];
	_ =	sdelay $0x3  }
0x30: {  	v0 =	vadd.f32 v0, v0  }
0x31: {  	v1 =	vadd.f32 v1, v1  }
0x32: {  	v0 =	vmul.f32 $1.442695020e+00, v0  }
0x33: {  	v1 =	vmul.f32 $1.442695020e+00, v1  }
0x34: {  	(erf) = vpow2.f32 v0  }
0x35: {  	(erf) = vpow2.f32 v1;
	_ =	sdelay $0x7  }
0x36: {  	v0 =	vpop (erf)  }
0x37: {  	v0 =	vadd.f32 $1.000000000e+00, v0;
	v1 =	vpop (erf)  }
0x38: {  	v1 =	vadd.f32 $1.000000000e+00, v1  }
0x39: {  	(erf) = vrcp.f32 v0  }
0x3a: {  	(erf) = vrcp.f32 v1;
	_ =	sdelay $0x3  }
0x3b: {  	s0 =	simm.s32 $0x20  }
0x3c: {  	v0 =	vld [tilespmem:s0+$0xC810]  }
0x3d: {  	v1 =	vld [tilespmem:s1+$0x0]  }
0x3e: {  	v3 =	vld [tilespmem:s0+$0xC820]  }
0x3f: {  	v2 =	vpop (erf)  }
0x40: {  	v2 =	vadd.f32 v2, v2;
	v4 =	vpop (erf)  }
0x41: {  	v0 =	vadd.f32 v0, v0;
	v4 =	vadd.f32 v4, v4  }
0x42: {  	(v2sf) =	vpush v1, $0x0;
	v2 =	vsub.f32 $1.000000000e+00, v2  }
0x43: {  	v1 =	vadd.f32 v3, v3;
	v4 =	vsub.f32 $1.000000000e+00, v4  }
0x44: {  	v0 =	vmul.f32 $1.442695020e+00, v0;
	v5 =	vmul.f32 v2, v2  }
0x45: {  	v1 =	vmul.f32 $1.442695020e+00, v1;
	v3 =	vmul.f32 v4, v4  }
0x46: {  	(erf) = vpow2.f32 v0;
	v6 =	vmul.f32 $1.782067270e-01, v5  }
0x47: {  	(erf) = vpow2.f32 v1;
	v7 =	vmul.f32 $1.782067270e-01, v3  }
0x48: {  	v8 =	vmul.f32 $4.377989770e-01, v5;
	v6 =	vadd.f32 $-1.287355420e+00, v6  }
0x49: {  	v0 =	vmul.f32 $4.377989770e-01, v3;
	v7 =	vadd.f32 $-1.287355420e+00, v7  }
0x4a: {  	v8 =	vsub.f32 $2.434666400e+00, v8;
	v6 =	vmul.f32 v6, v5  }
0x4b: {  	v0 =	vsub.f32 $2.434666400e+00, v0;
	v1 =	vmul.f32 v7, v3  }
0x4c: {  	v58 =	vmul.f32 v8, v5;
	v6 =	vadd.f32 $4.041964530e+00, v6  }
0x4d: {  	v0 =	vmul.f32 v0, v3;
	v1 =	vadd.f32 $4.041964530e+00, v1  }
0x4e: {  	v7 =	vadd.f32 $-5.136388780e+00, v58;
	v6 =	vmul.f32 v6, v5  }
0x4f: {  	v59 =	vpop (erf);
	v0 =	vadd.f32 $-5.136388780e+00, v0;
	v1 =	vmul.f32 v1, v3  }
0x50: {  	v61 =	vadd.f32 $1.000000000e+00, v59;
	v62 =	vpop (erf);
	v7 =	vmul.f32 v7, v5;
	v6 =	vadd.f32 $-4.932735440e+00, v6  }
0x51: {  	v63 =	vadd.f32 $1.000000000e+00, v62;
	v0 =	vmul.f32 v0, v3;
	v1 =	vadd.f32 $-4.932735440e+00, v1  }
0x52: {  	(erf) = vrcp.f32 v61;
	v60 =	vadd.f32 $3.139276980e+00, v7;
	v5 =	vmul.f32 v6, v5  }
0x53: {  	s7 =	spop (v2sf);
	(erf) = vrcp.f32 v63;
	v0 =	vadd.f32 $3.139276980e+00, v0;
	v1 =	vmul.f32 v1, v3  }
0x54: {  	s7 =	ssub.f32 $1.000000000e+00, s7;
	v2 =	vmul.f32 v60, v2;
	v3 =	vadd.f32 $9.999589920e-01, v5  }
0x55: {  	v4 =	vmul.f32 v0, v4;
	v0 =	vadd.f32 $9.999589920e-01, v1  }
0x56: {  	v2 =	vmul.f32 s7, v2;
	v3 =	vmul.f32 s7, v3  }
0x57: {  	v1 =	vmul.f32 s7, v4;
	v0 =	vmul.f32 s7, v0  }
0x58: {  	s8 =	simm.s32 $0x40;
	s7 =	simm.s32 $0x180;
	v2 =	vpack.i.f32.bf16 v2, v3  }
.LBB2_2:
0x59: {  	p0 =	sne.s32 s7, $0xFF80;
	v3 =	vld [tilespmem:s8+$0xC810];
	[tilespmem:s6+$0x14810] =	vst v2;
	v0 =	vpack.i.f32.bf16 v1, v0  }
0x5a: {  	s1 =	sadd.s32 $0x1, s1;
	v1 =	vld [tilespmem:s8+$0xC820];
	[tilespmem:s6+$0x14820] =	vst v0;
	s6 =	smov.u32 s0;
	s0 =	smov.u32 s8  }
0x5b: {  	v0 =	vld [tilespmem:s1+$0x0];
	v2 =	vpop (erf)  }
0x5c: {  	v2 =	vadd.f32 v2, v2;
	v4 =	vpop (erf)  }
0x5d: {  	v4 =	vadd.f32 v4, v4  }
0x5e: {  	v3 =	vadd.f32 v3, v3;
	v2 =	vsub.f32 $1.000000000e+00, v2  }
0x5f: {  	v1 =	vadd.f32 v1, v1;
	v4 =	vsub.f32 $1.000000000e+00, v4  }
0x60: {  	v3 =	vmul.f32 $1.442695020e+00, v3;
	v5 =	vmul.f32 v2, v2;
	(v2sf) =	vpush v0, $0x0  }
0x61: {  	v0 =	vmul.f32 $1.442695020e+00, v1;
	v1 =	vmul.f32 v4, v4  }
0x62: {  	(erf) = vpow2.f32 v3;
	v3 =	vmul.f32 $1.782067270e-01, v5  }
0x63: {  	(erf) = vpow2.f32 v0;
	v0 =	vmul.f32 $1.782067270e-01, v1  }
0x64: {  	v6 =	vmul.f32 $4.377989770e-01, v5;
	v3 =	vadd.f32 $-1.287355420e+00, v3  }
0x65: {  	v7 =	vmul.f32 $4.377989770e-01, v1;
	v0 =	vadd.f32 $-1.287355420e+00, v0  }
0x66: {  	v6 =	vsub.f32 $2.434666400e+00, v6;
	v3 =	vmul.f32 v3, v5  }
0x67: {  	v7 =	vsub.f32 $2.434666400e+00, v7;
	v0 =	vmul.f32 v0, v1  }
0x68: {  	v6 =	vmul.f32 v6, v5;
	v3 =	vadd.f32 $4.041964530e+00, v3  }
0x69: {  	v7 =	vmul.f32 v7, v1;
	v0 =	vadd.f32 $4.041964530e+00, v0  }
0x6a: {  	v6 =	vadd.f32 $-5.136388780e+00, v6;
	v3 =	vmul.f32 v3, v5  }
0x6b: {  	v7 =	vadd.f32 $-5.136388780e+00, v7;
	v8 =	vpop (erf);
	v0 =	vmul.f32 v0, v1  }
0x6c: {  	v6 =	vmul.f32 v6, v5;
	v8 =	vadd.f32 $1.000000000e+00, v8;
	v9 =	vpop (erf);
	v3 =	vadd.f32 $-4.932735440e+00, v3  }
0x6d: {  	v7 =	vmul.f32 v7, v1;
	v9 =	vadd.f32 $1.000000000e+00, v9;
	v0 =	vadd.f32 $-4.932735440e+00, v0  }
0x6e: {  	(erf) = vrcp.f32 v8;
	v3 =	vmul.f32 v3, v5;
	v5 =	vadd.f32 $3.139276980e+00, v6  }
0x6f: {  	(erf) = vrcp.f32 v9;
	v0 =	vmul.f32 v0, v1;
	v1 =	vadd.f32 $3.139276980e+00, v7;
	s8 =	spop (v2sf)  }
.Ltmp0:
0x70: {  	s8 =	ssub.f32 $1.000000000e+00, s8;
	v3 =	vadd.f32 $9.999589920e-01, v3;
	v2 =	vmul.f32 v5, v2;
	(pc) =	sbr.rel @p0 .LBB2_2-.Ltmp0, $4  }
0x71: {  	v0 =	vadd.f32 $9.999589920e-01, v0;
	v1 =	vmul.f32 v1, v4  }
0x72: {  	v3 =	vmul.f32 s8, v3;
	v2 =	vmul.f32 s8, v2  }
0x73: {  	v0 =	vmul.f32 s8, v0;
	v1 =	vmul.f32 s8, v1  }
0x74: {  	s8 =	sshra.s32 s7, $0x2;
	s7 =	sadd.s32 $0x80, s7;
	v2 =	vpack.i.f32.bf16 v2, v3  }
0x75: {  	v3 =	vld [tilespmem:s8+$0xC810];
	[tilespmem:s6+$0x14810] =	vst v2;
	v0 =	vpack.i.f32.bf16 v1, v0  }
0x76: {  	s1 =	sadd.s32 $0x1, s1;
	v1 =	vld [tilespmem:s8+$0xC820];
	[tilespmem:s6+$0x14820] =	vst v0  }
0x77: {  	v0 =	vld [tilespmem:s1+$0x0];
	v2 =	vpop (erf)  }
0x78: {  	v2 =	vadd.f32 v2, v2;
	v4 =	vpop (erf)  }
0x79: {  	v4 =	vadd.f32 v4, v4  }
0x7a: {  	v3 =	vadd.f32 v3, v3;
	v2 =	vsub.f32 $1.000000000e+00, v2  }
0x7b: {  	v1 =	vadd.f32 v1, v1;
	v4 =	vsub.f32 $1.000000000e+00, v4  }
0x7c: {  	v3 =	vmul.f32 $1.442695020e+00, v3;
	v5 =	vmul.f32 v2, v2;
	(v2sf) =	vpush v0, $0x0  }
0x7d: {  	v0 =	vmul.f32 $1.442695020e+00, v1;
	v1 =	vmul.f32 v4, v4  }
0x7e: {  	(erf) = vpow2.f32 v3;
	v3 =	vmul.f32 $1.782067270e-01, v5  }
0x7f: {  	(erf) = vpow2.f32 v0;
	v0 =	vmul.f32 $1.782067270e-01, v1  }
0x80: {  	v6 =	vmul.f32 $4.377989770e-01, v5;
	v3 =	vadd.f32 $-1.287355420e+00, v3  }
0x81: {  	v7 =	vmul.f32 $4.377989770e-01, v1;
	v0 =	vadd.f32 $-1.287355420e+00, v0  }
0x82: {  	v6 =	vsub.f32 $2.434666400e+00, v6;
	v3 =	vmul.f32 v3, v5  }
0x83: {  	v7 =	vsub.f32 $2.434666400e+00, v7;
	v0 =	vmul.f32 v0, v1  }
0x84: {  	v6 =	vmul.f32 v6, v5;
	v3 =	vadd.f32 $4.041964530e+00, v3  }
0x85: {  	v7 =	vmul.f32 v7, v1;
	v0 =	vadd.f32 $4.041964530e+00, v0  }
0x86: {  	v6 =	vadd.f32 $-5.136388780e+00, v6;
	v3 =	vmul.f32 v3, v5  }
0x87: {  	v7 =	vadd.f32 $-5.136388780e+00, v7;
	v8 =	vpop (erf);
	v0 =	vmul.f32 v0, v1  }
0x88: {  	v6 =	vmul.f32 v6, v5;
	v8 =	vadd.f32 $1.000000000e+00, v8;
	v9 =	vpop (erf);
	v3 =	vadd.f32 $-4.932735440e+00, v3  }
0x89: {  	v7 =	vmul.f32 v7, v1;
	v9 =	vadd.f32 $1.000000000e+00, v9;
	v0 =	vadd.f32 $-4.932735440e+00, v0  }
0x8a: {  	v57 =	vadd.f32 $3.139276980e+00, v6;
	(erf) = vrcp.f32 v8;
	v3 =	vmul.f32 v3, v5  }
0x8b: {  	(erf) = vrcp.f32 v9;
	v0 =	vmul.f32 v0, v1;
	v1 =	vadd.f32 $3.139276980e+00, v7;
	s9 =	spop (v2sf)  }
0x8c: {  	v2 =	vmul.f32 v57, v2;
	s6 =	ssub.f32 $1.000000000e+00, s9;
	v3 =	vadd.f32 $9.999589920e-01, v3  }
0x8d: {  	v0 =	vadd.f32 $9.999589920e-01, v0;
	v1 =	vmul.f32 v1, v4  }
0x8e: {  	v3 =	vmul.f32 s6, v3;
	v2 =	vmul.f32 s6, v2  }
0x8f: {  	v0 =	vmul.f32 s6, v0;
	v1 =	vmul.f32 s6, v1  }
0x90: {  	v2 =	vpack.i.f32.bf16 v2, v3  }
0x91: {  	[tilespmem:s0+$0x14810] =	vst v2;
	v0 =	vpack.i.f32.bf16 v1, v0  }
0x92: {  	s10 =	sadd.s32 $0x1, s1;
	[tilespmem:s0+$0x14820] =	vst v0  }
0x93: {  	v0 =	vld [tilespmem:s10+$0x0];
	v1 =	vpop (erf)  }
0x94: {  	v1 =	vadd.f32 v1, v1;
	v2 =	vpop (erf)  }
0x95: {  	v2 =	vadd.f32 v2, v2  }
0x96: {  	v1 =	vsub.f32 $1.000000000e+00, v1  }
0x97: {  	v2 =	vsub.f32 $1.000000000e+00, v2  }
0x98: {  	v3 =	vmul.f32 v1, v1;
	(v2sf) =	vpush v0, $0x0  }
0x99: {  	v0 =	vmul.f32 v2, v2  }
0x9a: {  	v58 =	vmul.f32 $1.782067270e-01, v3  }
0x9b: {  	v59 =	vmul.f32 $1.782067270e-01, v0  }
0x9c: {  	v60 =	vmul.f32 $4.377989770e-01, v3;
	v4 =	vadd.f32 $-1.287355420e+00, v58  }
0x9d: {  	v61 =	vmul.f32 $4.377989770e-01, v0;
	v5 =	vadd.f32 $-1.287355420e+00, v59  }
0x9e: {  	v6 =	vsub.f32 $2.434666400e+00, v60;
	v4 =	vmul.f32 v4, v3  }
0x9f: {  	v7 =	vsub.f32 $2.434666400e+00, v61;
	v5 =	vmul.f32 v5, v0  }
0xa0: {  	v6 =	vmul.f32 v6, v3;
	v4 =	vadd.f32 $4.041964530e+00, v4  }
0xa1: {  	v7 =	vmul.f32 v7, v0;
	v5 =	vadd.f32 $4.041964530e+00, v5  }
0xa2: {  	v6 =	vadd.f32 $-5.136388780e+00, v6;
	v4 =	vmul.f32 v4, v3  }
0xa3: {  	v7 =	vadd.f32 $-5.136388780e+00, v7;
	v5 =	vmul.f32 v5, v0  }
0xa4: {  	v6 =	vmul.f32 v6, v3;
	v4 =	vadd.f32 $-4.932735440e+00, v4  }
0xa5: {  	v7 =	vmul.f32 v7, v0;
	v5 =	vadd.f32 $-4.932735440e+00, v5  }
0xa6: {  	v62 =	vadd.f32 $3.139276980e+00, v6;
	v3 =	vmul.f32 v4, v3  }
0xa7: {  	v63 =	vadd.f32 $3.139276980e+00, v7;
	v0 =	vmul.f32 v5, v0;
	s11 =	spop (v2sf)  }
0xa8: {  	v1 =	vmul.f32 v62, v1;
	s0 =	ssub.f32 $1.000000000e+00, s11;
	v3 =	vadd.f32 $9.999589920e-01, v3  }
0xa9: {  	v2 =	vmul.f32 v63, v2;
	v0 =	vadd.f32 $9.999589920e-01, v0  }
0xaa: {  	v3 =	vmul.f32 s0, v3;
	v1 =	vmul.f32 s0, v1  }
0xab: {  	v2 =	vmul.f32 s0, v2;
	v0 =	vmul.f32 s0, v0  }
0xac: {  	v1 =	vpack.i.f32.bf16 v1, v3  }
0xad: {  	[tilespmem:s8+$0x14810] =	vst v1;
	v0 =	vpack.i.f32.bf16 v2, v0  }
0xae: {  	s12 =	simm.s32 $0x0;
	s28 =	rddreg [dreg:$0x4];
	[tilespmem:s8+$0x14820] =	vst v0  }
0xaf: {  	[hbm4b:s28+s12] =	stream.linear.scatter [tilespmem:s31], [sflag:$0x3], $0x4000, $0x38;
	[tilespmem:$0x1C810] =	vst v63  }
0xb0: {  	s6 =	simm.s32 $0x400  }
0xb1: {  	[tilespmem:s15], [sflag:$0x1] =	stream.indirect.gather [hbm4b:s2+s14], $0x20, s6, s14, $0xb8;
	[tilespmem:$0x1C810] =	vst v63  }
0xb2: {  	s7 =	simm.s32 $0x480  }
0xb3: {  	[tilespmem:s16], [sflag:$0x1] =	stream.indirect.gather [hbm4b:s2+s14], $0x20, s7, s14, $0xb8;
	[tilespmem:$0x1C810] =	vst v63  }
0xb4: {  	s8 =	simm.s32 $0x500  }
0xb5: {  	[tilespmem:s18], [sflag:$0x1] =	stream.indirect.gather [hbm4b:s2+s14], $0x20, s8, s14, $0xb8;
	[tilespmem:$0x1C810] =	vst v63  }
0xb6: {  	s9 =	simm.s32 $0x580  }
0xb7: {  	[tilespmem:s20], [sflag:$0x1] =	stream.indirect.gather [hbm4b:s2+s14], $0x20, s9, s14, $0xb8;
	[tilespmem:$0x1C810] =	vst v63  }
0xb8: {  	_ =	swait.ge [sflag:s21], $0x4000  }
0xb9: {  	[sflag:s21] =	ssyncset.done $0x0  }
0xba: {  	s10 =	simm.s32 $0x10820;
	[sflag:s21] =	ssyncadd.s32 $0xFFFFC000  }
0xbb: {  	v0 =	vld [tilespmem:s10+$0xFFFFFFF0];
	_ =	sdelay $0x4  }
0xbc: {  	v0 =	vadd.f32 v0, v0;
	_ =	sdelay $0x1  }
0xbd: {  	v0 =	vmul.f32 $1.442695020e+00, v0;
	_ =	sdelay $0x1  }
0xbe: {  	(erf) = vpow2.f32 v0;
	_ =	sdelay $0x8  }
0xbf: {  	v0 =	vpop (erf)  }
0xc0: {  	v0 =	vadd.f32 $1.000000000e+00, v0;
	_ =	sdelay $0x1  }
0xc1: {  	(erf) = vrcp.f32 v0;
	_ =	sdelay $0x7  }
0xc2: {  	s0 =	sand.u32 $0x1FF, s12  }
0xc3: {  	v0 =	vld [tilespmem:s0+$0x6600];
	v1 =	vpop (erf)  }
0xc4: {  	v1 =	vadd.f32 v1, v1;
	_ =	sdelay $0x1  }
0xc5: {  	v1 =	vsub.f32 $1.000000000e+00, v1;
	_ =	sdelay $0x1  }
0xc6: {  	(v2sf) =	vpush v0, $0x0;
	v2 =	vmul.f32 v1, v1;
	_ =	sdelay $0x1  }
0xc7: {  	v0 =	vmul.f32 $1.782067270e-01, v2;
	_ =	sdelay $0x1  }
0xc8: {  	v3 =	vmul.f32 $4.377989770e-01, v2;
	v0 =	vadd.f32 $-1.287355420e+00, v0;
	_ =	sdelay $0x1  }
0xc9: {  	v3 =	vsub.f32 $2.434666400e+00, v3;
	v0 =	vmul.f32 v0, v2;
	_ =	sdelay $0x1  }
0xca: {  	v3 =	vmul.f32 v3, v2;
	v0 =	vadd.f32 $4.041964530e+00, v0;
	_ =	sdelay $0x1  }
0xcb: {  	v3 =	vadd.f32 $-5.136388780e+00, v3;
	v0 =	vmul.f32 v0, v2;
	_ =	sdelay $0x1  }
0xcc: {  	v3 =	vmul.f32 v3, v2;
	v0 =	vadd.f32 $-4.932735440e+00, v0;
	_ =	sdelay $0x1  }
0xcd: {  	v0 =	vmul.f32 v0, v2;
	v2 =	vadd.f32 $3.139276980e+00, v3  }
0xce: {  	s11 =	spop (v2sf)  }
0xcf: {  	s12 =	ssub.f32 $1.000000000e+00, s11;
	v0 =	vadd.f32 $9.999589920e-01, v0;
	v1 =	vmul.f32 v2, v1;
	_ =	sdelay $0x1  }
0xd0: {  	v0 =	vmul.f32 s12, v0;
	v1 =	vmul.f32 s12, v1;
	_ =	sdelay $0x1  }
0xd1: {  	s0 =	simm.s32 $0x18820;
	v0 =	vpack.i.f32.bf16 v1, v0  }
0xd2: {  	[tilespmem:s0+$0xFFFFFFF0] =	vst v0  }
0xd3: {  	v0 =	vld [tilespmem:s10+$0x0];
	_ =	sdelay $0x4  }
0xd4: {  	v0 =	vadd.f32 v0, v0;
	_ =	sdelay $0x1  }
0xd5: {  	v0 =	vmul.f32 $1.442695020e+00, v0;
	_ =	sdelay $0x1  }
0xd6: {  	(erf) = vpow2.f32 v0;
	_ =	sdelay $0x8  }
0xd7: {  	v0 =	vpop (erf)  }
0xd8: {  	v0 =	vadd.f32 $1.000000000e+00, v0;
	_ =	sdelay $0x1  }
0xd9: {  	(erf) = vrcp.f32 v0;
	_ =	sdelay $0x8  }
0xda: {  	v0 =	vpop (erf)  }
0xdb: {  	v0 =	vadd.f32 v0, v0;
	_ =	sdelay $0x1  }
0xdc: {  	v0 =	vsub.f32 $1.000000000e+00, v0;
	_ =	sdelay $0x1  }
0xdd: {  	v1 =	vmul.f32 v0, v0;
	_ =	sdelay $0x1  }
0xde: {  	v2 =	vmul.f32 $1.782067270e-01, v1;
	_ =	sdelay $0x1  }
0xdf: {  	v3 =	vmul.f32 $4.377989770e-01, v1;
	v2 =	vadd.f32 $-1.287355420e+00, v2;
	_ =	sdelay $0x1  }
0xe0: {  	v3 =	vsub.f32 $2.434666400e+00, v3;
	v2 =	vmul.f32 v2, v1;
	_ =	sdelay $0x1  }
0xe1: {  	v3 =	vmul.f32 v3, v1;
	v2 =	vadd.f32 $4.041964530e+00, v2;
	_ =	sdelay $0x1  }
0xe2: {  	v3 =	vadd.f32 $-5.136388780e+00, v3;
	v2 =	vmul.f32 v2, v1;
	_ =	sdelay $0x1  }
0xe3: {  	v3 =	vmul.f32 v3, v1;
	v2 =	vadd.f32 $-4.932735440e+00, v2;
	_ =	sdelay $0x1  }
0xe4: {  	v1 =	vmul.f32 v2, v1;
	v2 =	vadd.f32 $3.139276980e+00, v3;
	_ =	sdelay $0x1  }
0xe5: {  	v1 =	vadd.f32 $9.999589920e-01, v1;
	v0 =	vmul.f32 v2, v0;
	_ =	sdelay $0x1  }
0xe6: {  	v1 =	vmul.f32 s12, v1;
	v0 =	vmul.f32 s12, v0;
	_ =	sdelay $0x1  }
0xe7: {  	v0 =	vpack.i.f32.bf16 v0, v1  }
0xe8: {  	s1 =	simm.s32 $0x10840;
	s28 =	simm.s32 $0x1;
	[tilespmem:s0+$0x0] =	vst v0  }
0xe9: {  	s6 =	simm.s32 $0x2;
	s7 =	sand.u32 $0x1FF, s28;
	v0 =	vld [tilespmem:s1+$0xFFFFFFF0]  }
.LBB2_4:
0xea: {  	p0 =	sne.s32 s6, $0x1FF;
	v1 =	vld [tilespmem:s7+$0x6600];
	_ =	sdelay $0x3  }
0xeb: {  	v0 =	vadd.f32 v0, v0;
	_ =	sdelay $0x1  }
0xec: {  	v0 =	vmul.f32 $1.442695020e+00, v0;
	_ =	sdelay $0x1  }
0xed: {  	(erf) = vpow2.f32 v0;
	_ =	sdelay $0x8  }
0xee: {  	v0 =	vpop (erf)  }
0xef: {  	v0 =	vadd.f32 $1.000000000e+00, v0;
	_ =	sdelay $0x1  }
0xf0: {  	(erf) = vrcp.f32 v0;
	_ =	sdelay $0x8  }
0xf1: {  	v0 =	vpop (erf)  }
0xf2: {  	v0 =	vadd.f32 v0, v0;
	_ =	sdelay $0x1  }
0xf3: {  	v0 =	vsub.f32 $1.000000000e+00, v0;
	_ =	sdelay $0x1  }
0xf4: {  	v2 =	vmul.f32 v0, v0;
	(v2sf) =	vpush v1, $0x0;
	_ =	sdelay $0x1  }
0xf5: {  	v1 =	vmul.f32 $1.782067270e-01, v2;
	_ =	sdelay $0x1  }
0xf6: {  	v3 =	vmul.f32 $4.377989770e-01, v2;
	v1 =	vadd.f32 $-1.287355420e+00, v1;
	_ =	sdelay $0x1  }
0xf7: {  	v3 =	vsub.f32 $2.434666400e+00, v3;
	v1 =	vmul.f32 v1, v2;
	_ =	sdelay $0x1  }
0xf8: {  	v3 =	vmul.f32 v3, v2;
	v1 =	vadd.f32 $4.041964530e+00, v1;
	_ =	sdelay $0x1  }
0xf9: {  	v3 =	vadd.f32 $-5.136388780e+00, v3;
	v1 =	vmul.f32 v1, v2;
	_ =	sdelay $0x1  }
0xfa: {  	v3 =	vmul.f32 v3, v2;
	v1 =	vadd.f32 $-4.932735440e+00, v1;
	_ =	sdelay $0x1  }
0xfb: {  	v1 =	vmul.f32 v1, v2;
	v2 =	vadd.f32 $3.139276980e+00, v3  }
0xfc: {  	s7 =	spop (v2sf)  }
0xfd: {  	s7 =	ssub.f32 $1.000000000e+00, s7;
	v1 =	vadd.f32 $9.999589920e-01, v1;
	v0 =	vmul.f32 v2, v0;
	_ =	sdelay $0x1  }
0xfe: {  	v1 =	vmul.f32 s7, v1;
	v0 =	vmul.f32 s7, v0;
	_ =	sdelay $0x1  }
0xff: {  	s0 =	sadd.s32 $0x20, s0;
	v0 =	vpack.i.f32.bf16 v0, v1  }
0x100: {  	[tilespmem:s0+$0xFFFFFFF0] =	vst v0  }
0x101: {  	v0 =	vld [tilespmem:s1+$0x0];
	_ =	sdelay $0x4  }
0x102: {  	v0 =	vadd.f32 v0, v0;
	_ =	sdelay $0x1  }
0x103: {  	v0 =	vmul.f32 $1.442695020e+00, v0;
	_ =	sdelay $0x1  }
0x104: {  	(erf) = vpow2.f32 v0;
	_ =	sdelay $0x8  }
0x105: {  	v0 =	vpop (erf)  }
0x106: {  	v0 =	vadd.f32 $1.000000000e+00, v0;
	_ =	sdelay $0x1  }
0x107: {  	(erf) = vrcp.f32 v0;
	_ =	sdelay $0x8  }
0x108: {  	v0 =	vpop (erf)  }
0x109: {  	v0 =	vadd.f32 v0, v0;
	_ =	sdelay $0x1  }
0x10a: {  	v0 =	vsub.f32 $1.000000000e+00, v0;
	_ =	sdelay $0x1  }
0x10b: {  	v1 =	vmul.f32 v0, v0;
	_ =	sdelay $0x1  }
0x10c: {  	v2 =	vmul.f32 $1.782067270e-01, v1;
	_ =	sdelay $0x1  }
0x10d: {  	v3 =	vmul.f32 $4.377989770e-01, v1;
	v2 =	vadd.f32 $-1.287355420e+00, v2;
	_ =	sdelay $0x1  }
0x10e: {  	v3 =	vsub.f32 $2.434666400e+00, v3;
	v2 =	vmul.f32 v2, v1;
	_ =	sdelay $0x1  }
0x10f: {  	v3 =	vmul.f32 v3, v1;
	v2 =	vadd.f32 $4.041964530e+00, v2;
	_ =	sdelay $0x1  }
0x110: {  	v3 =	vadd.f32 $-5.136388780e+00, v3;
	v2 =	vmul.f32 v2, v1;
	_ =	sdelay $0x1  }
0x111: {  	v3 =	vmul.f32 v3, v1;
	v2 =	vadd.f32 $-4.932735440e+00, v2;
	_ =	sdelay $0x1  }
0x112: {  	v1 =	vmul.f32 v2, v1;
	v2 =	vadd.f32 $3.139276980e+00, v3;
	_ =	sdelay $0x1  }
0x113: {  	v1 =	vadd.f32 $9.999589920e-01, v1;
	v0 =	vmul.f32 v2, v0;
	_ =	sdelay $0x1  }
.Ltmp1:
0x114: {  	v1 =	vmul.f32 s7, v1;
	v0 =	vmul.f32 s7, v0;
	(pc) =	sbr.rel @p0 .LBB2_4-.Ltmp1, $4  }
0x115: {  	_ = 	snop  }
0x116: {  	v0 =	vpack.i.f32.bf16 v0, v1  }
0x117: {  	s1 =	sadd.s32 $0x20, s1;
	[tilespmem:s0+$0x0] =	vst v0  }
0x118: {  	s7 =	sand.u32 $0x1FF, s6;
	s6 =	sadd.s32 $0x1, s6;
	v0 =	vld [tilespmem:s1+$0xFFFFFFF0]  }
0x119: {  	_ =	sdelay $0x3  }
0x11a: {  	v0 =	vadd.f32 v0, v0;
	_ =	sdelay $0x1  }
0x11b: {  	v0 =	vmul.f32 $1.442695020e+00, v0;
	_ =	sdelay $0x1  }
0x11c: {  	(erf) = vpow2.f32 v0;
	_ =	sdelay $0x8  }
0x11d: {  	v0 =	vpop (erf)  }
0x11e: {  	v0 =	vadd.f32 $1.000000000e+00, v0;
	_ =	sdelay $0x1  }
0x11f: {  	(erf) = vrcp.f32 v0;
	_ =	sdelay $0x8  }
0x120: {  	v57 =	vld [tilespmem:s7+$0x6600];
	v1 =	vpop (erf)  }
0x121: {  	v1 =	vadd.f32 v1, v1;
	_ =	sdelay $0x1  }
0x122: {  	v1 =	vsub.f32 $1.000000000e+00, v1;
	_ =	sdelay $0x1  }
0x123: {  	(v2sf) =	vpush v57, $0x0;
	v2 =	vmul.f32 v1, v1;
	_ =	sdelay $0x1  }
0x124: {  	v58 =	vmul.f32 $1.782067270e-01, v2;
	_ =	sdelay $0x1  }
0x125: {  	v3 =	vmul.f32 $4.377989770e-01, v2;
	v0 =	vadd.f32 $-1.287355420e+00, v58;
	_ =	sdelay $0x1  }
0x126: {  	v3 =	vsub.f32 $2.434666400e+00, v3;
	v0 =	vmul.f32 v0, v2;
	_ =	sdelay $0x1  }
0x127: {  	v3 =	vmul.f32 v3, v2;
	v0 =	vadd.f32 $4.041964530e+00, v0;
	_ =	sdelay $0x1  }
0x128: {  	v3 =	vadd.f32 $-5.136388780e+00, v3;
	v0 =	vmul.f32 v0, v2;
	_ =	sdelay $0x1  }
0x129: {  	v3 =	vmul.f32 v3, v2;
	v0 =	vadd.f32 $-4.932735440e+00, v0;
	_ =	sdelay $0x1  }
0x12a: {  	v59 =	vadd.f32 $3.139276980e+00, v3;
	v0 =	vmul.f32 v0, v2  }
0x12b: {  	s6 =	spop (v2sf)  }
0x12c: {  	s6 =	ssub.f32 $1.000000000e+00, s6;
	v1 =	vmul.f32 v59, v1;
	v0 =	vadd.f32 $9.999589920e-01, v0;
	_ =	sdelay $0x1  }
0x12d: {  	v1 =	vmul.f32 s6, v1;
	v0 =	vmul.f32 s6, v0;
	_ =	sdelay $0x1  }
0x12e: {  	s0 =	sadd.s32 $0x20, s0;
	v0 =	vpack.i.f32.bf16 v1, v0  }
0x12f: {  	[tilespmem:s0+$0xFFFFFFF0] =	vst v0  }
0x130: {  	v0 =	vld [tilespmem:s1+$0x0];
	_ =	sdelay $0x4  }
0x131: {  	v0 =	vadd.f32 v0, v0;
	_ =	sdelay $0x1  }
0x132: {  	v0 =	vmul.f32 $1.442695020e+00, v0;
	_ =	sdelay $0x1  }
0x133: {  	(erf) = vpow2.f32 v0;
	_ =	sdelay $0x8  }
0x134: {  	v0 =	vpop (erf)  }
0x135: {  	v0 =	vadd.f32 $1.000000000e+00, v0;
	_ =	sdelay $0x1  }
0x136: {  	(erf) = vrcp.f32 v0;
	_ =	sdelay $0x8  }
0x137: {  	v0 =	vpop (erf)  }
0x138: {  	v0 =	vadd.f32 v0, v0;
	_ =	sdelay $0x1  }
0x139: {  	v0 =	vsub.f32 $1.000000000e+00, v0;
	_ =	sdelay $0x1  }
0x13a: {  	v60 =	vmul.f32 v0, v0;
	_ =	sdelay $0x1  }
0x13b: {  	v61 =	vmul.f32 $1.782067270e-01, v60;
	_ =	sdelay $0x1  }
0x13c: {  	v62 =	vmul.f32 $4.377989770e-01, v60;
	v2 =	vadd.f32 $-1.287355420e+00, v61;
	_ =	sdelay $0x1  }
0x13d: {  	v3 =	vsub.f32 $2.434666400e+00, v62;
	v2 =	vmul.f32 v2, v60;
	_ =	sdelay $0x1  }
0x13e: {  	v3 =	vmul.f32 v3, v60;
	v2 =	vadd.f32 $4.041964530e+00, v2;
	_ =	sdelay $0x1  }
0x13f: {  	v3 =	vadd.f32 $-5.136388780e+00, v3;
	v2 =	vmul.f32 v2, v60;
	_ =	sdelay $0x1  }
0x140: {  	v3 =	vmul.f32 v3, v60;
	v2 =	vadd.f32 $-4.932735440e+00, v2;
	_ =	sdelay $0x1  }
0x141: {  	v63 =	vadd.f32 $3.139276980e+00, v3;
	v1 =	vmul.f32 v2, v60;
	_ =	sdelay $0x1  }
0x142: {  	v0 =	vmul.f32 v63, v0;
	v1 =	vadd.f32 $9.999589920e-01, v1;
	_ =	sdelay $0x1  }
0x143: {  	v0 =	vmul.f32 s6, v0;
	v1 =	vmul.f32 s6, v1;
	_ =	sdelay $0x1  }
0x144: {  	v0 =	vpack.i.f32.bf16 v0, v1  }
0x145: {  	s8 =	rddreg [dreg:$0x6];
	[tilespmem:s0+$0x0] =	vst v0  }
0x146: {  	[hbm4b:s8+s3] =	stream.linear.scatter [tilespmem:s23], [sflag:$0x4], $0x4000, $0x38;
	[tilespmem:$0x1C810] =	vst v63  }
0x147: {  	s9 =	simm.s32 $0x600  }
0x148: {  	[tilespmem:s22], [sflag:$0x2] =	stream.indirect.gather [hbm4b:s2+s14], $0x20, s9, s14, $0xb8;
	[tilespmem:$0x1C810] =	vst v63  }
0x149: {  	s10 =	simm.s32 $0x680  }
0x14a: {  	[tilespmem:s24], [sflag:$0x2] =	stream.indirect.gather [hbm4b:s2+s14], $0x20, s10, s14, $0xb8;
	[tilespmem:$0x1C810] =	vst v63  }
0x14b: {  	s11 =	simm.s32 $0x700  }
0x14c: {  	[tilespmem:s26], [sflag:$0x2] =	stream.indirect.gather [hbm4b:s2+s14], $0x20, s11, s14, $0xb8;
	[tilespmem:$0x1C810] =	vst v63  }
0x14d: {  	s12 =	simm.s32 $0x780  }
0x14e: {  	[tilespmem:s29], [sflag:$0x2] =	stream.indirect.gather [hbm4b:s2+s14], $0x20, s12, s14, $0xb8;
	[tilespmem:$0x1C810] =	vst v63  }
0x14f: {  	s28 =	simm.s32 $0x1;
	s1 =	simm.s32 $0x6800;
	s12 =	simm.s32 $0x6A00  }
.LBB2_6:
0x150: {  	_ =	swait.ge [sflag:s30], $0x4000  }
0x151: {  	[sflag:s30] =	ssyncset.done $0x0  }
0x152: {  	[sflag:s30] =	ssyncadd.s32 $0xFFFFC000  }
0x153: {  	_ =	swait.ge [sflag:s17], $0x4000  }
0x154: {  	[sflag:s17] =	ssyncset.done $0x0  }
0x155: {  	s9 =	simm.s32 $0x0;
	[sflag:s17] =	ssyncadd.s32 $0xFFFFC000  }
0x156: {  	v0 =	vld [tilespmem:s9+$0xC810]  }
0x157: {  	v1 =	vld [tilespmem:s9+$0xC820];
	_ =	sdelay $0x3  }
0x158: {  	v0 =	vadd.f32 v0, v0  }
0x159: {  	v1 =	vadd.f32 v1, v1  }
0x15a: {  	v0 =	vmul.f32 $1.442695020e+00, v0  }
0x15b: {  	v1 =	vmul.f32 $1.442695020e+00, v1  }
0x15c: {  	(erf) = vpow2.f32 v0  }
0x15d: {  	(erf) = vpow2.f32 v1;
	_ =	sdelay $0x7  }
0x15e: {  	v0 =	vpop (erf)  }
0x15f: {  	v0 =	vadd.f32 $1.000000000e+00, v0;
	v1 =	vpop (erf)  }
0x160: {  	v1 =	vadd.f32 $1.000000000e+00, v1  }
0x161: {  	(erf) = vrcp.f32 v0  }
0x162: {  	(erf) = vrcp.f32 v1;
	_ =	sdelay $0x3  }
0x163: {  	s6 =	simm.s32 $0x20  }
0x164: {  	v0 =	vld [tilespmem:s6+$0xC810]  }
0x165: {  	v1 =	vld [tilespmem:s1+$0x0]  }
0x166: {  	v3 =	vld [tilespmem:s6+$0xC820]  }
0x167: {  	v2 =	vpop (erf)  }
0x168: {  	v2 =	vadd.f32 v2, v2;
	v4 =	vpop (erf)  }
0x169: {  	v0 =	vadd.f32 v0, v0;
	v4 =	vadd.f32 v4, v4  }
0x16a: {  	(v2sf) =	vpush v1, $0x0;
	v2 =	vsub.f32 $1.000000000e+00, v2  }
0x16b: {  	v1 =	vadd.f32 v3, v3;
	v4 =	vsub.f32 $1.000000000e+00, v4  }
0x16c: {  	v0 =	vmul.f32 $1.442695020e+00, v0;
	v5 =	vmul.f32 v2, v2  }
0x16d: {  	v1 =	vmul.f32 $1.442695020e+00, v1;
	v3 =	vmul.f32 v4, v4  }
0x16e: {  	(erf) = vpow2.f32 v0;
	v6 =	vmul.f32 $1.782067270e-01, v5  }
0x16f: {  	(erf) = vpow2.f32 v1;
	v7 =	vmul.f32 $1.782067270e-01, v3  }
0x170: {  	v8 =	vmul.f32 $4.377989770e-01, v5;
	v6 =	vadd.f32 $-1.287355420e+00, v6  }
0x171: {  	v0 =	vmul.f32 $4.377989770e-01, v3;
	v7 =	vadd.f32 $-1.287355420e+00, v7  }
0x172: {  	v8 =	vsub.f32 $2.434666400e+00, v8;
	v6 =	vmul.f32 v6, v5  }
0x173: {  	v0 =	vsub.f32 $2.434666400e+00, v0;
	v1 =	vmul.f32 v7, v3  }
0x174: {  	v58 =	vmul.f32 v8, v5;
	v6 =	vadd.f32 $4.041964530e+00, v6  }
0x175: {  	v0 =	vmul.f32 v0, v3;
	v1 =	vadd.f32 $4.041964530e+00, v1  }
0x176: {  	v7 =	vadd.f32 $-5.136388780e+00, v58;
	v6 =	vmul.f32 v6, v5  }
0x177: {  	v59 =	vpop (erf);
	v0 =	vadd.f32 $-5.136388780e+00, v0;
	v1 =	vmul.f32 v1, v3  }
0x178: {  	v61 =	vadd.f32 $1.000000000e+00, v59;
	v62 =	vpop (erf);
	v7 =	vmul.f32 v7, v5;
	v6 =	vadd.f32 $-4.932735440e+00, v6  }
0x179: {  	v63 =	vadd.f32 $1.000000000e+00, v62;
	v0 =	vmul.f32 v0, v3;
	v1 =	vadd.f32 $-4.932735440e+00, v1  }
0x17a: {  	(erf) = vrcp.f32 v61;
	v60 =	vadd.f32 $3.139276980e+00, v7;
	v5 =	vmul.f32 v6, v5  }
0x17b: {  	s0 =	spop (v2sf);
	(erf) = vrcp.f32 v63;
	v0 =	vadd.f32 $3.139276980e+00, v0;
	v1 =	vmul.f32 v1, v3  }
0x17c: {  	s0 =	ssub.f32 $1.000000000e+00, s0;
	v2 =	vmul.f32 v60, v2;
	v3 =	vadd.f32 $9.999589920e-01, v5  }
0x17d: {  	v4 =	vmul.f32 v0, v4;
	v0 =	vadd.f32 $9.999589920e-01, v1  }
0x17e: {  	v2 =	vmul.f32 s0, v2;
	v3 =	vmul.f32 s0, v3  }
0x17f: {  	s8 =	sshll.u32 s28, $0xC;
	v1 =	vmul.f32 s0, v4;
	v0 =	vmul.f32 s0, v0  }
0x180: {  	s10 =	simm.s32 $0x40;
	s11 =	smov.u32 s1;
	s0 =	simm.s32 $0x180;
	v2 =	vpack.i.f32.bf16 v2, v3  }
.LBB2_7:
0x181: {  	p0 =	sne.s32 s0, $0xFF80;
	v3 =	vld [tilespmem:s10+$0xC810];
	[tilespmem:s9+$0x14810] =	vst v2;
	v0 =	vpack.i.f32.bf16 v1, v0  }
0x182: {  	s11 =	sadd.s32 $0x1, s11;
	v1 =	vld [tilespmem:s10+$0xC820];
	[tilespmem:s9+$0x14820] =	vst v0;
	s9 =	smov.u32 s6;
	s6 =	smov.u32 s10  }
0x183: {  	v0 =	vld [tilespmem:s11+$0x0];
	v2 =	vpop (erf)  }
0x184: {  	v2 =	vadd.f32 v2, v2;
	v4 =	vpop (erf)  }
0x185: {  	v4 =	vadd.f32 v4, v4  }
0x186: {  	v3 =	vadd.f32 v3, v3;
	v2 =	vsub.f32 $1.000000000e+00, v2  }
0x187: {  	v1 =	vadd.f32 v1, v1;
	v4 =	vsub.f32 $1.000000000e+00, v4  }
0x188: {  	v3 =	vmul.f32 $1.442695020e+00, v3;
	v5 =	vmul.f32 v2, v2;
	(v2sf) =	vpush v0, $0x0  }
0x189: {  	v0 =	vmul.f32 $1.442695020e+00, v1;
	v1 =	vmul.f32 v4, v4  }
0x18a: {  	(erf) = vpow2.f32 v3;
	v3 =	vmul.f32 $1.782067270e-01, v5  }
0x18b: {  	(erf) = vpow2.f32 v0;
	v0 =	vmul.f32 $1.782067270e-01, v1  }
0x18c: {  	v6 =	vmul.f32 $4.377989770e-01, v5;
	v3 =	vadd.f32 $-1.287355420e+00, v3  }
0x18d: {  	v7 =	vmul.f32 $4.377989770e-01, v1;
	v0 =	vadd.f32 $-1.287355420e+00, v0  }
0x18e: {  	v6 =	vsub.f32 $2.434666400e+00, v6;
	v3 =	vmul.f32 v3, v5  }
0x18f: {  	v7 =	vsub.f32 $2.434666400e+00, v7;
	v0 =	vmul.f32 v0, v1  }
0x190: {  	v6 =	vmul.f32 v6, v5;
	v3 =	vadd.f32 $4.041964530e+00, v3  }
0x191: {  	v7 =	vmul.f32 v7, v1;
	v0 =	vadd.f32 $4.041964530e+00, v0  }
0x192: {  	v6 =	vadd.f32 $-5.136388780e+00, v6;
	v3 =	vmul.f32 v3, v5  }
0x193: {  	v7 =	vadd.f32 $-5.136388780e+00, v7;
	v8 =	vpop (erf);
	v0 =	vmul.f32 v0, v1  }
0x194: {  	v6 =	vmul.f32 v6, v5;
	v8 =	vadd.f32 $1.000000000e+00, v8;
	v9 =	vpop (erf);
	v3 =	vadd.f32 $-4.932735440e+00, v3  }
0x195: {  	v7 =	vmul.f32 v7, v1;
	v9 =	vadd.f32 $1.000000000e+00, v9;
	v0 =	vadd.f32 $-4.932735440e+00, v0  }
0x196: {  	(erf) = vrcp.f32 v8;
	v3 =	vmul.f32 v3, v5;
	v5 =	vadd.f32 $3.139276980e+00, v6  }
0x197: {  	(erf) = vrcp.f32 v9;
	v0 =	vmul.f32 v0, v1;
	v1 =	vadd.f32 $3.139276980e+00, v7;
	s7 =	spop (v2sf)  }
.Ltmp2:
0x198: {  	s7 =	ssub.f32 $1.000000000e+00, s7;
	v3 =	vadd.f32 $9.999589920e-01, v3;
	v2 =	vmul.f32 v5, v2;
	(pc) =	sbr.rel @p0 .LBB2_7-.Ltmp2, $4  }
0x199: {  	v0 =	vadd.f32 $9.999589920e-01, v0;
	v1 =	vmul.f32 v1, v4  }
0x19a: {  	v3 =	vmul.f32 s7, v3;
	v2 =	vmul.f32 s7, v2  }
0x19b: {  	v0 =	vmul.f32 s7, v0;
	v1 =	vmul.f32 s7, v1  }
0x19c: {  	s10 =	sshra.s32 s0, $0x2;
	s0 =	sadd.s32 $0x80, s0;
	v2 =	vpack.i.f32.bf16 v2, v3  }
0x19d: {  	v3 =	vld [tilespmem:s10+$0xC810];
	[tilespmem:s9+$0x14810] =	vst v2;
	v0 =	vpack.i.f32.bf16 v1, v0  }
0x19e: {  	s0 =	sadd.s32 $0x1, s11;
	v1 =	vld [tilespmem:s10+$0xC820];
	[tilespmem:s9+$0x14820] =	vst v0  }
0x19f: {  	v0 =	vld [tilespmem:s0+$0x0];
	v2 =	vpop (erf)  }
0x1a0: {  	v2 =	vadd.f32 v2, v2;
	v4 =	vpop (erf)  }
0x1a1: {  	v4 =	vadd.f32 v4, v4  }
0x1a2: {  	v3 =	vadd.f32 v3, v3;
	v2 =	vsub.f32 $1.000000000e+00, v2  }
0x1a3: {  	v1 =	vadd.f32 v1, v1;
	v4 =	vsub.f32 $1.000000000e+00, v4  }
0x1a4: {  	v3 =	vmul.f32 $1.442695020e+00, v3;
	v5 =	vmul.f32 v2, v2;
	(v2sf) =	vpush v0, $0x0  }
0x1a5: {  	v0 =	vmul.f32 $1.442695020e+00, v1;
	v1 =	vmul.f32 v4, v4  }
0x1a6: {  	(erf) = vpow2.f32 v3;
	v3 =	vmul.f32 $1.782067270e-01, v5  }
0x1a7: {  	(erf) = vpow2.f32 v0;
	v0 =	vmul.f32 $1.782067270e-01, v1  }
0x1a8: {  	v6 =	vmul.f32 $4.377989770e-01, v5;
	v3 =	vadd.f32 $-1.287355420e+00, v3  }
0x1a9: {  	v7 =	vmul.f32 $4.377989770e-01, v1;
	v0 =	vadd.f32 $-1.287355420e+00, v0  }
0x1aa: {  	v6 =	vsub.f32 $2.434666400e+00, v6;
	v3 =	vmul.f32 v3, v5  }
0x1ab: {  	v7 =	vsub.f32 $2.434666400e+00, v7;
	v0 =	vmul.f32 v0, v1  }
0x1ac: {  	v6 =	vmul.f32 v6, v5;
	v3 =	vadd.f32 $4.041964530e+00, v3  }
0x1ad: {  	v7 =	vmul.f32 v7, v1;
	v0 =	vadd.f32 $4.041964530e+00, v0  }
0x1ae: {  	v6 =	vadd.f32 $-5.136388780e+00, v6;
	v3 =	vmul.f32 v3, v5  }
0x1af: {  	v7 =	vadd.f32 $-5.136388780e+00, v7;
	v8 =	vpop (erf);
	v0 =	vmul.f32 v0, v1  }
0x1b0: {  	v6 =	vmul.f32 v6, v5;
	v8 =	vadd.f32 $1.000000000e+00, v8;
	v9 =	vpop (erf);
	v3 =	vadd.f32 $-4.932735440e+00, v3  }
0x1b1: {  	v7 =	vmul.f32 v7, v1;
	v9 =	vadd.f32 $1.000000000e+00, v9;
	v0 =	vadd.f32 $-4.932735440e+00, v0  }
0x1b2: {  	v46 =	vadd.f32 $3.139276980e+00, v6;
	(erf) = vrcp.f32 v8;
	v3 =	vmul.f32 v3, v5  }
0x1b3: {  	(erf) = vrcp.f32 v9;
	v0 =	vmul.f32 v0, v1;
	v1 =	vadd.f32 $3.139276980e+00, v7;
	s7 =	spop (v2sf)  }
0x1b4: {  	v2 =	vmul.f32 v46, v2;
	s7 =	ssub.f32 $1.000000000e+00, s7;
	v3 =	vadd.f32 $9.999589920e-01, v3  }
0x1b5: {  	v0 =	vadd.f32 $9.999589920e-01, v0;
	v1 =	vmul.f32 v1, v4  }
0x1b6: {  	v3 =	vmul.f32 s7, v3;
	v2 =	vmul.f32 s7, v2  }
0x1b7: {  	v0 =	vmul.f32 s7, v0;
	v1 =	vmul.f32 s7, v1  }
0x1b8: {  	v2 =	vpack.i.f32.bf16 v2, v3  }
0x1b9: {  	[tilespmem:s6+$0x14810] =	vst v2;
	v0 =	vpack.i.f32.bf16 v1, v0  }
0x1ba: {  	s0 =	sadd.s32 $0x1, s0;
	[tilespmem:s6+$0x14820] =	vst v0  }
0x1bb: {  	v0 =	vld [tilespmem:s0+$0x0];
	v1 =	vpop (erf)  }
0x1bc: {  	v1 =	vadd.f32 v1, v1;
	v2 =	vpop (erf)  }
0x1bd: {  	v2 =	vadd.f32 v2, v2  }
0x1be: {  	v1 =	vsub.f32 $1.000000000e+00, v1  }
0x1bf: {  	v2 =	vsub.f32 $1.000000000e+00, v2  }
0x1c0: {  	v3 =	vmul.f32 v1, v1;
	(v2sf) =	vpush v0, $0x0  }
0x1c1: {  	v0 =	vmul.f32 v2, v2  }
0x1c2: {  	v47 =	vmul.f32 $1.782067270e-01, v3  }
0x1c3: {  	v48 =	vmul.f32 $1.782067270e-01, v0  }
0x1c4: {  	v49 =	vmul.f32 $4.377989770e-01, v3;
	v4 =	vadd.f32 $-1.287355420e+00, v47  }
0x1c5: {  	v50 =	vmul.f32 $4.377989770e-01, v0;
	v5 =	vadd.f32 $-1.287355420e+00, v48  }
0x1c6: {  	v6 =	vsub.f32 $2.434666400e+00, v49;
	v4 =	vmul.f32 v4, v3  }
0x1c7: {  	v7 =	vsub.f32 $2.434666400e+00, v50;
	v5 =	vmul.f32 v5, v0  }
0x1c8: {  	v6 =	vmul.f32 v6, v3;
	v4 =	vadd.f32 $4.041964530e+00, v4  }
0x1c9: {  	v7 =	vmul.f32 v7, v0;
	v5 =	vadd.f32 $4.041964530e+00, v5  }
0x1ca: {  	v6 =	vadd.f32 $-5.136388780e+00, v6;
	v4 =	vmul.f32 v4, v3  }
0x1cb: {  	v7 =	vadd.f32 $-5.136388780e+00, v7;
	v5 =	vmul.f32 v5, v0  }
0x1cc: {  	v6 =	vmul.f32 v6, v3;
	v4 =	vadd.f32 $-4.932735440e+00, v4  }
0x1cd: {  	v7 =	vmul.f32 v7, v0;
	v5 =	vadd.f32 $-4.932735440e+00, v5  }
0x1ce: {  	v51 =	vadd.f32 $3.139276980e+00, v6;
	v3 =	vmul.f32 v4, v3  }
0x1cf: {  	v52 =	vadd.f32 $3.139276980e+00, v7;
	v0 =	vmul.f32 v5, v0;
	s7 =	spop (v2sf)  }
0x1d0: {  	v1 =	vmul.f32 v51, v1;
	s0 =	ssub.f32 $1.000000000e+00, s7;
	v3 =	vadd.f32 $9.999589920e-01, v3  }
0x1d1: {  	v2 =	vmul.f32 v52, v2;
	v0 =	vadd.f32 $9.999589920e-01, v0  }
0x1d2: {  	v3 =	vmul.f32 s0, v3;
	v1 =	vmul.f32 s0, v1  }
0x1d3: {  	s9 =	sshll.u32 s28, $0x10;
	v2 =	vmul.f32 s0, v2;
	v0 =	vmul.f32 s0, v0  }
0x1d4: {  	s0 =	sadd.s32 s4, s9;
	v1 =	vpack.i.f32.bf16 v1, v3  }
0x1d5: {  	s0 =	sshrl.u32 s0, $0x4;
	[tilespmem:s10+$0x14810] =	vst v1;
	v0 =	vpack.i.f32.bf16 v2, v0  }
0x1d6: {  	s11 =	simm.s32 $0x0;
	s6 =	sshrl.u32 s8, $0x2;
	s0 =	sadd.s32 s5, s0;
	[tilespmem:s10+$0x14820] =	vst v0  }
0x1d7: {  	[hbm4b:s0+s11] =	stream.linear.scatter [tilespmem:s31], [sflag:$0x3], $0x4000, $0x38;
	[tilespmem:$0x1C810] =	vst v63  }
0x1d8: {  	s7 =	sadd.s32 $0x400, s6  }
0x1d9: {  	[tilespmem:s15], [sflag:$0x1] =	stream.indirect.gather [hbm4b:s2+s14], $0x20, s7, s14, $0xb8;
	[tilespmem:$0x1C810] =	vst v63  }
0x1da: {  	s8 =	sadd.s32 $0x480, s6  }
0x1db: {  	[tilespmem:s16], [sflag:$0x1] =	stream.indirect.gather [hbm4b:s2+s14], $0x20, s8, s14, $0xb8;
	[tilespmem:$0x1C810] =	vst v63  }
0x1dc: {  	s9 =	sadd.s32 $0x500, s6  }
0x1dd: {  	[tilespmem:s18], [sflag:$0x1] =	stream.indirect.gather [hbm4b:s2+s14], $0x20, s9, s14, $0xb8;
	[tilespmem:$0x1C810] =	vst v63  }
0x1de: {  	s10 =	sadd.s32 $0x580, s6  }
0x1df: {  	[tilespmem:s20], [sflag:$0x1] =	stream.indirect.gather [hbm4b:s2+s14], $0x20, s10, s14, $0xb8;
	[tilespmem:$0x1C810] =	vst v63  }
0x1e0: {  	_ =	swait.ge [sflag:s21], $0x4000  }
0x1e1: {  	[sflag:s21] =	ssyncset.done $0x0  }
0x1e2: {  	[sflag:s21] =	ssyncadd.s32 $0xFFFFC000  }
0x1e3: {  	_ =	swait.ge [sflag:s19], $0x4000  }
0x1e4: {  	[sflag:s19] =	ssyncset.done $0x0  }
0x1e5: {  	s10 =	simm.s32 $0x0;
	[sflag:s19] =	ssyncadd.s32 $0xFFFFC000  }
0x1e6: {  	v0 =	vld [tilespmem:s10+$0x10810]  }
0x1e7: {  	v1 =	vld [tilespmem:s10+$0x10820];
	_ =	sdelay $0x3  }
0x1e8: {  	v0 =	vadd.f32 v0, v0  }
0x1e9: {  	v1 =	vadd.f32 v1, v1  }
0x1ea: {  	v0 =	vmul.f32 $1.442695020e+00, v0  }
0x1eb: {  	v1 =	vmul.f32 $1.442695020e+00, v1  }
0x1ec: {  	(erf) = vpow2.f32 v0  }
0x1ed: {  	(erf) = vpow2.f32 v1;
	_ =	sdelay $0x7  }
0x1ee: {  	v0 =	vpop (erf)  }
0x1ef: {  	v0 =	vadd.f32 $1.000000000e+00, v0;
	v1 =	vpop (erf)  }
0x1f0: {  	v1 =	vadd.f32 $1.000000000e+00, v1  }
0x1f1: {  	(erf) = vrcp.f32 v0  }
0x1f2: {  	(erf) = vrcp.f32 v1;
	_ =	sdelay $0x3  }
0x1f3: {  	s8 =	simm.s32 $0x20  }
0x1f4: {  	v0 =	vld [tilespmem:s8+$0x10810]  }
0x1f5: {  	v1 =	vld [tilespmem:s12+$0x0]  }
0x1f6: {  	v3 =	vld [tilespmem:s8+$0x10820]  }
0x1f7: {  	v2 =	vpop (erf)  }
0x1f8: {  	v2 =	vadd.f32 v2, v2;
	v53 =	vpop (erf)  }
0x1f9: {  	v0 =	vadd.f32 v0, v0;
	v4 =	vadd.f32 v53, v53  }
0x1fa: {  	(v2sf) =	vpush v1, $0x0;
	v2 =	vsub.f32 $1.000000000e+00, v2  }
0x1fb: {  	v1 =	vadd.f32 v3, v3;
	v4 =	vsub.f32 $1.000000000e+00, v4  }
0x1fc: {  	v0 =	vmul.f32 $1.442695020e+00, v0;
	v54 =	vmul.f32 v2, v2  }
0x1fd: {  	v1 =	vmul.f32 $1.442695020e+00, v1;
	v3 =	vmul.f32 v4, v4  }
0x1fe: {  	(erf) = vpow2.f32 v0;
	v55 =	vmul.f32 $1.782067270e-01, v54  }
0x1ff: {  	(erf) = vpow2.f32 v1;
	v56 =	vmul.f32 $1.782067270e-01, v3  }
0x200: {  	v57 =	vmul.f32 $4.377989770e-01, v54;
	v6 =	vadd.f32 $-1.287355420e+00, v55  }
0x201: {  	v0 =	vmul.f32 $4.377989770e-01, v3;
	v7 =	vadd.f32 $-1.287355420e+00, v56  }
0x202: {  	v8 =	vsub.f32 $2.434666400e+00, v57;
	v6 =	vmul.f32 v6, v54  }
0x203: {  	v0 =	vsub.f32 $2.434666400e+00, v0;
	v1 =	vmul.f32 v7, v3  }
0x204: {  	v58 =	vmul.f32 v8, v54;
	v6 =	vadd.f32 $4.041964530e+00, v6  }
0x205: {  	v0 =	vmul.f32 v0, v3;
	v1 =	vadd.f32 $4.041964530e+00, v1  }
0x206: {  	v7 =	vadd.f32 $-5.136388780e+00, v58;
	v6 =	vmul.f32 v6, v54  }
0x207: {  	v59 =	vpop (erf);
	v0 =	vadd.f32 $-5.136388780e+00, v0;
	v1 =	vmul.f32 v1, v3  }
0x208: {  	v61 =	vadd.f32 $1.000000000e+00, v59;
	v62 =	vpop (erf);
	v7 =	vmul.f32 v7, v54;
	v6 =	vadd.f32 $-4.932735440e+00, v6  }
0x209: {  	v63 =	vadd.f32 $1.000000000e+00, v62;
	v0 =	vmul.f32 v0, v3;
	v1 =	vadd.f32 $-4.932735440e+00, v1  }
0x20a: {  	(erf) = vrcp.f32 v61;
	v60 =	vadd.f32 $3.139276980e+00, v7;
	v5 =	vmul.f32 v6, v54  }
0x20b: {  	s11 =	spop (v2sf);
	(erf) = vrcp.f32 v63;
	v0 =	vadd.f32 $3.139276980e+00, v0;
	v1 =	vmul.f32 v1, v3  }
0x20c: {  	s0 =	ssub.f32 $1.000000000e+00, s11;
	v2 =	vmul.f32 v60, v2;
	v3 =	vadd.f32 $9.999589920e-01, v5  }
0x20d: {  	v4 =	vmul.f32 v0, v4;
	v0 =	vadd.f32 $9.999589920e-01, v1  }
0x20e: {  	v2 =	vmul.f32 s0, v2;
	v3 =	vmul.f32 s0, v3  }
0x20f: {  	s7 =	simm.s32 $0x180;
	v1 =	vmul.f32 s0, v4;
	v0 =	vmul.f32 s0, v0  }
0x210: {  	s9 =	sshllo.u32 s28, $0x1;
	s11 =	simm.s32 $0x40;
	s0 =	smov.u32 s12;
	v2 =	vpack.i.f32.bf16 v2, v3  }
.LBB2_9:
0x211: {  	p0 =	sne.s32 s7, $0xFF80;
	v3 =	vld [tilespmem:s11+$0x10810];
	[tilespmem:s10+$0x18810] =	vst v2;
	v0 =	vpack.i.f32.bf16 v1, v0  }
0x212: {  	s0 =	sadd.s32 $0x1, s0;
	v1 =	vld [tilespmem:s11+$0x10820];
	[tilespmem:s10+$0x18820] =	vst v0;
	s10 =	smov.u32 s8;
	s8 =	smov.u32 s11  }
0x213: {  	v0 =	vld [tilespmem:s0+$0x0];
	v2 =	vpop (erf)  }
0x214: {  	v2 =	vadd.f32 v2, v2;
	v4 =	vpop (erf)  }
0x215: {  	v4 =	vadd.f32 v4, v4  }
0x216: {  	v3 =	vadd.f32 v3, v3;
	v2 =	vsub.f32 $1.000000000e+00, v2  }
0x217: {  	v1 =	vadd.f32 v1, v1;
	v4 =	vsub.f32 $1.000000000e+00, v4  }
0x218: {  	v3 =	vmul.f32 $1.442695020e+00, v3;
	v5 =	vmul.f32 v2, v2;
	(v2sf) =	vpush v0, $0x0  }
0x219: {  	v0 =	vmul.f32 $1.442695020e+00, v1;
	v1 =	vmul.f32 v4, v4  }
0x21a: {  	(erf) = vpow2.f32 v3;
	v3 =	vmul.f32 $1.782067270e-01, v5  }
0x21b: {  	(erf) = vpow2.f32 v0;
	v0 =	vmul.f32 $1.782067270e-01, v1  }
0x21c: {  	v6 =	vmul.f32 $4.377989770e-01, v5;
	v3 =	vadd.f32 $-1.287355420e+00, v3  }
0x21d: {  	v7 =	vmul.f32 $4.377989770e-01, v1;
	v0 =	vadd.f32 $-1.287355420e+00, v0  }
0x21e: {  	v6 =	vsub.f32 $2.434666400e+00, v6;
	v3 =	vmul.f32 v3, v5  }
0x21f: {  	v7 =	vsub.f32 $2.434666400e+00, v7;
	v0 =	vmul.f32 v0, v1  }
0x220: {  	v6 =	vmul.f32 v6, v5;
	v3 =	vadd.f32 $4.041964530e+00, v3  }
0x221: {  	v7 =	vmul.f32 v7, v1;
	v0 =	vadd.f32 $4.041964530e+00, v0  }
0x222: {  	v6 =	vadd.f32 $-5.136388780e+00, v6;
	v3 =	vmul.f32 v3, v5  }
0x223: {  	v7 =	vadd.f32 $-5.136388780e+00, v7;
	v8 =	vpop (erf);
	v0 =	vmul.f32 v0, v1  }
0x224: {  	v6 =	vmul.f32 v6, v5;
	v8 =	vadd.f32 $1.000000000e+00, v8;
	v9 =	vpop (erf);
	v3 =	vadd.f32 $-4.932735440e+00, v3  }
0x225: {  	v7 =	vmul.f32 v7, v1;
	v9 =	vadd.f32 $1.000000000e+00, v9;
	v0 =	vadd.f32 $-4.932735440e+00, v0  }
0x226: {  	(erf) = vrcp.f32 v8;
	v3 =	vmul.f32 v3, v5;
	v5 =	vadd.f32 $3.139276980e+00, v6  }
0x227: {  	(erf) = vrcp.f32 v9;
	v0 =	vmul.f32 v0, v1;
	v1 =	vadd.f32 $3.139276980e+00, v7;
	s11 =	spop (v2sf)  }
.Ltmp3:
0x228: {  	s11 =	ssub.f32 $1.000000000e+00, s11;
	v3 =	vadd.f32 $9.999589920e-01, v3;
	v2 =	vmul.f32 v5, v2;
	(pc) =	sbr.rel @p0 .LBB2_9-.Ltmp3, $4  }
0x229: {  	v0 =	vadd.f32 $9.999589920e-01, v0;
	v1 =	vmul.f32 v1, v4  }
0x22a: {  	v3 =	vmul.f32 s11, v3;
	v2 =	vmul.f32 s11, v2  }
0x22b: {  	v0 =	vmul.f32 s11, v0;
	v1 =	vmul.f32 s11, v1  }
0x22c: {  	s11 =	sshra.s32 s7, $0x2;
	s7 =	sadd.s32 $0x80, s7;
	v2 =	vpack.i.f32.bf16 v2, v3  }
0x22d: {  	v3 =	vld [tilespmem:s11+$0x10810];
	[tilespmem:s10+$0x18810] =	vst v2;
	v0 =	vpack.i.f32.bf16 v1, v0  }
0x22e: {  	s0 =	sadd.s32 $0x1, s0;
	v46 =	vld [tilespmem:s11+$0x10820];
	[tilespmem:s10+$0x18820] =	vst v0  }
0x22f: {  	v0 =	vld [tilespmem:s0+$0x0];
	v47 =	vpop (erf)  }
0x230: {  	v2 =	vadd.f32 v47, v47;
	v4 =	vpop (erf)  }
0x231: {  	v4 =	vadd.f32 v4, v4  }
0x232: {  	v3 =	vadd.f32 v3, v3;
	v2 =	vsub.f32 $1.000000000e+00, v2  }
0x233: {  	v1 =	vadd.f32 v46, v46;
	v4 =	vsub.f32 $1.000000000e+00, v4  }
0x234: {  	v3 =	vmul.f32 $1.442695020e+00, v3;
	v5 =	vmul.f32 v2, v2;
	(v2sf) =	vpush v0, $0x0  }
0x235: {  	v48 =	vmul.f32 $1.442695020e+00, v1;
	v49 =	vmul.f32 v4, v4  }
0x236: {  	(erf) = vpow2.f32 v3;
	v50 =	vmul.f32 $1.782067270e-01, v5  }
0x237: {  	(erf) = vpow2.f32 v48;
	v51 =	vmul.f32 $1.782067270e-01, v49  }
0x238: {  	v6 =	vmul.f32 $4.377989770e-01, v5;
	v3 =	vadd.f32 $-1.287355420e+00, v50  }
0x239: {  	v7 =	vmul.f32 $4.377989770e-01, v49;
	v0 =	vadd.f32 $-1.287355420e+00, v51  }
0x23a: {  	v6 =	vsub.f32 $2.434666400e+00, v6;
	v3 =	vmul.f32 v3, v5  }
0x23b: {  	v7 =	vsub.f32 $2.434666400e+00, v7;
	v0 =	vmul.f32 v0, v49  }
0x23c: {  	v6 =	vmul.f32 v6, v5;
	v3 =	vadd.f32 $4.041964530e+00, v3  }
0x23d: {  	v7 =	vmul.f32 v7, v49;
	v0 =	vadd.f32 $4.041964530e+00, v0  }
0x23e: {  	v6 =	vadd.f32 $-5.136388780e+00, v6;
	v3 =	vmul.f32 v3, v5  }
0x23f: {  	v7 =	vadd.f32 $-5.136388780e+00, v7;
	v8 =	vpop (erf);
	v0 =	vmul.f32 v0, v49  }
0x240: {  	v6 =	vmul.f32 v6, v5;
	v8 =	vadd.f32 $1.000000000e+00, v8;
	v9 =	vpop (erf);
	v3 =	vadd.f32 $-4.932735440e+00, v3  }
0x241: {  	v7 =	vmul.f32 v7, v49;
	v9 =	vadd.f32 $1.000000000e+00, v9;
	v0 =	vadd.f32 $-4.932735440e+00, v0  }
0x242: {  	v52 =	vadd.f32 $3.139276980e+00, v6;
	(erf) = vrcp.f32 v8;
	v3 =	vmul.f32 v3, v5  }
0x243: {  	v53 =	vadd.f32 $3.139276980e+00, v7;
	(erf) = vrcp.f32 v9;
	v0 =	vmul.f32 v0, v49;
	s7 =	spop (v2sf)  }
0x244: {  	v2 =	vmul.f32 v52, v2;
	s7 =	ssub.f32 $1.000000000e+00, s7;
	v3 =	vadd.f32 $9.999589920e-01, v3  }
0x245: {  	v1 =	vmul.f32 v53, v4;
	v0 =	vadd.f32 $9.999589920e-01, v0  }
0x246: {  	v3 =	vmul.f32 s7, v3;
	v2 =	vmul.f32 s7, v2  }
0x247: {  	v1 =	vmul.f32 s7, v1;
	v0 =	vmul.f32 s7, v0  }
0x248: {  	v2 =	vpack.i.f32.bf16 v2, v3  }
0x249: {  	[tilespmem:s8+$0x18810] =	vst v2;
	v0 =	vpack.i.f32.bf16 v1, v0  }
0x24a: {  	s0 =	sadd.s32 $0x1, s0;
	[tilespmem:s8+$0x18820] =	vst v0  }
0x24b: {  	v0 =	vld [tilespmem:s0+$0x0];
	v54 =	vpop (erf)  }
0x24c: {  	v1 =	vadd.f32 v54, v54;
	v55 =	vpop (erf)  }
0x24d: {  	v2 =	vadd.f32 v55, v55  }
0x24e: {  	v1 =	vsub.f32 $1.000000000e+00, v1  }
0x24f: {  	v2 =	vsub.f32 $1.000000000e+00, v2  }
0x250: {  	v56 =	vmul.f32 v1, v1;
	(v2sf) =	vpush v0, $0x0  }
0x251: {  	v57 =	vmul.f32 v2, v2  }
0x252: {  	v58 =	vmul.f32 $1.782067270e-01, v56  }
0x253: {  	v59 =	vmul.f32 $1.782067270e-01, v57  }
0x254: {  	v60 =	vmul.f32 $4.377989770e-01, v56;
	v4 =	vadd.f32 $-1.287355420e+00, v58  }
0x255: {  	v61 =	vmul.f32 $4.377989770e-01, v57;
	v5 =	vadd.f32 $-1.287355420e+00, v59  }
0x256: {  	v6 =	vsub.f32 $2.434666400e+00, v60;
	v4 =	vmul.f32 v4, v56  }
0x257: {  	v7 =	vsub.f32 $2.434666400e+00, v61;
	v5 =	vmul.f32 v5, v57  }
0x258: {  	v6 =	vmul.f32 v6, v56;
	v4 =	vadd.f32 $4.041964530e+00, v4  }
0x259: {  	v7 =	vmul.f32 v7, v57;
	v5 =	vadd.f32 $4.041964530e+00, v5  }
0x25a: {  	v6 =	vadd.f32 $-5.136388780e+00, v6;
	v4 =	vmul.f32 v4, v56  }
0x25b: {  	v7 =	vadd.f32 $-5.136388780e+00, v7;
	v5 =	vmul.f32 v5, v57  }
0x25c: {  	v6 =	vmul.f32 v6, v56;
	v4 =	vadd.f32 $-4.932735440e+00, v4  }
0x25d: {  	v7 =	vmul.f32 v7, v57;
	v5 =	vadd.f32 $-4.932735440e+00, v5  }
0x25e: {  	v62 =	vadd.f32 $3.139276980e+00, v6;
	v3 =	vmul.f32 v4, v56  }
0x25f: {  	v63 =	vadd.f32 $3.139276980e+00, v7;
	v0 =	vmul.f32 v5, v57;
	s10 =	spop (v2sf)  }
0x260: {  	v1 =	vmul.f32 v62, v1;
	s0 =	ssub.f32 $1.000000000e+00, s10;
	v3 =	vadd.f32 $9.999589920e-01, v3  }
0x261: {  	v2 =	vmul.f32 v63, v2;
	v0 =	vadd.f32 $9.999589920e-01, v0  }
0x262: {  	v3 =	vmul.f32 s0, v3;
	v1 =	vmul.f32 s0, v1  }
0x263: {  	s7 =	sshll.u32 s9, $0xF;
	v2 =	vmul.f32 s0, v2;
	v0 =	vmul.f32 s0, v0  }
0x264: {  	s0 =	sadd.s32 s4, s7;
	v1 =	vpack.i.f32.bf16 v1, v3  }
0x265: {  	s0 =	sshrl.u32 s0, $0x4;
	[tilespmem:s11+$0x18810] =	vst v1;
	v0 =	vpack.i.f32.bf16 v2, v0  }
0x266: {  	s0 =	sadd.s32 s5, s0;
	[tilespmem:s11+$0x18820] =	vst v0  }
0x267: {  	[hbm4b:s0+s3] =	stream.linear.scatter [tilespmem:s23], [sflag:$0x4], $0x4000, $0x38;
	[tilespmem:$0x1C810] =	vst v63  }
0x268: {  	s28 =	sadd.s32 $0x1, s28;
	s8 =	sadd.s32 $0x600, s6  }
0x269: {  	[tilespmem:s22], [sflag:$0x2] =	stream.indirect.gather [hbm4b:s2+s14], $0x20, s8, s14, $0xb8;
	[tilespmem:$0x1C810] =	vst v63  }
0x26a: {  	p0 =	sne.s32 s28, $0x18;
	s9 =	sadd.s32 $0x680, s6  }
0x26b: {  	[tilespmem:s24], [sflag:$0x2] =	stream.indirect.gather [hbm4b:s2+s14], $0x20, s9, s14, $0xb8;
	[tilespmem:$0x1C810] =	vst v63  }
.Ltmp4:
0x26c: {  	_ = 	snop;
	(pc) =	sbr.rel @p0 .LBB2_6-.Ltmp4, $4  }
0x26d: {  	s10 =	sadd.s32 $0x700, s6  }
0x26e: {  	[tilespmem:s26], [sflag:$0x2] =	stream.indirect.gather [hbm4b:s2+s14], $0x20, s10, s14, $0xb8;
	[tilespmem:$0x1C810] =	vst v63  }
0x26f: {  	s1 =	sadd.s32 $0x400, s1;
	s12 =	sadd.s32 $0x400, s12;
	s11 =	sadd.s32 $0x780, s6  }
0x270: {  	[tilespmem:s29], [sflag:$0x2] =	stream.indirect.gather [hbm4b:s2+s14], $0x20, s11, s14, $0xb8;
	[tilespmem:$0x1C810] =	vst v63  }
0x271: {  	_ =	swait.ge [sflag:s30], $0x4000  }
0x272: {  	[sflag:s30] =	ssyncset.done $0x0  }
0x273: {  	[sflag:s30] =	ssyncadd.s32 $0xFFFFC000  }
0x274: {  	_ =	swait.ge [sflag:s17], $0x4000  }
0x275: {  	[sflag:s17] =	ssyncset.done $0x0  }
0x276: {  	s1 =	simm.s32 $0xC820;
	[sflag:s17] =	ssyncadd.s32 $0xFFFFC000  }
0x277: {  	v0 =	vld [tilespmem:s1+$0xFFFFFFF0];
	_ =	sdelay $0x4  }
0x278: {  	v0 =	vadd.f32 v0, v0;
	_ =	sdelay $0x1  }
0x279: {  	v0 =	vmul.f32 $1.442695020e+00, v0;
	_ =	sdelay $0x1  }
0x27a: {  	(erf) = vpow2.f32 v0;
	_ =	sdelay $0x8  }
0x27b: {  	v0 =	vpop (erf)  }
0x27c: {  	v0 =	vadd.f32 $1.000000000e+00, v0;
	_ =	sdelay $0x1  }
0x27d: {  	(erf) = vrcp.f32 v0;
	_ =	sdelay $0x6  }
0x27e: {  	s0 =	simm.s32 $0x0  }
0x27f: {  	s0 =	sand.u32 $0x1FF, s0  }
0x280: {  	v0 =	vld [tilespmem:s0+$0xC400];
	v1 =	vpop (erf)  }
0x281: {  	v1 =	vadd.f32 v1, v1;
	_ =	sdelay $0x1  }
0x282: {  	v1 =	vsub.f32 $1.000000000e+00, v1;
	_ =	sdelay $0x1  }
0x283: {  	(v2sf) =	vpush v0, $0x0;
	v2 =	vmul.f32 v1, v1;
	_ =	sdelay $0x1  }
0x284: {  	v0 =	vmul.f32 $1.782067270e-01, v2;
	_ =	sdelay $0x1  }
0x285: {  	v3 =	vmul.f32 $4.377989770e-01, v2;
	v0 =	vadd.f32 $-1.287355420e+00, v0;
	_ =	sdelay $0x1  }
0x286: {  	v3 =	vsub.f32 $2.434666400e+00, v3;
	v0 =	vmul.f32 v0, v2;
	_ =	sdelay $0x1  }
0x287: {  	v3 =	vmul.f32 v3, v2;
	v0 =	vadd.f32 $4.041964530e+00, v0;
	_ =	sdelay $0x1  }
0x288: {  	v3 =	vadd.f32 $-5.136388780e+00, v3;
	v0 =	vmul.f32 v0, v2;
	_ =	sdelay $0x1  }
0x289: {  	v3 =	vmul.f32 v3, v2;
	v0 =	vadd.f32 $-4.932735440e+00, v0;
	_ =	sdelay $0x1  }
0x28a: {  	v0 =	vmul.f32 v0, v2;
	v2 =	vadd.f32 $3.139276980e+00, v3  }
0x28b: {  	s12 =	spop (v2sf)  }
0x28c: {  	s6 =	ssub.f32 $1.000000000e+00, s12;
	v0 =	vadd.f32 $9.999589920e-01, v0;
	v1 =	vmul.f32 v2, v1;
	_ =	sdelay $0x1  }
0x28d: {  	v0 =	vmul.f32 s6, v0;
	v1 =	vmul.f32 s6, v1;
	_ =	sdelay $0x1  }
0x28e: {  	s0 =	simm.s32 $0x14820;
	v0 =	vpack.i.f32.bf16 v1, v0  }
0x28f: {  	[tilespmem:s0+$0xFFFFFFF0] =	vst v0  }
0x290: {  	v0 =	vld [tilespmem:s1+$0x0];
	_ =	sdelay $0x4  }
0x291: {  	v0 =	vadd.f32 v0, v0;
	_ =	sdelay $0x1  }
0x292: {  	v0 =	vmul.f32 $1.442695020e+00, v0;
	_ =	sdelay $0x1  }
0x293: {  	(erf) = vpow2.f32 v0;
	_ =	sdelay $0x8  }
0x294: {  	v0 =	vpop (erf)  }
0x295: {  	v0 =	vadd.f32 $1.000000000e+00, v0;
	_ =	sdelay $0x1  }
0x296: {  	(erf) = vrcp.f32 v0;
	_ =	sdelay $0x8  }
0x297: {  	v0 =	vpop (erf)  }
0x298: {  	v0 =	vadd.f32 v0, v0;
	_ =	sdelay $0x1  }
0x299: {  	v0 =	vsub.f32 $1.000000000e+00, v0;
	_ =	sdelay $0x1  }
0x29a: {  	v1 =	vmul.f32 v0, v0;
	_ =	sdelay $0x1  }
0x29b: {  	v2 =	vmul.f32 $1.782067270e-01, v1;
	_ =	sdelay $0x1  }
0x29c: {  	v3 =	vmul.f32 $4.377989770e-01, v1;
	v2 =	vadd.f32 $-1.287355420e+00, v2;
	_ =	sdelay $0x1  }
0x29d: {  	v3 =	vsub.f32 $2.434666400e+00, v3;
	v2 =	vmul.f32 v2, v1;
	_ =	sdelay $0x1  }
0x29e: {  	v3 =	vmul.f32 v3, v1;
	v2 =	vadd.f32 $4.041964530e+00, v2;
	_ =	sdelay $0x1  }
0x29f: {  	v3 =	vadd.f32 $-5.136388780e+00, v3;
	v2 =	vmul.f32 v2, v1;
	_ =	sdelay $0x1  }
0x2a0: {  	v3 =	vmul.f32 v3, v1;
	v2 =	vadd.f32 $-4.932735440e+00, v2;
	_ =	sdelay $0x1  }
0x2a1: {  	v1 =	vmul.f32 v2, v1;
	v2 =	vadd.f32 $3.139276980e+00, v3;
	_ =	sdelay $0x1  }
0x2a2: {  	v1 =	vadd.f32 $9.999589920e-01, v1;
	v0 =	vmul.f32 v2, v0;
	_ =	sdelay $0x1  }
0x2a3: {  	v1 =	vmul.f32 s6, v1;
	v0 =	vmul.f32 s6, v0;
	_ =	sdelay $0x1  }
0x2a4: {  	v0 =	vpack.i.f32.bf16 v0, v1  }
0x2a5: {  	s28 =	simm.s32 $0x1;
	s1 =	simm.s32 $0xC840;
	[tilespmem:s0+$0x0] =	vst v0  }
0x2a6: {  	s7 =	sand.u32 $0x1FF, s28;
	s6 =	simm.s32 $0x2;
	v0 =	vld [tilespmem:s1+$0xFFFFFFF0]  }
.LBB2_12:
0x2a7: {  	p0 =	sne.s32 s6, $0x1FF;
	v1 =	vld [tilespmem:s7+$0xC400];
	_ =	sdelay $0x3  }
0x2a8: {  	v0 =	vadd.f32 v0, v0;
	_ =	sdelay $0x1  }
0x2a9: {  	v0 =	vmul.f32 $1.442695020e+00, v0;
	_ =	sdelay $0x1  }
0x2aa: {  	(erf) = vpow2.f32 v0;
	_ =	sdelay $0x8  }
0x2ab: {  	v0 =	vpop (erf)  }
0x2ac: {  	v0 =	vadd.f32 $1.000000000e+00, v0;
	_ =	sdelay $0x1  }
0x2ad: {  	(erf) = vrcp.f32 v0;
	_ =	sdelay $0x8  }
0x2ae: {  	v0 =	vpop (erf)  }
0x2af: {  	v0 =	vadd.f32 v0, v0;
	_ =	sdelay $0x1  }
0x2b0: {  	v0 =	vsub.f32 $1.000000000e+00, v0;
	_ =	sdelay $0x1  }
0x2b1: {  	v2 =	vmul.f32 v0, v0;
	(v2sf) =	vpush v1, $0x0;
	_ =	sdelay $0x1  }
0x2b2: {  	v1 =	vmul.f32 $1.782067270e-01, v2;
	_ =	sdelay $0x1  }
0x2b3: {  	v3 =	vmul.f32 $4.377989770e-01, v2;
	v1 =	vadd.f32 $-1.287355420e+00, v1;
	_ =	sdelay $0x1  }
0x2b4: {  	v3 =	vsub.f32 $2.434666400e+00, v3;
	v1 =	vmul.f32 v1, v2;
	_ =	sdelay $0x1  }
0x2b5: {  	v3 =	vmul.f32 v3, v2;
	v1 =	vadd.f32 $4.041964530e+00, v1;
	_ =	sdelay $0x1  }
0x2b6: {  	v3 =	vadd.f32 $-5.136388780e+00, v3;
	v1 =	vmul.f32 v1, v2;
	_ =	sdelay $0x1  }
0x2b7: {  	v3 =	vmul.f32 v3, v2;
	v1 =	vadd.f32 $-4.932735440e+00, v1;
	_ =	sdelay $0x1  }
0x2b8: {  	v1 =	vmul.f32 v1, v2;
	v2 =	vadd.f32 $3.139276980e+00, v3  }
0x2b9: {  	s7 =	spop (v2sf)  }
0x2ba: {  	s7 =	ssub.f32 $1.000000000e+00, s7;
	v1 =	vadd.f32 $9.999589920e-01, v1;
	v0 =	vmul.f32 v2, v0;
	_ =	sdelay $0x1  }
0x2bb: {  	v1 =	vmul.f32 s7, v1;
	v0 =	vmul.f32 s7, v0;
	_ =	sdelay $0x1  }
0x2bc: {  	s0 =	sadd.s32 $0x20, s0;
	v0 =	vpack.i.f32.bf16 v0, v1  }
0x2bd: {  	[tilespmem:s0+$0xFFFFFFF0] =	vst v0  }
0x2be: {  	v0 =	vld [tilespmem:s1+$0x0];
	_ =	sdelay $0x4  }
0x2bf: {  	v0 =	vadd.f32 v0, v0;
	_ =	sdelay $0x1  }
0x2c0: {  	v0 =	vmul.f32 $1.442695020e+00, v0;
	_ =	sdelay $0x1  }
0x2c1: {  	(erf) = vpow2.f32 v0;
	_ =	sdelay $0x8  }
0x2c2: {  	v0 =	vpop (erf)  }
0x2c3: {  	v0 =	vadd.f32 $1.000000000e+00, v0;
	_ =	sdelay $0x1  }
0x2c4: {  	(erf) = vrcp.f32 v0;
	_ =	sdelay $0x8  }
0x2c5: {  	v0 =	vpop (erf)  }
0x2c6: {  	v0 =	vadd.f32 v0, v0;
	_ =	sdelay $0x1  }
0x2c7: {  	v0 =	vsub.f32 $1.000000000e+00, v0;
	_ =	sdelay $0x1  }
0x2c8: {  	v1 =	vmul.f32 v0, v0;
	_ =	sdelay $0x1  }
0x2c9: {  	v2 =	vmul.f32 $1.782067270e-01, v1;
	_ =	sdelay $0x1  }
0x2ca: {  	v3 =	vmul.f32 $4.377989770e-01, v1;
	v2 =	vadd.f32 $-1.287355420e+00, v2;
	_ =	sdelay $0x1  }
0x2cb: {  	v3 =	vsub.f32 $2.434666400e+00, v3;
	v2 =	vmul.f32 v2, v1;
	_ =	sdelay $0x1  }
0x2cc: {  	v3 =	vmul.f32 v3, v1;
	v2 =	vadd.f32 $4.041964530e+00, v2;
	_ =	sdelay $0x1  }
0x2cd: {  	v3 =	vadd.f32 $-5.136388780e+00, v3;
	v2 =	vmul.f32 v2, v1;
	_ =	sdelay $0x1  }
0x2ce: {  	v3 =	vmul.f32 v3, v1;
	v2 =	vadd.f32 $-4.932735440e+00, v2;
	_ =	sdelay $0x1  }
0x2cf: {  	v1 =	vmul.f32 v2, v1;
	v2 =	vadd.f32 $3.139276980e+00, v3;
	_ =	sdelay $0x1  }
0x2d0: {  	v1 =	vadd.f32 $9.999589920e-01, v1;
	v0 =	vmul.f32 v2, v0;
	_ =	sdelay $0x1  }
.Ltmp5:
0x2d1: {  	v1 =	vmul.f32 s7, v1;
	v0 =	vmul.f32 s7, v0;
	(pc) =	sbr.rel @p0 .LBB2_12-.Ltmp5, $4  }
0x2d2: {  	_ = 	snop  }
0x2d3: {  	v0 =	vpack.i.f32.bf16 v0, v1  }
0x2d4: {  	s1 =	sadd.s32 $0x20, s1;
	[tilespmem:s0+$0x0] =	vst v0  }
0x2d5: {  	s7 =	sand.u32 $0x1FF, s6;
	s6 =	sadd.s32 $0x1, s6;
	v0 =	vld [tilespmem:s1+$0xFFFFFFF0]  }
0x2d6: {  	_ =	sdelay $0x3  }
0x2d7: {  	v0 =	vadd.f32 v0, v0;
	_ =	sdelay $0x1  }
0x2d8: {  	v0 =	vmul.f32 $1.442695020e+00, v0;
	_ =	sdelay $0x1  }
0x2d9: {  	(erf) = vpow2.f32 v0;
	_ =	sdelay $0x8  }
0x2da: {  	v0 =	vpop (erf)  }
0x2db: {  	v0 =	vadd.f32 $1.000000000e+00, v0;
	_ =	sdelay $0x1  }
0x2dc: {  	(erf) = vrcp.f32 v0;
	_ =	sdelay $0x8  }
0x2dd: {  	v0 =	vld [tilespmem:s7+$0xC400];
	v1 =	vpop (erf)  }
0x2de: {  	v1 =	vadd.f32 v1, v1;
	_ =	sdelay $0x1  }
0x2df: {  	v1 =	vsub.f32 $1.000000000e+00, v1;
	_ =	sdelay $0x1  }
0x2e0: {  	(v2sf) =	vpush v0, $0x0;
	v2 =	vmul.f32 v1, v1;
	_ =	sdelay $0x1  }
0x2e1: {  	v0 =	vmul.f32 $1.782067270e-01, v2;
	_ =	sdelay $0x1  }
0x2e2: {  	v3 =	vmul.f32 $4.377989770e-01, v2;
	v0 =	vadd.f32 $-1.287355420e+00, v0;
	_ =	sdelay $0x1  }
0x2e3: {  	v3 =	vsub.f32 $2.434666400e+00, v3;
	v0 =	vmul.f32 v0, v2;
	_ =	sdelay $0x1  }
0x2e4: {  	v3 =	vmul.f32 v3, v2;
	v0 =	vadd.f32 $4.041964530e+00, v0;
	_ =	sdelay $0x1  }
0x2e5: {  	v3 =	vadd.f32 $-5.136388780e+00, v3;
	v0 =	vmul.f32 v0, v2;
	_ =	sdelay $0x1  }
0x2e6: {  	v3 =	vmul.f32 v3, v2;
	v0 =	vadd.f32 $-4.932735440e+00, v0;
	_ =	sdelay $0x1  }
0x2e7: {  	v0 =	vmul.f32 v0, v2;
	v2 =	vadd.f32 $3.139276980e+00, v3  }
0x2e8: {  	s6 =	spop (v2sf)  }
0x2e9: {  	s6 =	ssub.f32 $1.000000000e+00, s6;
	v0 =	vadd.f32 $9.999589920e-01, v0;
	v1 =	vmul.f32 v2, v1;
	_ =	sdelay $0x1  }
0x2ea: {  	v0 =	vmul.f32 s6, v0;
	v1 =	vmul.f32 s6, v1;
	_ =	sdelay $0x1  }
0x2eb: {  	s0 =	sadd.s32 $0x20, s0;
	v0 =	vpack.i.f32.bf16 v1, v0  }
0x2ec: {  	[tilespmem:s0+$0xFFFFFFF0] =	vst v0  }
0x2ed: {  	v0 =	vld [tilespmem:s1+$0x0];
	_ =	sdelay $0x4  }
0x2ee: {  	v0 =	vadd.f32 v0, v0;
	_ =	sdelay $0x1  }
0x2ef: {  	v0 =	vmul.f32 $1.442695020e+00, v0;
	_ =	sdelay $0x1  }
0x2f0: {  	(erf) = vpow2.f32 v0;
	_ =	sdelay $0x8  }
0x2f1: {  	v0 =	vpop (erf)  }
0x2f2: {  	v0 =	vadd.f32 $1.000000000e+00, v0;
	_ =	sdelay $0x1  }
0x2f3: {  	(erf) = vrcp.f32 v0;
	_ =	sdelay $0x8  }
0x2f4: {  	v0 =	vpop (erf)  }
0x2f5: {  	v0 =	vadd.f32 v0, v0;
	_ =	sdelay $0x1  }
0x2f6: {  	v0 =	vsub.f32 $1.000000000e+00, v0;
	_ =	sdelay $0x1  }
0x2f7: {  	v1 =	vmul.f32 v0, v0;
	_ =	sdelay $0x1  }
0x2f8: {  	v2 =	vmul.f32 $1.782067270e-01, v1;
	_ =	sdelay $0x1  }
0x2f9: {  	v3 =	vmul.f32 $4.377989770e-01, v1;
	v2 =	vadd.f32 $-1.287355420e+00, v2;
	_ =	sdelay $0x1  }
0x2fa: {  	v3 =	vsub.f32 $2.434666400e+00, v3;
	v2 =	vmul.f32 v2, v1;
	_ =	sdelay $0x1  }
0x2fb: {  	v3 =	vmul.f32 v3, v1;
	v2 =	vadd.f32 $4.041964530e+00, v2;
	_ =	sdelay $0x1  }
0x2fc: {  	v3 =	vadd.f32 $-5.136388780e+00, v3;
	v2 =	vmul.f32 v2, v1;
	_ =	sdelay $0x1  }
0x2fd: {  	v3 =	vmul.f32 v3, v1;
	v2 =	vadd.f32 $-4.932735440e+00, v2;
	_ =	sdelay $0x1  }
0x2fe: {  	v1 =	vmul.f32 v2, v1;
	v2 =	vadd.f32 $3.139276980e+00, v3;
	_ =	sdelay $0x1  }
0x2ff: {  	v1 =	vadd.f32 $9.999589920e-01, v1;
	v0 =	vmul.f32 v2, v0;
	_ =	sdelay $0x1  }
0x300: {  	v1 =	vmul.f32 s6, v1;
	v0 =	vmul.f32 s6, v0;
	_ =	sdelay $0x1  }
0x301: {  	v0 =	vpack.i.f32.bf16 v0, v1  }
0x302: {  	s8 =	simm.s32 $0x0;
	s9 =	rddreg [dreg:$0x7];
	[tilespmem:s0+$0x0] =	vst v0  }
0x303: {  	[hbm4b:s9+s8] =	stream.linear.scatter [tilespmem:s31], [sflag:$0x3], $0x4000, $0x38;
	[tilespmem:$0x1C810] =	vst v63  }
0x304: {  	_ =	swait.ge [sflag:s21], $0x4000  }
0x305: {  	[sflag:s21] =	ssyncset.done $0x0  }
0x306: {  	[sflag:s21] =	ssyncadd.s32 $0xFFFFC000  }
0x307: {  	_ =	swait.ge [sflag:s19], $0x4000  }
0x308: {  	[sflag:s19] =	ssyncset.done $0x0  }
0x309: {  	s10 =	simm.s32 $0x10820;
	[sflag:s19] =	ssyncadd.s32 $0xFFFFC000  }
0x30a: {  	v0 =	vld [tilespmem:s10+$0xFFFFFFF0];
	_ =	sdelay $0x4  }
0x30b: {  	v0 =	vadd.f32 v0, v0;
	_ =	sdelay $0x1  }
0x30c: {  	v0 =	vmul.f32 $1.442695020e+00, v0;
	_ =	sdelay $0x1  }
0x30d: {  	(erf) = vpow2.f32 v0;
	_ =	sdelay $0x8  }
0x30e: {  	v0 =	vpop (erf)  }
0x30f: {  	v0 =	vadd.f32 $1.000000000e+00, v0;
	_ =	sdelay $0x1  }
0x310: {  	(erf) = vrcp.f32 v0;
	_ =	sdelay $0x7  }
0x311: {  	s0 =	sand.u32 $0x1FF, s8  }
0x312: {  	v0 =	vld [tilespmem:s0+$0xC600];
	v1 =	vpop (erf)  }
0x313: {  	v1 =	vadd.f32 v1, v1;
	_ =	sdelay $0x1  }
0x314: {  	v1 =	vsub.f32 $1.000000000e+00, v1;
	_ =	sdelay $0x1  }
0x315: {  	(v2sf) =	vpush v0, $0x0;
	v2 =	vmul.f32 v1, v1;
	_ =	sdelay $0x1  }
0x316: {  	v0 =	vmul.f32 $1.782067270e-01, v2;
	_ =	sdelay $0x1  }
0x317: {  	v3 =	vmul.f32 $4.377989770e-01, v2;
	v0 =	vadd.f32 $-1.287355420e+00, v0;
	_ =	sdelay $0x1  }
0x318: {  	v3 =	vsub.f32 $2.434666400e+00, v3;
	v0 =	vmul.f32 v0, v2;
	_ =	sdelay $0x1  }
0x319: {  	v3 =	vmul.f32 v3, v2;
	v0 =	vadd.f32 $4.041964530e+00, v0;
	_ =	sdelay $0x1  }
0x31a: {  	v3 =	vadd.f32 $-5.136388780e+00, v3;
	v0 =	vmul.f32 v0, v2;
	_ =	sdelay $0x1  }
0x31b: {  	v3 =	vmul.f32 v3, v2;
	v0 =	vadd.f32 $-4.932735440e+00, v0;
	_ =	sdelay $0x1  }
0x31c: {  	v0 =	vmul.f32 v0, v2;
	v2 =	vadd.f32 $3.139276980e+00, v3  }
0x31d: {  	s11 =	spop (v2sf)  }
0x31e: {  	s12 =	ssub.f32 $1.000000000e+00, s11;
	v0 =	vadd.f32 $9.999589920e-01, v0;
	v1 =	vmul.f32 v2, v1;
	_ =	sdelay $0x1  }
0x31f: {  	v0 =	vmul.f32 s12, v0;
	v1 =	vmul.f32 s12, v1;
	_ =	sdelay $0x1  }
0x320: {  	s0 =	simm.s32 $0x18820;
	v0 =	vpack.i.f32.bf16 v1, v0  }
0x321: {  	[tilespmem:s0+$0xFFFFFFF0] =	vst v0  }
0x322: {  	v0 =	vld [tilespmem:s10+$0x0];
	_ =	sdelay $0x4  }
0x323: {  	v0 =	vadd.f32 v0, v0;
	_ =	sdelay $0x1  }
0x324: {  	v0 =	vmul.f32 $1.442695020e+00, v0;
	_ =	sdelay $0x1  }
0x325: {  	(erf) = vpow2.f32 v0;
	_ =	sdelay $0x8  }
0x326: {  	v0 =	vpop (erf)  }
0x327: {  	v0 =	vadd.f32 $1.000000000e+00, v0;
	_ =	sdelay $0x1  }
0x328: {  	(erf) = vrcp.f32 v0;
	_ =	sdelay $0x8  }
0x329: {  	v0 =	vpop (erf)  }
0x32a: {  	v0 =	vadd.f32 v0, v0;
	_ =	sdelay $0x1  }
0x32b: {  	v0 =	vsub.f32 $1.000000000e+00, v0;
	_ =	sdelay $0x1  }
0x32c: {  	v1 =	vmul.f32 v0, v0;
	_ =	sdelay $0x1  }
0x32d: {  	v2 =	vmul.f32 $1.782067270e-01, v1;
	_ =	sdelay $0x1  }
0x32e: {  	v3 =	vmul.f32 $4.377989770e-01, v1;
	v2 =	vadd.f32 $-1.287355420e+00, v2;
	_ =	sdelay $0x1  }
0x32f: {  	v3 =	vsub.f32 $2.434666400e+00, v3;
	v2 =	vmul.f32 v2, v1;
	_ =	sdelay $0x1  }
0x330: {  	v3 =	vmul.f32 v3, v1;
	v2 =	vadd.f32 $4.041964530e+00, v2;
	_ =	sdelay $0x1  }
0x331: {  	v3 =	vadd.f32 $-5.136388780e+00, v3;
	v2 =	vmul.f32 v2, v1;
	_ =	sdelay $0x1  }
0x332: {  	v3 =	vmul.f32 v3, v1;
	v2 =	vadd.f32 $-4.932735440e+00, v2;
	_ =	sdelay $0x1  }
0x333: {  	v1 =	vmul.f32 v2, v1;
	v2 =	vadd.f32 $3.139276980e+00, v3;
	_ =	sdelay $0x1  }
0x334: {  	v1 =	vadd.f32 $9.999589920e-01, v1;
	v0 =	vmul.f32 v2, v0;
	_ =	sdelay $0x1  }
0x335: {  	v1 =	vmul.f32 s12, v1;
	v0 =	vmul.f32 s12, v0;
	_ =	sdelay $0x1  }
0x336: {  	v0 =	vpack.i.f32.bf16 v0, v1  }
0x337: {  	s28 =	simm.s32 $0x1;
	s1 =	simm.s32 $0x10840;
	[tilespmem:s0+$0x0] =	vst v0  }
0x338: {  	s7 =	sand.u32 $0x1FF, s28;
	s6 =	simm.s32 $0x2;
	v0 =	vld [tilespmem:s1+$0xFFFFFFF0]  }
.LBB2_14:
0x339: {  	p0 =	sne.s32 s6, $0x1FF;
	v1 =	vld [tilespmem:s7+$0xC600];
	_ =	sdelay $0x3  }
0x33a: {  	v0 =	vadd.f32 v0, v0;
	_ =	sdelay $0x1  }
0x33b: {  	v0 =	vmul.f32 $1.442695020e+00, v0;
	_ =	sdelay $0x1  }
0x33c: {  	(erf) = vpow2.f32 v0;
	_ =	sdelay $0x8  }
0x33d: {  	v0 =	vpop (erf)  }
0x33e: {  	v0 =	vadd.f32 $1.000000000e+00, v0;
	_ =	sdelay $0x1  }
0x33f: {  	(erf) = vrcp.f32 v0;
	_ =	sdelay $0x8  }
0x340: {  	v0 =	vpop (erf)  }
0x341: {  	v0 =	vadd.f32 v0, v0;
	_ =	sdelay $0x1  }
0x342: {  	v0 =	vsub.f32 $1.000000000e+00, v0;
	_ =	sdelay $0x1  }
0x343: {  	v2 =	vmul.f32 v0, v0;
	(v2sf) =	vpush v1, $0x0;
	_ =	sdelay $0x1  }
0x344: {  	v1 =	vmul.f32 $1.782067270e-01, v2;
	_ =	sdelay $0x1  }
0x345: {  	v3 =	vmul.f32 $4.377989770e-01, v2;
	v1 =	vadd.f32 $-1.287355420e+00, v1;
	_ =	sdelay $0x1  }
0x346: {  	v3 =	vsub.f32 $2.434666400e+00, v3;
	v1 =	vmul.f32 v1, v2;
	_ =	sdelay $0x1  }
0x347: {  	v3 =	vmul.f32 v3, v2;
	v1 =	vadd.f32 $4.041964530e+00, v1;
	_ =	sdelay $0x1  }
0x348: {  	v3 =	vadd.f32 $-5.136388780e+00, v3;
	v1 =	vmul.f32 v1, v2;
	_ =	sdelay $0x1  }
0x349: {  	v3 =	vmul.f32 v3, v2;
	v1 =	vadd.f32 $-4.932735440e+00, v1;
	_ =	sdelay $0x1  }
0x34a: {  	v1 =	vmul.f32 v1, v2;
	v2 =	vadd.f32 $3.139276980e+00, v3  }
0x34b: {  	s7 =	spop (v2sf)  }
0x34c: {  	s7 =	ssub.f32 $1.000000000e+00, s7;
	v1 =	vadd.f32 $9.999589920e-01, v1;
	v0 =	vmul.f32 v2, v0;
	_ =	sdelay $0x1  }
0x34d: {  	v1 =	vmul.f32 s7, v1;
	v0 =	vmul.f32 s7, v0;
	_ =	sdelay $0x1  }
0x34e: {  	s0 =	sadd.s32 $0x20, s0;
	v0 =	vpack.i.f32.bf16 v0, v1  }
0x34f: {  	[tilespmem:s0+$0xFFFFFFF0] =	vst v0  }
0x350: {  	v0 =	vld [tilespmem:s1+$0x0];
	_ =	sdelay $0x4  }
0x351: {  	v0 =	vadd.f32 v0, v0;
	_ =	sdelay $0x1  }
0x352: {  	v0 =	vmul.f32 $1.442695020e+00, v0;
	_ =	sdelay $0x1  }
0x353: {  	(erf) = vpow2.f32 v0;
	_ =	sdelay $0x8  }
0x354: {  	v0 =	vpop (erf)  }
0x355: {  	v0 =	vadd.f32 $1.000000000e+00, v0;
	_ =	sdelay $0x1  }
0x356: {  	(erf) = vrcp.f32 v0;
	_ =	sdelay $0x8  }
0x357: {  	v0 =	vpop (erf)  }
0x358: {  	v0 =	vadd.f32 v0, v0;
	_ =	sdelay $0x1  }
0x359: {  	v0 =	vsub.f32 $1.000000000e+00, v0;
	_ =	sdelay $0x1  }
0x35a: {  	v1 =	vmul.f32 v0, v0;
	_ =	sdelay $0x1  }
0x35b: {  	v2 =	vmul.f32 $1.782067270e-01, v1;
	_ =	sdelay $0x1  }
0x35c: {  	v3 =	vmul.f32 $4.377989770e-01, v1;
	v2 =	vadd.f32 $-1.287355420e+00, v2;
	_ =	sdelay $0x1  }
0x35d: {  	v3 =	vsub.f32 $2.434666400e+00, v3;
	v2 =	vmul.f32 v2, v1;
	_ =	sdelay $0x1  }
0x35e: {  	v3 =	vmul.f32 v3, v1;
	v2 =	vadd.f32 $4.041964530e+00, v2;
	_ =	sdelay $0x1  }
0x35f: {  	v3 =	vadd.f32 $-5.136388780e+00, v3;
	v2 =	vmul.f32 v2, v1;
	_ =	sdelay $0x1  }
0x360: {  	v3 =	vmul.f32 v3, v1;
	v2 =	vadd.f32 $-4.932735440e+00, v2;
	_ =	sdelay $0x1  }
0x361: {  	v1 =	vmul.f32 v2, v1;
	v2 =	vadd.f32 $3.139276980e+00, v3;
	_ =	sdelay $0x1  }
0x362: {  	v1 =	vadd.f32 $9.999589920e-01, v1;
	v0 =	vmul.f32 v2, v0;
	_ =	sdelay $0x1  }
.Ltmp6:
0x363: {  	v1 =	vmul.f32 s7, v1;
	v0 =	vmul.f32 s7, v0;
	(pc) =	sbr.rel @p0 .LBB2_14-.Ltmp6, $4  }
0x364: {  	_ = 	snop  }
0x365: {  	v0 =	vpack.i.f32.bf16 v0, v1  }
0x366: {  	s1 =	sadd.s32 $0x20, s1;
	[tilespmem:s0+$0x0] =	vst v0  }
0x367: {  	s7 =	sand.u32 $0x1FF, s6;
	s6 =	sadd.s32 $0x1, s6;
	v0 =	vld [tilespmem:s1+$0xFFFFFFF0]  }
0x368: {  	_ =	sdelay $0x3  }
0x369: {  	v0 =	vadd.f32 v0, v0;
	_ =	sdelay $0x1  }
0x36a: {  	v0 =	vmul.f32 $1.442695020e+00, v0;
	_ =	sdelay $0x1  }
0x36b: {  	(erf) = vpow2.f32 v0;
	_ =	sdelay $0x8  }
0x36c: {  	v0 =	vpop (erf)  }
0x36d: {  	v0 =	vadd.f32 $1.000000000e+00, v0;
	_ =	sdelay $0x1  }
0x36e: {  	(erf) = vrcp.f32 v0;
	_ =	sdelay $0x8  }
0x36f: {  	v57 =	vld [tilespmem:s7+$0xC600];
	v1 =	vpop (erf)  }
0x370: {  	v1 =	vadd.f32 v1, v1;
	_ =	sdelay $0x1  }
0x371: {  	v1 =	vsub.f32 $1.000000000e+00, v1;
	_ =	sdelay $0x1  }
0x372: {  	(v2sf) =	vpush v57, $0x0;
	v2 =	vmul.f32 v1, v1;
	_ =	sdelay $0x1  }
0x373: {  	v58 =	vmul.f32 $1.782067270e-01, v2;
	_ =	sdelay $0x1  }
0x374: {  	v3 =	vmul.f32 $4.377989770e-01, v2;
	v0 =	vadd.f32 $-1.287355420e+00, v58;
	_ =	sdelay $0x1  }
0x375: {  	v3 =	vsub.f32 $2.434666400e+00, v3;
	v0 =	vmul.f32 v0, v2;
	_ =	sdelay $0x1  }
0x376: {  	v3 =	vmul.f32 v3, v2;
	v0 =	vadd.f32 $4.041964530e+00, v0;
	_ =	sdelay $0x1  }
0x377: {  	v3 =	vadd.f32 $-5.136388780e+00, v3;
	v0 =	vmul.f32 v0, v2;
	_ =	sdelay $0x1  }
0x378: {  	v3 =	vmul.f32 v3, v2;
	v0 =	vadd.f32 $-4.932735440e+00, v0;
	_ =	sdelay $0x1  }
0x379: {  	v59 =	vadd.f32 $3.139276980e+00, v3;
	v0 =	vmul.f32 v0, v2  }
0x37a: {  	s6 =	spop (v2sf)  }
0x37b: {  	s6 =	ssub.f32 $1.000000000e+00, s6;
	v1 =	vmul.f32 v59, v1;
	v0 =	vadd.f32 $9.999589920e-01, v0;
	_ =	sdelay $0x1  }
0x37c: {  	v1 =	vmul.f32 s6, v1;
	v0 =	vmul.f32 s6, v0;
	_ =	sdelay $0x1  }
0x37d: {  	s0 =	sadd.s32 $0x20, s0;
	v0 =	vpack.i.f32.bf16 v1, v0  }
0x37e: {  	[tilespmem:s0+$0xFFFFFFF0] =	vst v0  }
0x37f: {  	v0 =	vld [tilespmem:s1+$0x0];
	_ =	sdelay $0x4  }
0x380: {  	v0 =	vadd.f32 v0, v0;
	_ =	sdelay $0x1  }
0x381: {  	v0 =	vmul.f32 $1.442695020e+00, v0;
	_ =	sdelay $0x1  }
0x382: {  	(erf) = vpow2.f32 v0;
	_ =	sdelay $0x8  }
0x383: {  	v0 =	vpop (erf)  }
0x384: {  	v0 =	vadd.f32 $1.000000000e+00, v0;
	_ =	sdelay $0x1  }
0x385: {  	(erf) = vrcp.f32 v0;
	_ =	sdelay $0x8  }
0x386: {  	v0 =	vpop (erf)  }
0x387: {  	v0 =	vadd.f32 v0, v0;
	_ =	sdelay $0x1  }
0x388: {  	v0 =	vsub.f32 $1.000000000e+00, v0;
	_ =	sdelay $0x1  }
0x389: {  	v60 =	vmul.f32 v0, v0;
	_ =	sdelay $0x1  }
0x38a: {  	v61 =	vmul.f32 $1.782067270e-01, v60;
	_ =	sdelay $0x1  }
0x38b: {  	v62 =	vmul.f32 $4.377989770e-01, v60;
	v2 =	vadd.f32 $-1.287355420e+00, v61;
	_ =	sdelay $0x1  }
0x38c: {  	v3 =	vsub.f32 $2.434666400e+00, v62;
	v2 =	vmul.f32 v2, v60;
	_ =	sdelay $0x1  }
0x38d: {  	v3 =	vmul.f32 v3, v60;
	v2 =	vadd.f32 $4.041964530e+00, v2;
	_ =	sdelay $0x1  }
0x38e: {  	v3 =	vadd.f32 $-5.136388780e+00, v3;
	v2 =	vmul.f32 v2, v60;
	_ =	sdelay $0x1  }
0x38f: {  	v3 =	vmul.f32 v3, v60;
	v2 =	vadd.f32 $-4.932735440e+00, v2;
	_ =	sdelay $0x1  }
0x390: {  	v63 =	vadd.f32 $3.139276980e+00, v3;
	v1 =	vmul.f32 v2, v60;
	_ =	sdelay $0x1  }
0x391: {  	v0 =	vmul.f32 v63, v0;
	v1 =	vadd.f32 $9.999589920e-01, v1;
	_ =	sdelay $0x1  }
0x392: {  	v0 =	vmul.f32 s6, v0;
	v1 =	vmul.f32 s6, v1;
	_ =	sdelay $0x1  }
0x393: {  	v0 =	vpack.i.f32.bf16 v0, v1  }
0x394: {  	s12 =	rddreg [dreg:$0x8];
	[tilespmem:s0+$0x0] =	vst v0  }
0x395: {  	[hbm4b:s12+s3] =	stream.linear.scatter [tilespmem:s23], [sflag:$0x4], $0x4000, $0x38;
	[tilespmem:$0x1C810] =	vst v63  }
0x396: {  	_ =	swait.ge [sflag:s17], $0x4000  }
0x397: {  	[sflag:s17] =	ssyncset.done $0x0  }
0x398: {  	[sflag:s17] =	ssyncadd.s32 $0xFFFFC000  }
0x399: {  	_ =	swait.ge [sflag:s19], $0x4000  }
0x39a: {  	s25 =	sadd.s32 $0x1, s25;
	s28 =	rddreg [dreg:$0x9]  }
0x39b: {  	p0 =	sne.s32 s25, s28  }
.Ltmp7:
0x39c: {  	_ = 	snop;
	(pc) =	sbr.rel @p0 .LBB2_1-.Ltmp7, $3  }
0x39d: {  	_ =	sdelay $0x1  }
0x39e: {  	[sflag:s19] =	ssyncset.done $0x0  }
0x39f: {  	[sflag:s19] =	ssyncadd.s32 $0xFFFFC000  }
0x3a0: {  	_ =	sfence.sel $0x180000  }
0x3a1: {  	[bflag:$0x0] =	sbarrier.arrive $0xFFFF  }
0x3a2: {  	_ =	strace $0x90000047  }
0x3a3: {  	s0 =	stileid.u32;
	[bflag:$0x2] =	sbarrier.arrive $0xFFFF  }
0x3a4: {  	p0 =	sne.s32 s0, $0x0;
	s0 =	rddreg [dreg:$0x2]  }
0x3a5: {  	s0 =	sadd.s32 @!p0 $0x100000, s0  }
0x3a6: {  	[sflag:s0] =	ssyncadd.tile.s32 @!p0 $0x1;
	_ =	shalt  }
.Lfunc_end2:
_tile_overlayer_lowered:
.L_overlay_start_2:
0x3a7: {  	(tag) =	ssettag $0x2  }
0x3a8: {  	s0 =	rddreg [dreg:$0x0];
	s2 =	stileid.u32  }
0x3a9: {  	s1 =	rddreg [dreg:$0x1];
	p0 =	sne.s32 s2, $0x0  }
0x3aa: {  	s3 =	rddreg [dreg:$0x2];
	[bflag:$0x3] =	sbarrier.arrive $0xFFFF;
	s2 =	simm.s32 @!p0 $0x1C05  }
0x3ab: {  	[timem:s3], [sflag:s2] =	dma.local @!p0 [hbm:s0], s1  }
0x3ac: {  	s0 =	simm.s32 @!p0 $0x5  }
0x3ad: {  	_ =	swait.ge @!p0 [sflag:s0], s1  }
0x3ae: {  	s1 =	ssub.s32 @!p0 $0x0, s1;
	[sflag:s0] =	ssyncset.done @!p0 $0x0  }
0x3af: {  	[sflag:s0] =	ssyncadd.s32 @!p0 s1  }
0x3b0: {  	[bflag:$0x3] =	sbarrier.arrive $0xFFFF  }
0x3b1: {  	_ =	shalt  }

// kernel: sparse-core-data-format-call.cloned.1.call-start
scs
called_computation_lowered:
.L_overlay_start_0:
0x0: {  	s2 =	sld [smem:$0x3FD9]  }
0x1: {  	s3 =	sld [smem:$0x3FFE];
	_ =	sdelay $0x1  }
0x2: {  	s1 =	srdreg.scid  }
0x3: {  	s0 =	sand.u32 $0x1, s1  }
0x4: {  	s18 =	sshll.u32 s0, $0xA;
	s2 =	sadd.s32 s3, s2  }
0x5: {  	s2 =	sadd.s32 s2, s18  }
0x6: {  	[smem:$0x3FC5] =	sst s2  }
0x7: {  	_ = 	snop  }
0x8: {  	s2 =	sld [smem:$0x3FD0];
	(tm) =	ssettm $0x1  }
0x9: {  	s19 =	sld [smem:$0x3FFB];
	_ =	sdelay $0x3  }
0xa: {  	_ =	strace s19  }
0xb: {  	s3 =	sld [smem:$0x3FFC];
	_ =	sdelay $0x3  }
0xc: {  	_ =	strace s3  }
0xd: {  	s3 =	sld [smem:$0x3FFD];
	_ =	sdelay $0x3  }
0xe: {  	_ =	strace s3  }
0xf: {  	_ =	strace $0x8FFFFFFF  }
0x10: {  	s20 =	sld [smem:$0x3FDB];
	_ =	sdelay $0x1  }
0x11: {  	s4 =	simm.s32 $_scs_section_size  }
0x12: {  	s5 =	simm.s32 $_size__tile_overlayer_lowered;
	s6 =	simm.s32 $_tile_overlayer_lowered  }
0x13: {  	s23 =	simm.s32 $0x1BFF;
	s22 =	sshll.u32 s6, $0x1;
	s3 =	sadd.s32 s4, s20  }
0x14: {  	s7 =	simm.s32 $0x0;
	s21 =	sshll.u32 s5, $0x1;
	s5 =	sadd.s32 s22, s3  }
0x15: {  	[timem:s7], [sflag:s23] =	dma.local [hbm:s5], s21  }
0x16: {  	_ =	swait.ge [sflag:s23], s21  }
0x17: {  	s4 =	ssub.s32 $0x0, s21;
	[sflag:s23] =	ssyncset.done $0x0  }
0x18: {  	[sflag:s23] =	ssyncadd.s32 s4;
	_ =	sdelay $0x1  }
0x19: {  	s24 =	simm.s32 $0x1B8B  }
0x1a: {  	_ =	swait.ge [sflag:s24], $0x1  }
0x1b: {  	[sflag:s24] =	ssyncset.done $0x0  }
0x1c: {  	s26 =	simm.s32 $0x1B8E;
	s25 =	sld [smem:$0x3FFE];
	[sflag:s24] =	ssyncadd.s32 $0xFFFFFFFF  }
0x1d: {  	s27 =	simm.s32 $execute0_lowered;
	[smem:$0x3FD2] =	sst s26  }
0x1e: {  	s5 =	sshll.u32 s27, $0x1;
	_ =	strace $0x80000049;
	[dreg:$0x1] =	wrdreg $0xFFFFFFFF  }
0x1f: {  	s28 =	simm.s32 $_size_execute0_lowered;
	s3 =	sadd.s32 s3, s5;
	[dreg:$0x0] =	wrdreg $0x0  }
0x20: {  	s5 =	sshll.u32 s28, $0x1;
	[dreg:$0x2] =	wrdreg s3  }
0x21: {  	[dreg:$0x3] =	wrdreg s5  }
0x22: {  	[dreg:$0x4] =	wrdreg $0xC0  }
0x23: {  	_ =	task [dreg:s7], $0x5FFFF  }
0x24: {  	[dreg:$0x1] =	wrdreg $0xFFFFFFFF  }
0x25: {  	[dreg:$0x0] =	wrdreg $0x60  }
0x26: {  	[dreg:$0x2] =	wrdreg s2  }
0x27: {  	[dreg:$0x3] =	wrdreg s25  }
0x28: {  	[dreg:$0x4] =	wrdreg $0x9  }
0x29: {  	_ =	task.clear_ibuf [dreg:s7], $0x5FFFF;
	_ =	strace $0x90000049  }
0x2a: {  	s29 =	simm.s32 $0x9;
	_ =	strace $0x8000004B  }
0x2b: {  	_ =	swait.ge [sflag:s29], $0x1  }
0x2c: {  	[sflag:s29] =	ssyncadd.s32 $0xFFFFFFFF  }
0x2d: {  	_ =	strace $0x9000004B  }
0x2e: {  	_ =	sfence  }
0x2f: {  	s30 =	sld [smem:$0x0];
	_ =	sdelay $0x2  }
0x30: {  	s31 =	sshll.u32 s1, $0xD;
	s1 =	sshrl.u32 s1, $0x2  }
0x31: {  	s3 =	sand.u32 $0x4000, s31;
	s1 =	sadd.s32 s1, s30  }
0x32: {  	s0 =	sor.u32 s3, s0;
	s1 =	sshll.u32 s1, $0x11  }
0x33: {  	s0 =	sor.u32 s1, s0  }
0x34: {  	s0 =	sadd.s32 $0x8F2B, s0  }
0x35: {  	[sflag:s0] =	ssyncadd.remote.s32 $0x1  }
0x36: {  	_ =	sfence.sel $0xFFFF  }
0x37: {  	[dreg:$0x0] =	wrdreg $0xFFFFFFFF;
	(pc) =	sbr.abs _section_cstart, $3  }
0x38: {  	[dreg:$0x1] =	wrdreg $0xFFFFFFFF  }
0x39: {  	_ =	task.clear_ibuf [dreg:s7], $0x2FFFF;
	_ =	strace $0x9FFFFFFF  }
0x3a: {  	(tm) =	ssettm $0x7FFFFFFF  }
0x3b: {  	_ =	shalt  }
tec
execute0_lowered:
.L_overlay_start_1:
0x0: {  	(tag) =	ssettag $0x1  }
0x1: {  	s0 =	srdreg.scid  }
0x2: {  	s1 =	sshll.u32 s0, $0x4  }
0x3: {  	s2 =	rddreg [dreg:$0x0];
	s0 =	stileid.u32;
	s1 =	sand.u32 $0x10, s1  }
0x4: {  	s4 =	rddreg [dreg:$0x1];
	s7 =	simm.s32 $0x1;
	s1 =	sor.u32 s0, s1  }
0x5: {  	s8 =	simm.s32 $0x2;
	s11 =	simm.s32 $0x0;
	s3 =	sshll.u32 s1, $0x7  }
0x6: {  	s10 =	simm.s32 $0x0;
	s4 =	sadd.s32 $0xE00, s4;
	s6 =	ssub.s32 $0xC8000, s3  }
.Ltmp0:
0x7: {  	s1 =	rddreg [dreg:$0x2];
	s5 =	sand.u32 $0xF80, s6;
	(pc) =	sbr.rel .LBB1_1-.Ltmp0, $4  }
0x8: {  	_ =	strace $0x8000004A;
	s9 =	smov.u32 s3;
	p0 =	sne.s32 s5, $0x0  }
0x9: {  	s6 =	sshrl.u32 s6, $0xC;
	s5 =	simm.s32 $0x1;
	s7 =	simm.s32 @!p0 $0x0  }
0xa: {  	[sflag:s5] =	ssyncpa.u1 $0x0;
	p0 =	por $0x0, $0x0;
	s6 =	sadd.s32 s7, s6  }
0xb: {  	[sflag:s8] =	ssyncpa.u1 $0x0;
	s8 =	simm.s32 $0x320000;
	s7 =	sadd.s32 $0x1, s6  }
.LBB1_4:
0xc: {  	s15 =	sshll.u32 s11, $0x3;
	s25 =	sshll.u32 s11, $0x1  }
0xd: {  	s16 =	sand.u32 $0xFFFFFC00, s15;
	s11 =	sand.u32 $0xFE, s25  }
0xe: {  	s11 =	sor.u32 s11, s16  }
0xf: {  	s17 =	smulhi.u32 $0x51EB851F, s11  }
0x10: {  	s26 =	sand.u32 $0x7C, s14;
	v2 =	vcombine.high v4, v2;
	[tilespmem:s13+$0x810 ss:$0x81] =	vst.msk $0xffff, v8;
	v3 =	vperm.xlane.i2c.b16 v3;
	s27 =	sand.u32 $0x80, s14;
	s15 =	smulhi.u32 $0x51EB851F, s15  }
0x11: {  	v1 =	vperm.xlane.i2c.b16 v1;
	[tilespmem:s13+$0x0 ss:$0x81] =	vst.msk $0xffff, v7;
	v60 =	vperm.xlane.i2c.b16 v6;
	s14 =	sshrl.u32 s27, $0x1;
	s16 =	sshrl.u32 s26, $0x1;
	s17 =	sshrl.u32 s17, $0x12  }
0x12: {  	[tilespmem:s13+$0x811 ss:$0x81] =	vst.msk $0xffff, v5;
	v61 =	vcombine.low v3, v0;
	s16 =	sadd.s32 s16, s12;
	s15 =	sshrl.u32 s15, $0x12;
	s17 =	smul.u32 $0xC8000, s17  }
0x13: {  	[tilespmem:s13+$0x1 ss:$0x81] =	vst.msk $0xffff, v2;
	v62 =	vcombine.low v60, v1;
	s28 =	sadd.s32 s14, s16;
	s29 =	sand.u32 $0x3F, s15  }
0x14: {  	v1 =	vcombine.high v60, v1;
	[tilespmem:s28+$0x810 ss:$0x81] =	vst.msk $0xffff, v61;
	s14 =	smul.u32 $0xC800, s29;
	s11 =	ssub.s32 s11, s17  }
0x15: {  	v63 =	vcombine.high v3, v0;
	[tilespmem:s28+$0x0 ss:$0x81] =	vst.msk $0xffff, v62;
	s30 =	sshll.u32 s11, $0x11  }
0x16: {  	[tilespmem:s28+$0x1 ss:$0x81] =	vst.msk $0xffff, v1;
	s14 =	sadd.s32 s4, s14;
	s11 =	sshrl.u32 s11, $0x4;
	s15 =	sand.u32 $0x1C0000, s30  }
0x17: {  	[tilespmem:s28+$0x811 ss:$0x81] =	vst.msk $0xffff, v63;
	s11 =	sadd.s32 s11, s14;
	s31 =	sor.u32 $0x200, s15  }
0x18: {  	[hbm4b:s11+s31] =	stream.strided.scatter [tilespmem:s12], [sflag:$0x2], $0x1000, s8, s31, $0x20;
	[tilespmem:$0x4040] =	vst v63  }
.LBB1_5:
0x19: {  	s13 =	sadd.s32 $0x1000, s9  }
0x1a: {  	p2 =	sgt.s32 s13, $0xC7FFF  }
0x1b: {  	s13 =	smov.u32 @p2 s3;
	p2 =	sne.s32 s10, s7  }
.Ltmp1:
0x1c: {  	p1 =	slt.u32 s10, $0x2;
	(pc) =	sbr.rel @!p2 .LBB1_6-.Ltmp1, $4  }
0x1d: {  	s12 =	simm.s32 @!p1 $0x2  }
0x1e: {  	s14 =	sadd.s32 $0x1, s10;
	_ =	swait.ge @!p1 [sflag:s12], $0x1000  }
0x1f: {  	s11 =	smov.u32 s9;
	p0 =	por !p0, !p0;
	[sflag:s12] =	ssyncset.done @!p1 $0x0  }
0x20: {  	s10 =	smov.u32 s14;
	s9 =	smov.u32 s13;
	[sflag:s12] =	ssyncadd.s32 @!p1 $0xFFFFF000  }
.LBB1_1:
0x21: {  	p1 =	sge.u32 s10, s6  }
0x22: {  	s12 =	sand.u32 @!p1 $0x1FFFFFE, s9  }
0x23: {  	s13 =	smulhi.u32 @!p1 $0x147AE15, s12;
	_ =	sdelay $0x1  }
0x24: {  	s13 =	sshrl.u32 @!p1 s13, $0xC  }
0x25: {  	s13 =	smul.u32 @!p1 $0xC8000, s13;
	_ =	sdelay $0x1  }
0x26: {  	s31 =	sadd.s32 $0xFFFFFFFF, s10;
	s12 =	ssub.s32 @!p1 s12, s13;
	s13 =	sxor.u32 @!p1 $0xFFFFFFFF, s10  }
0x27: {  	s14 =	simm.s32 @!p1 $0x40;
	s12 =	sshll.u32 @!p1 s12, $0x3;
	s13 =	sshll.u32 @!p1 s13, $0xC  }
0x28: {  	s15 =	simm.s32 @!p1 $0x80;
	s12 =	sadd.s32 @!p1 s2, s12;
	s13 =	sand.u32 @!p1 $0x1000, s13  }
0x29: {  	[tilespmem:s13], [sflag:$0x1] =	stream.strided.gather @!p1 [hbm4b:s12+s14], $0x1000, s15, s14, $0x38;
	[tilespmem:$0x4040] =	vst v63  }
0x2a: {  	p1 =	sge.u32 s31, s6  }
.Ltmp2:
0x2b: {  	_ = 	snop;
	(pc) =	sbr.rel @p1 .LBB1_5-.Ltmp2, $1  }
0x2c: {  	_ =	sdelay $0x3  }
0x2d: {  	s12 =	simm.s32 $0x1  }
0x2e: {  	_ =	swait.ge [sflag:s5], $0x1000;
	s12 =	simm.s32 @!p0 $0x0  }
0x2f: {  	[sflag:s5] =	ssyncset.done $0x0;
	s12 =	sshll.u32 s12, $0xC  }
0x30: {  	[sflag:s5] =	ssyncadd.s32 $0xFFFFF000;
	s12 =	sor.u32 $0x20, s12  }
0x31: {  	v0 =	vld [tilespmem:s12+$0x10]  }
0x32: {  	v1 =	vld [tilespmem:s12+$0xFFFFFFF0]  }
0x33: {  	v4 =	vld [tilespmem:s12+$0xFFFFFFE0]  }
0x34: {  	v3 =	vld [tilespmem:s12+$0x0];
	s14 =	sadd.s32 $0x40, s12  }
0x35: {  	s13 =	sand.u32 $0x1, s10;
	v5 =	vld [tilespmem:s14+$0x10]  }
0x36: {  	s30 =	smul.u32 $0x4080, s13  }
0x37: {  	s31 =	simm.s32 $0x0  }
0x38: {  	s15 =	sand.u32 $0x7C, s31;
	s12 =	sshrl.u32 s30, $0x2;
	v6 =	vld [tilespmem:s14+$0xFFFFFFE0];
	v2 =	vperm.xlane.i2c.b16 v1;
	v4 =	vperm.xlane.i2c.b16 v4  }
0x39: {  	s13 =	sand.u32 $0x80, s31;
	s16 =	sshrl.u32 s15, $0x1;
	s12 =	sor.u32 $0x2000, s12;
	v9 =	vperm.xlane.i2c.b16 v0;
	v10 =	vperm.xlane.i2c.b16 v3;
	v1 =	vld [tilespmem:s14+$0xFFFFFFF0]  }
0x3a: {  	s15 =	simm.s32 $0x2;
	s13 =	sshrl.u32 s13, $0x1;
	s17 =	sadd.s32 s16, s12;
	v3 =	vld [tilespmem:s14+$0x0];
	v0 =	vperm.xlane.i2c.b16 v5;
	v7 =	vcombine.low v4, v2  }
0x3b: {  	s16 =	sadd.s32 $0x40, s14;
	s13 =	sadd.s32 s13, s17;
	s14 =	simm.s32 $0x4;
	v8 =	vcombine.low v10, v9;
	v5 =	vcombine.high v10, v9  }
.LBB1_3:
0x3c: {  	s15 =	sadd.s32 $0x2, s15  }
0x3d: {  	v9 =	vld [tilespmem:s16+$0x10];
	v10 =	vcombine.high v4, v2;
	[tilespmem:s13+$0x810 ss:$0x81] =	vst.msk $0xffff, v8;
	p1 =	slt.u32 s15, $0x7E  }
.Ltmp3:
0x3e: {  	v2 =	vperm.xlane.i2c.b16 v1;
	v1 =	vld [tilespmem:s16+$0xFFFFFFF0];
	[tilespmem:s13+$0x0 ss:$0x81] =	vst.msk $0xffff, v7;
	(pc) =	sbr.rel @p1 .LBB1_3-.Ltmp3, $4  }
0x3f: {  	s17 =	sand.u32 $0x7C, s14;
	v4 =	vperm.xlane.i2c.b16 v6;
	v11 =	vperm.xlane.i2c.b16 v3;
	v3 =	vld [tilespmem:s16+$0x0];
	[tilespmem:s13+$0x1 ss:$0x81] =	vst.msk $0xffff, v10  }
0x40: {  	s18 =	sand.u32 $0x80, s14;
	s17 =	sshrl.u32 s17, $0x1;
	v6 =	vld [tilespmem:s16+$0xFFFFFFE0];
	[tilespmem:s13+$0x811 ss:$0x81] =	vst.msk $0xffff, v5  }
0x41: {  	v7 =	vcombine.low v4, v2;
	v8 =	vcombine.low v11, v0;
	s13 =	sadd.s32 s17, s12;
	s17 =	sshrl.u32 s18, $0x1  }
0x42: {  	s14 =	sadd.s32 $0x4, s14;
	s16 =	sadd.s32 $0x40, s16;
	v5 =	vcombine.high v11, v0;
	s13 =	sadd.s32 s17, s13;
	v0 =	vperm.xlane.i2c.b16 v9  }
.Ltmp4:
0x43: {  	_ = 	snop;
	(pc) =	sbr.rel .LBB1_4-.Ltmp4, $1  }
0x44: {  	_ =	sdelay $0x3  }
.LBB1_6:
0x45: {  	_ =	sfence.sel $0x180000  }
0x46: {  	s2 =	simm.s32 $0x1;
	[bflag:$0x0] =	sbarrier.arrive $0xFFFF  }
0x47: {  	s31 =	simm.s32 $0x2;
	[sflag:s2] =	ssyncpa.u1 $0x1  }
0x48: {  	[sflag:s31] =	ssyncpa.u1 $0x1  }
0x49: {  	p0 =	sne.s32 s0, $0x0;
	_ =	strace $0x9000004A  }
0x4a: {  	s0 =	sadd.s32 @!p0 $0x100000, s1;
	[bflag:$0x2] =	sbarrier.arrive $0xFFFF  }
0x4b: {  	[sflag:s0] =	ssyncadd.tile.s32 @!p0 $0x1;
	_ =	shalt  }
.Lfunc_end1:
_tile_overlayer_lowered:
.L_overlay_start_2:
0x4c: {  	(tag) =	ssettag $0x2  }
0x4d: {  	s0 =	rddreg [dreg:$0x0];
	s2 =	stileid.u32  }
0x4e: {  	s1 =	rddreg [dreg:$0x1];
	p0 =	sne.s32 s2, $0x0  }
0x4f: {  	s3 =	rddreg [dreg:$0x2];
	[bflag:$0x3] =	sbarrier.arrive $0xFFFF;
	s2 =	simm.s32 @!p0 $0x1C01  }
0x50: {  	[timem:s3], [sflag:s2] =	dma.local @!p0 [hbm:s0], s1  }
0x51: {  	s0 =	simm.s32 @!p0 $0x1  }
0x52: {  	_ =	swait.ge @!p0 [sflag:s0], s1  }
0x53: {  	s1 =	ssub.s32 @!p0 $0x0, s1;
	[sflag:s0] =	ssyncset.done @!p0 $0x0  }
0x54: {  	[sflag:s0] =	ssyncadd.s32 @!p0 s1  }
0x55: {  	[bflag:$0x3] =	sbarrier.arrive $0xFFFF  }
0x56: {  	_ =	shalt  }

</sc_bundles>
